<compile_context>
chip_gen: v7x
topology: tpu7x:2x2x1
jax: 0.10.2.dev20260603
libtpu: 0.0.44.dev20260713+nightly
codegen_flags: <defaults>
</compile_context>

<pallas_src>
import functools

import jax
import jax.numpy as jnp
from jax import lax
from jax.experimental import pallas as pl
from jax.experimental.pallas import tpu as pltpu
from jax.experimental.pallas import tpu_sc as plsc

NN = 10000
EE = 320000
PP = 100000

NC = 2
NS = 16
NW = NC * NS

E_PER_W = EE // NW
CHUNK = 80
N_CHUNKS = E_PER_W // CHUNK
R_MAIN = 632
R_LAST = NN - (NS - 1) * R_MAIN

@functools.cache
def _get_mesh():
    return plsc.VectorSubcoreMesh(
        core_axis_name="c", subcore_axis_name="s", num_cores=NC, num_subcores=NS
    )


NB = 5
GROUPS = N_CHUNKS // NB


@functools.cache
def _get_deg_kernel():
    return functools.partial(
        pl.kernel,
        out_type=jax.ShapeDtypeStruct((NC, NN, 16), jnp.float32),
        mesh=_get_mesh(),
        scratch_types=[
            pltpu.VMEM_SHARED((NN, 16), jnp.float32),
            pltpu.VMEM((R_MAIN, 16), jnp.float32),
            pltpu.VMEM((CHUNK, 16), jnp.float32),
            pltpu.VMEM((N_CHUNKS, CHUNK), jnp.int32),
            pltpu.SemaphoreType.DMA,
        ],
        compiler_params=pltpu.CompilerParams(use_tc_tiling_on_sc=False),
    )(_deg_body)


def _deg_body(dst_hbm, out_hbm, deg_sp, zbuf, ones, didx, sem):
    cid = lax.axis_index("c")
    sid = lax.axis_index("s")
    wid = cid * NS + sid

    z16 = jnp.zeros((16,), jnp.float32)
    o16 = jnp.ones((16,), jnp.float32)

    def fill_z(i, _):
        zbuf[i, :] = z16
        return 0

    lax.fori_loop(0, R_MAIN, fill_z, 0)

    def fill_o(i, _):
        ones[i, :] = o16
        return 0

    lax.fori_loop(0, CHUNK, fill_o, 0)

    pltpu.sync_copy(dst_hbm.at[wid], didx)

    @pl.when(sid < NS - 1)
    def _zmain():
        pltpu.sync_copy(zbuf, deg_sp.at[pl.ds(sid * R_MAIN, R_MAIN)])

    @pl.when(sid == NS - 1)
    def _zlast():
        pltpu.sync_copy(
            zbuf.at[pl.ds(0, R_LAST)],
            deg_sp.at[pl.ds((NS - 1) * R_MAIN, R_LAST)],
        )

    plsc.subcore_barrier()

    def step(g, _):
        for b in range(NB):
            pltpu.async_copy(ones, deg_sp.at[didx.at[g * NB + b]], sem, add=True)
        for b in range(NB):
            pltpu.make_async_copy(ones, deg_sp.at[didx.at[g * NB + b]], sem).wait()
        return 0

    lax.fori_loop(0, GROUPS, step, 0)

    plsc.subcore_barrier()

    @pl.when(sid < NS - 1)
    def _omain():
        pltpu.sync_copy(
            deg_sp.at[pl.ds(sid * R_MAIN, R_MAIN)],
            out_hbm.at[cid, pl.ds(sid * R_MAIN, R_MAIN)],
        )

    @pl.when(sid == NS - 1)
    def _olast():
        pltpu.sync_copy(
            deg_sp.at[pl.ds((NS - 1) * R_MAIN, R_LAST)],
            out_hbm.at[cid, pl.ds((NS - 1) * R_MAIN, R_LAST)],
        )


NB_AGG = 5
GROUPS_AGG = N_CHUNKS // NB_AGG


@functools.cache
def _make_agg(D):
    def agg(src_hbm, dst_hbm, tab_hbm, out_hbm, acc_sp, zbuf, sidx, didx,
            *rest):
        bufs = list(rest[:NB_AGG])
        gsem = list(rest[NB_AGG + 1:2 * NB_AGG + 1])
        ssem = list(rest[2 * NB_AGG + 1:])
        psem = rest[NB_AGG]
        cid = lax.axis_index("c")
        sid = lax.axis_index("s")
        wid = cid * NS + sid

        z16 = jnp.zeros((16,), jnp.float32)

        pi = pltpu.async_copy(src_hbm.at[wid], sidx, gsem[0])
        pj = pltpu.async_copy(dst_hbm.at[wid], didx, gsem[1])

        def fill_z(i, _):
            for j in range(D // 16):
                zbuf[i, pl.ds(j * 16, 16)] = z16
            return 0

        lax.fori_loop(0, R_MAIN, fill_z, 0)

        @pl.when(sid < NS - 1)
        def _zmain():
            pltpu.async_copy(zbuf, acc_sp.at[pl.ds(sid * R_MAIN, R_MAIN)], psem)

        @pl.when(sid == NS - 1)
        def _zlast():
            pltpu.async_copy(
                zbuf.at[pl.ds(0, R_LAST)],
                acc_sp.at[pl.ds((NS - 1) * R_MAIN, R_LAST)],
                psem,
            )

        pi.wait()
        pj.wait()

        @pl.when(sid < NS - 1)
        def _zmainw():
            pltpu.make_async_copy(
                zbuf, acc_sp.at[pl.ds(sid * R_MAIN, R_MAIN)], psem
            ).wait()

        @pl.when(sid == NS - 1)
        def _zlastw():
            pltpu.make_async_copy(
                zbuf.at[pl.ds(0, R_LAST)],
                acc_sp.at[pl.ds((NS - 1) * R_MAIN, R_LAST)],
                psem,
            ).wait()

        plsc.subcore_barrier()

        for b in range(NB_AGG):
            pltpu.async_copy(tab_hbm.at[sidx.at[b]], bufs[b], gsem[b])

        def step(g, _):
            base = g * NB_AGG
            for b in range(NB_AGG):
                k = base + b
                pltpu.make_async_copy(tab_hbm.at[sidx.at[k]], bufs[b], gsem[b]).wait()
                pltpu.async_copy(bufs[b], acc_sp.at[didx.at[k]], ssem[b], add=True)
            for b in range(NB_AGG):
                k = base + b
                pltpu.make_async_copy(bufs[b], acc_sp.at[didx.at[k]], ssem[b]).wait()

                def refill(b=b, k=k):
                    pltpu.async_copy(
                        tab_hbm.at[sidx.at[k + NB_AGG]], bufs[b], gsem[b]
                    )

                pl.when(g < GROUPS_AGG - 1)(refill)
            return 0

        lax.fori_loop(0, GROUPS_AGG, step, 0)

        plsc.subcore_barrier()

        @pl.when(sid < NS - 1)
        def _omain():
            pltpu.sync_copy(
                acc_sp.at[pl.ds(sid * R_MAIN, R_MAIN)],
                out_hbm.at[cid, pl.ds(sid * R_MAIN, R_MAIN)],
            )

        @pl.when(sid == NS - 1)
        def _olast():
            pltpu.sync_copy(
                acc_sp.at[pl.ds((NS - 1) * R_MAIN, R_LAST)],
                out_hbm.at[cid, pl.ds((NS - 1) * R_MAIN, R_LAST)],
            )

    return functools.partial(
        pl.kernel,
        out_type=jax.ShapeDtypeStruct((NC, NN, D), jnp.float32),
        mesh=_get_mesh(),
        scratch_types=(
            [
                pltpu.VMEM_SHARED((NN, D), jnp.float32),
                pltpu.VMEM((R_MAIN, D), jnp.float32),
                pltpu.VMEM((N_CHUNKS, CHUNK), jnp.int32),
                pltpu.VMEM((N_CHUNKS, CHUNK), jnp.int32),
            ]
            + [pltpu.VMEM((CHUNK, D), jnp.float32) for _ in range(NB_AGG)]
            + [pltpu.SemaphoreType.DMA for _ in range(2 * NB_AGG + 1)]
        ),
        compiler_params=pltpu.CompilerParams(use_tc_tiling_on_sc=False),
    )(agg)


PAIR_SPAN = 3200
PP_PAD = NW * PAIR_SPAN
PAIR_VREGS = PAIR_SPAN // 16


@functools.cache
def _get_pair_kernel():
    return functools.partial(
        pl.kernel,
        out_type=jax.ShapeDtypeStruct((NW, PAIR_SPAN), jnp.float32),
        mesh=_get_mesh(),
        scratch_types=[
            pltpu.VMEM((NN, 2), jnp.float32),
            pltpu.VMEM((PAIR_SPAN,), jnp.int32),
            pltpu.VMEM((PAIR_SPAN,), jnp.int32),
            pltpu.VMEM((PAIR_SPAN,), jnp.float32),
        ],
        compiler_params=pltpu.CompilerParams(
            use_tc_tiling_on_sc=False, needs_layout_passes=False
        ),
    )(_pair_body)


def _pair_body(ab_hbm, i0_hbm, i1_hbm, out_hbm, tab, b0, b1v, ob):
    cid = lax.axis_index("c")
    sid = lax.axis_index("s")
    wid = cid * NS + sid

    pltpu.sync_copy(ab_hbm, tab)
    pltpu.sync_copy(i0_hbm.at[wid], b0)
    pltpu.sync_copy(i1_hbm.at[wid], b1v)

    zi = jnp.zeros((16,), jnp.int32)
    oi = jnp.ones((16,), jnp.int32)

    def step(q, _):
        for j in range(8):
            off = (q * 8 + j) * 16
            ia = b0[pl.ds(off, 16)]
            ib = b1v[pl.ds(off, 16)]
            a = plsc.load_gather(tab, [ia, zi])
            b = plsc.load_gather(tab, [ib, oi])
            s = 1.0 / (1.0 + jnp.exp(-(a + b)))
            ob[pl.ds(off, 16)] = s
        return 0

    lax.fori_loop(0, PAIR_VREGS // 8, step, 0)
    pltpu.sync_copy(ob, out_hbm.at[wid])


BM = 400
GM = NN // BM


def _mm1_body(x_ref, w_ref, xw_ref):
    xw_ref[...] = jnp.dot(x_ref[...], w_ref[...], preferred_element_type=jnp.float32)


_mm1 = pl.pallas_call(
    _mm1_body,
    grid=(GM,),
    in_specs=[
        pl.BlockSpec((BM, NN), lambda i: (i, 0)),
        pl.BlockSpec((NN, 32), lambda i: (0, 0)),
    ],
    out_specs=pl.BlockSpec((BM, 32), lambda i: (i, 0)),
    out_shape=jax.ShapeDtypeStruct((NN, 32), jnp.float32),
)


def _scale_body(cnt_ref, xw_ref, xs_ref, dis_ref):
    cnt = cnt_ref[0, :, 0:1] + cnt_ref[1, :, 0:1] + 1.0
    dis = lax.rsqrt(cnt)
    xs_ref[...] = xw_ref[...] * dis
    dis_ref[...] = dis


_scale = pl.pallas_call(
    _scale_body,
    out_shape=[
        jax.ShapeDtypeStruct((NN, 32), jnp.float32),
        jax.ShapeDtypeStruct((NN, 1), jnp.float32),
    ],
)


def _mid_body(ap_ref, xs_ref, dis_ref, b1_ref, w2_ref, ys_ref):
    dis = dis_ref[...]
    h1 = jnp.maximum(
        dis * (ap_ref[0] + ap_ref[1] + xs_ref[...]) + b1_ref[...], 0.0
    )
    ys_ref[...] = jnp.dot(h1, w2_ref[...], preferred_element_type=jnp.float32) * dis


_mid = pl.pallas_call(
    _mid_body,
    out_shape=jax.ShapeDtypeStruct((NN, 16), jnp.float32),
)


def _head_body(ap_ref, ys_ref, dis_ref, b2_ref, wu_ref, bv_ref, ab_ref):
    dis = dis_ref[...]
    h2 = dis * (ap_ref[0] + ap_ref[1] + ys_ref[...]) + b2_ref[...]
    ab_ref[...] = (
        jnp.dot(h2, wu_ref[...], preferred_element_type=jnp.float32) + bv_ref[...]
    )


_head = pl.pallas_call(
    _head_body,
    out_shape=jax.ShapeDtypeStruct((NN, 2), jnp.float32),
)


def kernel(x, edge_index, pair_index, W1, b1, W2, b2, Wfc, bfc):
    src3 = edge_index[0].reshape(NW, N_CHUNKS, CHUNK)
    dst3 = edge_index[1].reshape(NW, N_CHUNKS, CHUNK)
    pad = (0, PP_PAD - PP)
    i0 = jnp.pad(pair_index[:, 0], pad).reshape(NW, PAIR_SPAN)
    i1 = jnp.pad(pair_index[:, 1], pad).reshape(NW, PAIR_SPAN)

    cnt16 = _get_deg_kernel()(dst3)
    xw = _mm1(x, W1)
    xs, dis = _scale(cnt16, xw)
    accp = _make_agg(32)(src3, dst3, xs)
    ys = _mid(accp, xs, dis, b1.reshape(1, 32), W2)
    acc2p = _make_agg(16)(src3, dst3, ys)

    wu = jnp.concatenate([Wfc[:16], Wfc[16:]], axis=1)
    bv = jnp.stack([bfc[0], jnp.zeros((), jnp.float32)]).reshape(1, 2)
    ab = _head(acc2p, ys, dis, b2.reshape(1, 16), wu, bv)

    out = _get_pair_kernel()(ab, i0, i1)
    return out.reshape(PP_PAD)[:PP].reshape(PP, 1)

# --- scband reference (transcript-rebuilt; emitter-appended) ---
"""Pipeline reference for scband-gnn-62182536511521 (READ-ONLY COPY).

The authoritative reference and input builder live on the scoring server;
editing this copy changes nothing except your own understanding.
"""

import jax, jax.numpy as jnp
import numpy as np

N = 10000
E = 320000
P = 100000


def gcn_conv(x, edge_index, W, b, num_nodes):
    # Faithful PyG GCNConv: add self-loops, symmetric degree normalization,
    # linear transform, scatter-add aggregation, bias.
    src = edge_index[0]
    dst = edge_index[1]
    loop = jnp.arange(num_nodes, dtype=src.dtype)
    src = jnp.concatenate([src, loop])
    dst = jnp.concatenate([dst, loop])
    deg = jnp.zeros((num_nodes,), dtype=x.dtype).at[dst].add(1.0)
    deg_inv_sqrt = jnp.where(deg > 0, jax.lax.rsqrt(deg), 0.0)
    norm = deg_inv_sqrt[src] * deg_inv_sqrt[dst]
    h = x @ W
    msg = h[src] * norm[:, None]
    out = jnp.zeros((num_nodes, W.shape[1]), dtype=x.dtype).at[dst].add(msg)
    return out + b


def setup_inputs(seed: int = 0):
    key = jax.random.key(seed)
    ks = jax.random.split(key, 9)
    x = jax.random.uniform(ks[0], (N, N), dtype=jnp.float32)
    edge_index = jax.random.randint(ks[1], (2, E), 0, N, dtype=jnp.int32)
    pair_index = jax.random.randint(ks[2], (P, 2), 0, N, dtype=jnp.int32)
    W1 = jax.random.normal(ks[3], (N, 32), dtype=jnp.float32) * 0.01
    b1 = jnp.zeros((32,), dtype=jnp.float32)
    W2 = jax.random.normal(ks[4], (32, 16), dtype=jnp.float32) * 0.25
    b2 = jnp.zeros((16,), dtype=jnp.float32)
    Wfc = jax.random.normal(ks[5], (32, 1), dtype=jnp.float32) * 0.18
    bfc = jnp.zeros((1,), dtype=jnp.float32)
    return {"x": x, "edge_index": edge_index, "pair_index": pair_index,
            "W1": W1, "b1": b1, "W2": W2, "b2": b2, "Wfc": Wfc, "bfc": bfc}


def reference(x, edge_index, pair_index, W1, b1, W2, b2, Wfc, bfc):
    h = gcn_conv(x, edge_index, W1, b1, N)
    h = jax.nn.relu(h)
    h = gcn_conv(h, edge_index, W2, b2, N)
    d1 = h[pair_index[:, 0]]
    d2 = h[pair_index[:, 1]]
    pair = jnp.concatenate([d1, d2], axis=1)
    out = jax.nn.sigmoid(pair @ Wfc + bfc)
    return out

if __name__ == "__main__":
    import jax
    _d = setup_inputs()
    print(jax.jit(kernel)(*tuple(_d.values())))

</pallas_src>

<mosaic_0001>
#map = affine_map<(d0, d1) -> (0, 0, 0)>
module attributes {stable_mosaic.version = 14 : i64} {
  func.func @_deg_body(%arg0: i32, %arg1: i32, %arg2: memref<32x125x80xi32, #tpu.memory_space<hbm>>, %arg3: memref<2x10000x16xf32, #tpu.memory_space<hbm>>, %arg4: memref<10000x16xf32, #tpu.memory_space<vmem_shared>>, %arg5: memref<632x16xf32, #tpu.memory_space<vmem>>, %arg6: memref<80x16xf32, #tpu.memory_space<vmem>>, %arg7: memref<125x80xi32, #tpu.memory_space<vmem>>, %arg8: memref<!tpu.dma_semaphore, #tpu.memory_space<semaphore_mem>>) attributes {dimension_semantics = [#tpu.dimension_semantics<core_parallel>, #tpu.dimension_semantics<subcore_parallel>], iteration_bounds = array<i64: 2, 16>, scalar_prefetch = 0 : i64, scratch_operands = 5 : i64, tpu.core_type = #tpu.core_type<sc_vector_subcore>, window_params = [{transform_indices = #map}, {transform_indices = #map}]} {
    %mul3A = arith.constant 16 : i32
    %mul3A_0 = arith.muli %arg0, %mul3A : i32
    %add3A = arith.addi %mul3A_0, %arg1 : i32
    %broadcast_in_dim3A = arith.constant 0.000000e+00 : f32
    %broadcast_in_dim3A_1 = vector.broadcast %broadcast_in_dim3A : f32 to vector<16xf32>
    %broadcast_in_dim3A_2 = arith.constant 1.000000e+00 : f32
    %broadcast_in_dim3A_3 = vector.broadcast %broadcast_in_dim3A_2 : f32 to vector<16xf32>
    %scan3A = arith.constant 0 : i32
    %scan3A_4 = arith.constant 0 : i32
    %scan3A_5 = arith.constant 632 : i32
    %scan3A_6 = arith.addi %scan3A_4, %scan3A_5 : i32
    %scan3A_7 = arith.constant 1 : i32
    %scan3A_8 = scf.for %scan3A_41 = %scan3A_4 to %scan3A_6 step %scan3A_7 iter_args(%scan3A_42 = %scan3A) -> (i32)  : i32 {
      %swap3A = arith.index_cast %scan3A_41 : i32 to index
      %swap3A_43 = arith.constant 0 : index
      %swap3A_44 = tpu.vector_load %arg5[%swap3A, %swap3A_43] {strides = array<i32>} : memref<632x16xf32, #tpu.memory_space<vmem>>, vector<1x16xf32>,
      %swap3A_45 = vector.shape_cast %swap3A_44 : vector<1x16xf32> to vector<16xf32>
      %swap3A_46 = vector.shape_cast %broadcast_in_dim3A_1 : vector<16xf32> to vector<1x16xf32>
      tpu.vector_store %arg5[%swap3A, %swap3A_43], %swap3A_46 {strides = array<i32>} : memref<632x16xf32, #tpu.memory_space<vmem>>, vector<1x16xf32>,
      %scan3A_47 = arith.constant 0 : i32
      scf.yield %scan3A_47 : i32
    }
    %scan3A_9 = arith.constant 632 : i32
    %scan3A_10 = arith.constant 0 : i32
    %scan3A_11 = arith.constant 0 : i32
    %scan3A_12 = arith.constant 80 : i32
    %scan3A_13 = arith.addi %scan3A_11, %scan3A_12 : i32
    %scan3A_14 = arith.constant 1 : i32
    %scan3A_15 = scf.for %scan3A_41 = %scan3A_11 to %scan3A_13 step %scan3A_14 iter_args(%scan3A_42 = %scan3A_10) -> (i32)  : i32 {
      %swap3A = arith.index_cast %scan3A_41 : i32 to index
      %swap3A_43 = arith.constant 0 : index
      %swap3A_44 = tpu.vector_load %arg6[%swap3A, %swap3A_43] {strides = array<i32>} : memref<80x16xf32, #tpu.memory_space<vmem>>, vector<1x16xf32>,
      %swap3A_45 = vector.shape_cast %swap3A_44 : vector<1x16xf32> to vector<16xf32>
      %swap3A_46 = vector.shape_cast %broadcast_in_dim3A_3 : vector<16xf32> to vector<1x16xf32>
      tpu.vector_store %arg6[%swap3A, %swap3A_43], %swap3A_46 {strides = array<i32>} : memref<80x16xf32, #tpu.memory_space<vmem>>, vector<1x16xf32>,
      %scan3A_47 = arith.constant 0 : i32
      scf.yield %scan3A_47 : i32
    }
    %scan3A_16 = arith.constant 80 : i32
    "tpu.region"() ({
      %run_scoped3A = tpu.sem_alloc : memref<!tpu.dma_semaphore, #tpu.memory_space<semaphore_mem>>
      %dma_start3A = arith.constant 0 : i32
      %dma_start3A_41 = arith.constant 0 : i32
      %dma_start3A_42 = tpu.memref_slice %arg2[%add3A, %dma_start3A, %dma_start3A_41] : memref<32x125x80xi32, #tpu.memory_space<hbm>> -> memref<1x125x80xi32, #tpu.memory_space<hbm>>
      %dma_start3A_43 = tpu.memref_squeeze %dma_start3A_42 : memref<1x125x80xi32, #tpu.memory_space<hbm>> -> memref<125x80xi32, #tpu.memory_space<hbm>>
      %dma_start3A_44 = arith.constant 0 : i32
      %dma_start3A_45 = arith.constant 0 : i32
      %dma_start3A_46 = tpu.memref_slice %arg2[%add3A, %dma_start3A_44, %dma_start3A_45] : memref<32x125x80xi32, #tpu.memory_space<hbm>> -> memref<1x125x80xi32, #tpu.memory_space<hbm>>
      %dma_start3A_47 = tpu.memref_squeeze %dma_start3A_46 : memref<1x125x80xi32, #tpu.memory_space<hbm>> -> memref<125x80xi32, #tpu.memory_space<hbm>>
      tpu.enqueue_dma source(%dma_start3A_47 : memref<125x80xi32, #tpu.memory_space<hbm>>) target(%arg7 : memref<125x80xi32, #tpu.memory_space<vmem>>) target_semaphore(%run_scoped3A : memref<!tpu.dma_semaphore, #tpu.memory_space<semaphore_mem>>)
      %dma_wait3A = arith.constant 0 : i32
      %dma_wait3A_48 = arith.constant 0 : i32
      %dma_wait3A_49 = tpu.memref_slice %arg2[%add3A, %dma_wait3A, %dma_wait3A_48] : memref<32x125x80xi32, #tpu.memory_space<hbm>> -> memref<1x125x80xi32, #tpu.memory_space<hbm>>
      %dma_wait3A_50 = tpu.memref_squeeze %dma_wait3A_49 : memref<1x125x80xi32, #tpu.memory_space<hbm>> -> memref<125x80xi32, #tpu.memory_space<hbm>>
      %dma_wait3A_51 = arith.constant 0 : i32
      %dma_wait3A_52 = arith.constant 0 : i32
      %dma_wait3A_53 = tpu.memref_slice %arg2[%add3A, %dma_wait3A_51, %dma_wait3A_52] : memref<32x125x80xi32, #tpu.memory_space<hbm>> -> memref<1x125x80xi32, #tpu.memory_space<hbm>>
      %dma_wait3A_54 = tpu.memref_squeeze %dma_wait3A_53 : memref<1x125x80xi32, #tpu.memory_space<hbm>> -> memref<125x80xi32, #tpu.memory_space<hbm>>
      tpu.wait_dma2 semaphore(%run_scoped3A : memref<!tpu.dma_semaphore, #tpu.memory_space<semaphore_mem>>) src(%dma_wait3A_54 : memref<125x80xi32, #tpu.memory_space<hbm>>) dst(%arg7 : memref<125x80xi32, #tpu.memory_space<vmem>>)
      tpu.yield
    }) : () -> ()
    %lt3A = arith.constant 15 : i32
    %lt3A_17 = arith.cmpi slt, %arg1, %lt3A : i32
    %convert_element_type3A = arith.extui %lt3A_17 : i1 to i32
    %cond3A = arith.constant 0 : i32
    %cond3A_18 = arith.cmpi ne, %convert_element_type3A, %cond3A : i32
    scf.if %cond3A_18 {
      %mul3A_41 = arith.constant 632 : i32
      %mul3A_42 = arith.muli %arg1, %mul3A_41 : i32
      "tpu.region"() ({
        %run_scoped3A = tpu.sem_alloc : memref<!tpu.dma_semaphore, #tpu.memory_space<semaphore_mem>>
        %dma_start3A = arith.constant 0 : i32
        %dma_start3A_43 = tpu.memref_slice %arg4[%mul3A_42, %dma_start3A] : memref<10000x16xf32, #tpu.memory_space<vmem_shared>> -> memref<632x16xf32, #tpu.memory_space<vmem_shared>>
        %dma_start3A_44 = arith.constant 0 : i32
        %dma_start3A_45 = tpu.memref_slice %arg4[%mul3A_42, %dma_start3A_44] : memref<10000x16xf32, #tpu.memory_space<vmem_shared>> -> memref<632x16xf32, #tpu.memory_space<vmem_shared>>
        tpu.enqueue_dma source(%arg5 : memref<632x16xf32, #tpu.memory_space<vmem>>) target(%dma_start3A_45 : memref<632x16xf32, #tpu.memory_space<vmem_shared>>) target_semaphore(%run_scoped3A : memref<!tpu.dma_semaphore, #tpu.memory_space<semaphore_mem>>)
        %dma_wait3A = arith.constant 0 : i32
        %dma_wait3A_46 = tpu.memref_slice %arg4[%mul3A_42, %dma_wait3A] : memref<10000x16xf32, #tpu.memory_space<vmem_shared>> -> memref<632x16xf32, #tpu.memory_space<vmem_shared>>
        %dma_wait3A_47 = arith.constant 0 : i32
        %dma_wait3A_48 = tpu.memref_slice %arg4[%mul3A_42, %dma_wait3A_47] : memref<10000x16xf32, #tpu.memory_space<vmem_shared>> -> memref<632x16xf32, #tpu.memory_space<vmem_shared>>
        tpu.wait_dma2 semaphore(%run_scoped3A : memref<!tpu.dma_semaphore, #tpu.memory_space<semaphore_mem>>) src(%arg5 : memref<632x16xf32, #tpu.memory_space<vmem>>) dst(%dma_wait3A_48 : memref<632x16xf32, #tpu.memory_space<vmem_shared>>)
        tpu.yield
      }) : () -> ()
    } else {
    }
    %eq3A = arith.constant 15 : i32
    %eq3A_19 = arith.cmpi eq, %arg1, %eq3A : i32
    %convert_element_type3A_20 = arith.extui %eq3A_19 : i1 to i32
    %cond3A_21 = arith.constant 0 : i32
    %cond3A_22 = arith.cmpi ne, %convert_element_type3A_20, %cond3A_21 : i32
    scf.if %cond3A_22 {
      "tpu.region"() ({
        %run_scoped3A = tpu.sem_alloc : memref<!tpu.dma_semaphore, #tpu.memory_space<semaphore_mem>>
        %dma_start3A = arith.constant 0 : i32
        %dma_start3A_41 = arith.constant 0 : i32
        %dma_start3A_42 = tpu.memref_slice %arg5[%dma_start3A, %dma_start3A_41] : memref<632x16xf32, #tpu.memory_space<vmem>> -> memref<520x16xf32, #tpu.memory_space<vmem>>
        %dma_start3A_43 = arith.constant 9480 : i32
        %dma_start3A_44 = arith.constant 0 : i32
        %dma_start3A_45 = tpu.memref_slice %arg4[%dma_start3A_43, %dma_start3A_44] : memref<10000x16xf32, #tpu.memory_space<vmem_shared>> -> memref<520x16xf32, #tpu.memory_space<vmem_shared>>
        %dma_start3A_46 = arith.constant 9480 : i32
        %dma_start3A_47 = arith.constant 0 : i32
        %dma_start3A_48 = tpu.memref_slice %arg4[%dma_start3A_46, %dma_start3A_47] : memref<10000x16xf32, #tpu.memory_space<vmem_shared>> -> memref<520x16xf32, #tpu.memory_space<vmem_shared>>
        %dma_start3A_49 = arith.constant 0 : i32
        %dma_start3A_50 = arith.constant 0 : i32
        %dma_start3A_51 = tpu.memref_slice %arg5[%dma_start3A_49, %dma_start3A_50] : memref<632x16xf32, #tpu.memory_space<vmem>> -> memref<520x16xf32, #tpu.memory_space<vmem>>
        tpu.enqueue_dma source(%dma_start3A_51 : memref<520x16xf32, #tpu.memory_space<vmem>>) target(%dma_start3A_48 : memref<520x16xf32, #tpu.memory_space<vmem_shared>>) target_semaphore(%run_scoped3A : memref<!tpu.dma_semaphore, #tpu.memory_space<semaphore_mem>>)
        %dma_wait3A = arith.constant 0 : i32
        %dma_wait3A_52 = arith.constant 0 : i32
        %dma_wait3A_53 = tpu.memref_slice %arg5[%dma_wait3A, %dma_wait3A_52] : memref<632x16xf32, #tpu.memory_space<vmem>> -> memref<520x16xf32, #tpu.memory_space<vmem>>
        %dma_wait3A_54 = arith.constant 9480 : i32
        %dma_wait3A_55 = arith.constant 0 : i32
        %dma_wait3A_56 = tpu.memref_slice %arg4[%dma_wait3A_54, %dma_wait3A_55] : memref<10000x16xf32, #tpu.memory_space<vmem_shared>> -> memref<520x16xf32, #tpu.memory_space<vmem_shared>>
        %dma_wait3A_57 = arith.constant 9480 : i32
        %dma_wait3A_58 = arith.constant 0 : i32
        %dma_wait3A_59 = tpu.memref_slice %arg4[%dma_wait3A_57, %dma_wait3A_58] : memref<10000x16xf32, #tpu.memory_space<vmem_shared>> -> memref<520x16xf32, #tpu.memory_space<vmem_shared>>
        %dma_wait3A_60 = arith.constant 0 : i32
        %dma_wait3A_61 = arith.constant 0 : i32
        %dma_wait3A_62 = tpu.memref_slice %arg5[%dma_wait3A_60, %dma_wait3A_61] : memref<632x16xf32, #tpu.memory_space<vmem>> -> memref<520x16xf32, #tpu.memory_space<vmem>>
        tpu.wait_dma2 semaphore(%run_scoped3A : memref<!tpu.dma_semaphore, #tpu.memory_space<semaphore_mem>>) src(%dma_wait3A_62 : memref<520x16xf32, #tpu.memory_space<vmem>>) dst(%dma_wait3A_59 : memref<520x16xf32, #tpu.memory_space<vmem_shared>>)
        tpu.yield
      }) : () -> ()
    } else {
    }
    %barrier3A = arith.constant 0 : index
    tpu.barrier barrier_id(%barrier3A)
    %scan3A_23 = arith.constant 0 : i32
    %scan3A_24 = arith.constant 0 : i32
    %scan3A_25 = arith.constant 25 : i32
    %scan3A_26 = arith.addi %scan3A_24, %scan3A_25 : i32
    %scan3A_27 = arith.constant 1 : i32
    %scan3A_28 = scf.for %scan3A_41 = %scan3A_24 to %scan3A_26 step %scan3A_27 iter_args(%scan3A_42 = %scan3A_23) -> (i32)  : i32 {
      %mul3A_43 = arith.constant 5 : i32
      %mul3A_44 = arith.muli %scan3A_41, %mul3A_43 : i32
      %add3A_45 = arith.constant 0 : i32
      %add3A_46 = arith.addi %mul3A_44, %add3A_45 : i32
      %dma_start3A = arith.constant 0 : i32
      %dma_start3A_47 = tpu.memref_slice %arg7[%add3A_46, %dma_start3A] : memref<125x80xi32, #tpu.memory_space<vmem>> -> memref<1x80xi32, #tpu.memory_space<vmem>>
      %dma_start3A_48 = tpu.memref_squeeze %dma_start3A_47 : memref<1x80xi32, #tpu.memory_space<vmem>> -> memref<80xi32, #tpu.memory_space<vmem>>
      %dma_start3A_49 = arith.constant 0 : i32
      %dma_start3A_50 = arith.constant 0 : i32
      %dma_start3A_51 = tpu.memref_slice %arg4[%dma_start3A_49, %dma_start3A_50] : memref<10000x16xf32, #tpu.memory_space<vmem_shared>> -> memref<10000x16xf32, #tpu.memory_space<vmem_shared>>
      tpu.enqueue_indirect_dma source(%arg6 : memref<80x16xf32, #tpu.memory_space<vmem>>) target(%dma_start3A_51 : memref<10000x16xf32, #tpu.memory_space<vmem_shared>>) offsets(%dma_start3A_48 : memref<80xi32, #tpu.memory_space<vmem>>) semaphore(%arg8 : memref<!tpu.dma_semaphore, #tpu.memory_space<semaphore_mem>>) {add = true}
      %mul3A_52 = arith.constant 5 : i32
      %mul3A_53 = arith.muli %scan3A_41, %mul3A_52 : i32
      %add3A_54 = arith.constant 1 : i32
      %add3A_55 = arith.addi %mul3A_53, %add3A_54 : i32
      %dma_start3A_56 = arith.constant 0 : i32
      %dma_start3A_57 = tpu.memref_slice %arg7[%add3A_55, %dma_start3A_56] : memref<125x80xi32, #tpu.memory_space<vmem>> -> memref<1x80xi32, #tpu.memory_space<vmem>>
      %dma_start3A_58 = tpu.memref_squeeze %dma_start3A_57 : memref<1x80xi32, #tpu.memory_space<vmem>> -> memref<80xi32, #tpu.memory_space<vmem>>
      %dma_start3A_59 = arith.constant 0 : i32
      %dma_start3A_60 = arith.constant 0 : i32
      %dma_start3A_61 = tpu.memref_slice %arg4[%dma_start3A_59, %dma_start3A_60] : memref<10000x16xf32, #tpu.memory_space<vmem_shared>> -> memref<10000x16xf32, #tpu.memory_space<vmem_shared>>
      tpu.enqueue_indirect_dma source(%arg6 : memref<80x16xf32, #tpu.memory_space<vmem>>) target(%dma_start3A_61 : memref<10000x16xf32, #tpu.memory_space<vmem_shared>>) offsets(%dma_start3A_58 : memref<80xi32, #tpu.memory_space<vmem>>) semaphore(%arg8 : memref<!tpu.dma_semaphore, #tpu.memory_space<semaphore_mem>>) {add = true}
      %mul3A_62 = arith.constant 5 : i32
      %mul3A_63 = arith.muli %scan3A_41, %mul3A_62 : i32
      %add3A_64 = arith.constant 2 : i32
      %add3A_65 = arith.addi %mul3A_63, %add3A_64 : i32
      %dma_start3A_66 = arith.constant 0 : i32
      %dma_start3A_67 = tpu.memref_slice %arg7[%add3A_65, %dma_start3A_66] : memref<125x80xi32, #tpu.memory_space<vmem>> -> memref<1x80xi32, #tpu.memory_space<vmem>>
      %dma_start3A_68 = tpu.memref_squeeze %dma_start3A_67 : memref<1x80xi32, #tpu.memory_space<vmem>> -> memref<80xi32, #tpu.memory_space<vmem>>
      %dma_start3A_69 = arith.constant 0 : i32
      %dma_start3A_70 = arith.constant 0 : i32
      %dma_start3A_71 = tpu.memref_slice %arg4[%dma_start3A_69, %dma_start3A_70] : memref<10000x16xf32, #tpu.memory_space<vmem_shared>> -> memref<10000x16xf32, #tpu.memory_space<vmem_shared>>
      tpu.enqueue_indirect_dma source(%arg6 : memref<80x16xf32, #tpu.memory_space<vmem>>) target(%dma_start3A_71 : memref<10000x16xf32, #tpu.memory_space<vmem_shared>>) offsets(%dma_start3A_68 : memref<80xi32, #tpu.memory_space<vmem>>) semaphore(%arg8 : memref<!tpu.dma_semaphore, #tpu.memory_space<semaphore_mem>>) {add = true}
      %mul3A_72 = arith.constant 5 : i32
      %mul3A_73 = arith.muli %scan3A_41, %mul3A_72 : i32
      %add3A_74 = arith.constant 3 : i32
      %add3A_75 = arith.addi %mul3A_73, %add3A_74 : i32
      %dma_start3A_76 = arith.constant 0 : i32
      %dma_start3A_77 = tpu.memref_slice %arg7[%add3A_75, %dma_start3A_76] : memref<125x80xi32, #tpu.memory_space<vmem>> -> memref<1x80xi32, #tpu.memory_space<vmem>>
      %dma_start3A_78 = tpu.memref_squeeze %dma_start3A_77 : memref<1x80xi32, #tpu.memory_space<vmem>> -> memref<80xi32, #tpu.memory_space<vmem>>
      %dma_start3A_79 = arith.constant 0 : i32
      %dma_start3A_80 = arith.constant 0 : i32
      %dma_start3A_81 = tpu.memref_slice %arg4[%dma_start3A_79, %dma_start3A_80] : memref<10000x16xf32, #tpu.memory_space<vmem_shared>> -> memref<10000x16xf32, #tpu.memory_space<vmem_shared>>
      tpu.enqueue_indirect_dma source(%arg6 : memref<80x16xf32, #tpu.memory_space<vmem>>) target(%dma_start3A_81 : memref<10000x16xf32, #tpu.memory_space<vmem_shared>>) offsets(%dma_start3A_78 : memref<80xi32, #tpu.memory_space<vmem>>) semaphore(%arg8 : memref<!tpu.dma_semaphore, #tpu.memory_space<semaphore_mem>>) {add = true}
      %mul3A_82 = arith.constant 5 : i32
      %mul3A_83 = arith.muli %scan3A_41, %mul3A_82 : i32
      %add3A_84 = arith.constant 4 : i32
      %add3A_85 = arith.addi %mul3A_83, %add3A_84 : i32
      %dma_start3A_86 = arith.constant 0 : i32
      %dma_start3A_87 = tpu.memref_slice %arg7[%add3A_85, %dma_start3A_86] : memref<125x80xi32, #tpu.memory_space<vmem>> -> memref<1x80xi32, #tpu.memory_space<vmem>>
      %dma_start3A_88 = tpu.memref_squeeze %dma_start3A_87 : memref<1x80xi32, #tpu.memory_space<vmem>> -> memref<80xi32, #tpu.memory_space<vmem>>
      %dma_start3A_89 = arith.constant 0 : i32
      %dma_start3A_90 = arith.constant 0 : i32
      %dma_start3A_91 = tpu.memref_slice %arg4[%dma_start3A_89, %dma_start3A_90] : memref<10000x16xf32, #tpu.memory_space<vmem_shared>> -> memref<10000x16xf32, #tpu.memory_space<vmem_shared>>
      tpu.enqueue_indirect_dma source(%arg6 : memref<80x16xf32, #tpu.memory_space<vmem>>) target(%dma_start3A_91 : memref<10000x16xf32, #tpu.memory_space<vmem_shared>>) offsets(%dma_start3A_88 : memref<80xi32, #tpu.memory_space<vmem>>) semaphore(%arg8 : memref<!tpu.dma_semaphore, #tpu.memory_space<semaphore_mem>>) {add = true}
      %mul3A_92 = arith.constant 5 : i32
      %mul3A_93 = arith.muli %scan3A_41, %mul3A_92 : i32
      %add3A_94 = arith.constant 0 : i32
      %add3A_95 = arith.addi %mul3A_93, %add3A_94 : i32
      %dma_wait3A = arith.constant 0 : i32
      %dma_wait3A_96 = tpu.memref_slice %arg7[%add3A_95, %dma_wait3A] : memref<125x80xi32, #tpu.memory_space<vmem>> -> memref<1x80xi32, #tpu.memory_space<vmem>>
      %dma_wait3A_97 = tpu.memref_squeeze %dma_wait3A_96 : memref<1x80xi32, #tpu.memory_space<vmem>> -> memref<80xi32, #tpu.memory_space<vmem>>
      %dma_wait3A_98 = arith.constant 0 : i32
      %dma_wait3A_99 = arith.constant 0 : i32
      %dma_wait3A_100 = tpu.memref_slice %arg4[%dma_wait3A_98, %dma_wait3A_99] : memref<10000x16xf32, #tpu.memory_space<vmem_shared>> -> memref<10000x16xf32, #tpu.memory_space<vmem_shared>>
      tpu.wait_indirect_dma semaphore(%arg8 : memref<!tpu.dma_semaphore, #tpu.memory_space<semaphore_mem>>) src(%arg6 : memref<80x16xf32, #tpu.memory_space<vmem>>) dst(%dma_wait3A_100 : memref<10000x16xf32, #tpu.memory_space<vmem_shared>>)
      %mul3A_101 = arith.constant 5 : i32
      %mul3A_102 = arith.muli %scan3A_41, %mul3A_101 : i32
      %add3A_103 = arith.constant 1 : i32
      %add3A_104 = arith.addi %mul3A_102, %add3A_103 : i32
      %dma_wait3A_105 = arith.constant 0 : i32
      %dma_wait3A_106 = tpu.memref_slice %arg7[%add3A_104, %dma_wait3A_105] : memref<125x80xi32, #tpu.memory_space<vmem>> -> memref<1x80xi32, #tpu.memory_space<vmem>>
      %dma_wait3A_107 = tpu.memref_squeeze %dma_wait3A_106 : memref<1x80xi32, #tpu.memory_space<vmem>> -> memref<80xi32, #tpu.memory_space<vmem>>
      %dma_wait3A_108 = arith.constant 0 : i32
      %dma_wait3A_109 = arith.constant 0 : i32
      %dma_wait3A_110 = tpu.memref_slice %arg4[%dma_wait3A_108, %dma_wait3A_109] : memref<10000x16xf32, #tpu.memory_space<vmem_shared>> -> memref<10000x16xf32, #tpu.memory_space<vmem_shared>>
      tpu.wait_indirect_dma semaphore(%arg8 : memref<!tpu.dma_semaphore, #tpu.memory_space<semaphore_mem>>) src(%arg6 : memref<80x16xf32, #tpu.memory_space<vmem>>) dst(%dma_wait3A_110 : memref<10000x16xf32, #tpu.memory_space<vmem_shared>>)
      %mul3A_111 = arith.constant 5 : i32
      %mul3A_112 = arith.muli %scan3A_41, %mul3A_111 : i32
      %add3A_113 = arith.constant 2 : i32
      %add3A_114 = arith.addi %mul3A_112, %add3A_113 : i32
      %dma_wait3A_115 = arith.constant 0 : i32
      %dma_wait3A_116 = tpu.memref_slice %arg7[%add3A_114, %dma_wait3A_115] : memref<125x80xi32, #tpu.memory_space<vmem>> -> memref<1x80xi32, #tpu.memory_space<vmem>>
      %dma_wait3A_117 = tpu.memref_squeeze %dma_wait3A_116 : memref<1x80xi32, #tpu.memory_space<vmem>> -> memref<80xi32, #tpu.memory_space<vmem>>
      %dma_wait3A_118 = arith.constant 0 : i32
      %dma_wait3A_119 = arith.constant 0 : i32
      %dma_wait3A_120 = tpu.memref_slice %arg4[%dma_wait3A_118, %dma_wait3A_119] : memref<10000x16xf32, #tpu.memory_space<vmem_shared>> -> memref<10000x16xf32, #tpu.memory_space<vmem_shared>>
      tpu.wait_indirect_dma semaphore(%arg8 : memref<!tpu.dma_semaphore, #tpu.memory_space<semaphore_mem>>) src(%arg6 : memref<80x16xf32, #tpu.memory_space<vmem>>) dst(%dma_wait3A_120 : memref<10000x16xf32, #tpu.memory_space<vmem_shared>>)
      %mul3A_121 = arith.constant 5 : i32
      %mul3A_122 = arith.muli %scan3A_41, %mul3A_121 : i32
      %add3A_123 = arith.constant 3 : i32
      %add3A_124 = arith.addi %mul3A_122, %add3A_123 : i32
      %dma_wait3A_125 = arith.constant 0 : i32
      %dma_wait3A_126 = tpu.memref_slice %arg7[%add3A_124, %dma_wait3A_125] : memref<125x80xi32, #tpu.memory_space<vmem>> -> memref<1x80xi32, #tpu.memory_space<vmem>>
      %dma_wait3A_127 = tpu.memref_squeeze %dma_wait3A_126 : memref<1x80xi32, #tpu.memory_space<vmem>> -> memref<80xi32, #tpu.memory_space<vmem>>
      %dma_wait3A_128 = arith.constant 0 : i32
      %dma_wait3A_129 = arith.constant 0 : i32
      %dma_wait3A_130 = tpu.memref_slice %arg4[%dma_wait3A_128, %dma_wait3A_129] : memref<10000x16xf32, #tpu.memory_space<vmem_shared>> -> memref<10000x16xf32, #tpu.memory_space<vmem_shared>>
      tpu.wait_indirect_dma semaphore(%arg8 : memref<!tpu.dma_semaphore, #tpu.memory_space<semaphore_mem>>) src(%arg6 : memref<80x16xf32, #tpu.memory_space<vmem>>) dst(%dma_wait3A_130 : memref<10000x16xf32, #tpu.memory_space<vmem_shared>>)
      %mul3A_131 = arith.constant 5 : i32
      %mul3A_132 = arith.muli %scan3A_41, %mul3A_131 : i32
      %add3A_133 = arith.constant 4 : i32
      %add3A_134 = arith.addi %mul3A_132, %add3A_133 : i32
      %dma_wait3A_135 = arith.constant 0 : i32
      %dma_wait3A_136 = tpu.memref_slice %arg7[%add3A_134, %dma_wait3A_135] : memref<125x80xi32, #tpu.memory_space<vmem>> -> memref<1x80xi32, #tpu.memory_space<vmem>>
      %dma_wait3A_137 = tpu.memref_squeeze %dma_wait3A_136 : memref<1x80xi32, #tpu.memory_space<vmem>> -> memref<80xi32, #tpu.memory_space<vmem>>
      %dma_wait3A_138 = arith.constant 0 : i32
      %dma_wait3A_139 = arith.constant 0 : i32
      %dma_wait3A_140 = tpu.memref_slice %arg4[%dma_wait3A_138, %dma_wait3A_139] : memref<10000x16xf32, #tpu.memory_space<vmem_shared>> -> memref<10000x16xf32, #tpu.memory_space<vmem_shared>>
      tpu.wait_indirect_dma semaphore(%arg8 : memref<!tpu.dma_semaphore, #tpu.memory_space<semaphore_mem>>) src(%arg6 : memref<80x16xf32, #tpu.memory_space<vmem>>) dst(%dma_wait3A_140 : memref<10000x16xf32, #tpu.memory_space<vmem_shared>>)
      %scan3A_141 = arith.constant 0 : i32
      scf.yield %scan3A_141 : i32
    }
    %scan3A_29 = arith.constant 25 : i32
    %barrier3A_30 = arith.constant 0 : index
    tpu.barrier barrier_id(%barrier3A_30)
    %lt3A_31 = arith.constant 15 : i32
    %lt3A_32 = arith.cmpi slt, %arg1, %lt3A_31 : i32
    %convert_element_type3A_33 = arith.extui %lt3A_32 : i1 to i32
    %cond3A_34 = arith.constant 0 : i32
    %cond3A_35 = arith.cmpi ne, %convert_element_type3A_33, %cond3A_34 : i32
    scf.if %cond3A_35 {
      %mul3A_41 = arith.constant 632 : i32
      %mul3A_42 = arith.muli %arg1, %mul3A_41 : i32
      %mul3A_43 = arith.constant 632 : i32
      %mul3A_44 = arith.muli %arg1, %mul3A_43 : i32
      "tpu.region"() ({
        %run_scoped3A = tpu.sem_alloc : memref<!tpu.dma_semaphore, #tpu.memory_space<semaphore_mem>>
        %dma_start3A = arith.constant 0 : i32
        %dma_start3A_45 = tpu.memref_slice %arg3[%arg0, %mul3A_44, %dma_start3A] : memref<2x10000x16xf32, #tpu.memory_space<hbm>> -> memref<1x632x16xf32, #tpu.memory_space<hbm>>
        %dma_start3A_46 = tpu.memref_squeeze %dma_start3A_45 : memref<1x632x16xf32, #tpu.memory_space<hbm>> -> memref<632x16xf32, #tpu.memory_space<hbm>>
        %dma_start3A_47 = arith.constant 0 : i32
        %dma_start3A_48 = tpu.memref_slice %arg4[%mul3A_42, %dma_start3A_47] : memref<10000x16xf32, #tpu.memory_space<vmem_shared>> -> memref<632x16xf32, #tpu.memory_space<vmem_shared>>
        tpu.enqueue_dma source(%dma_start3A_48 : memref<632x16xf32, #tpu.memory_space<vmem_shared>>) target(%dma_start3A_46 : memref<632x16xf32, #tpu.memory_space<hbm>>) target_semaphore(%run_scoped3A : memref<!tpu.dma_semaphore, #tpu.memory_space<semaphore_mem>>)
        %dma_wait3A = arith.constant 0 : i32
        %dma_wait3A_49 = tpu.memref_slice %arg3[%arg0, %mul3A_44, %dma_wait3A] : memref<2x10000x16xf32, #tpu.memory_space<hbm>> -> memref<1x632x16xf32, #tpu.memory_space<hbm>>
        %dma_wait3A_50 = tpu.memref_squeeze %dma_wait3A_49 : memref<1x632x16xf32, #tpu.memory_space<hbm>> -> memref<632x16xf32, #tpu.memory_space<hbm>>
        %dma_wait3A_51 = arith.constant 0 : i32
        %dma_wait3A_52 = tpu.memref_slice %arg4[%mul3A_42, %dma_wait3A_51] : memref<10000x16xf32, #tpu.memory_space<vmem_shared>> -> memref<632x16xf32, #tpu.memory_space<vmem_shared>>
        tpu.wait_dma2 semaphore(%run_scoped3A : memref<!tpu.dma_semaphore, #tpu.memory_space<semaphore_mem>>) src(%dma_wait3A_52 : memref<632x16xf32, #tpu.memory_space<vmem_shared>>) dst(%dma_wait3A_50 : memref<632x16xf32, #tpu.memory_space<hbm>>)
        tpu.yield
      }) : () -> ()
    } else {
    }
    %eq3A_36 = arith.constant 15 : i32
    %eq3A_37 = arith.cmpi eq, %arg1, %eq3A_36 : i32
    %convert_element_type3A_38 = arith.extui %eq3A_37 : i1 to i32
    %cond3A_39 = arith.constant 0 : i32
    %cond3A_40 = arith.cmpi ne, %convert_element_type3A_38, %cond3A_39 : i32
    scf.if %cond3A_40 {
      "tpu.region"() ({
        %run_scoped3A = tpu.sem_alloc : memref<!tpu.dma_semaphore, #tpu.memory_space<semaphore_mem>>
        %dma_start3A = arith.constant 9480 : i32
        %dma_start3A_41 = arith.constant 0 : i32
        %dma_start3A_42 = tpu.memref_slice %arg3[%arg0, %dma_start3A, %dma_start3A_41] : memref<2x10000x16xf32, #tpu.memory_space<hbm>> -> memref<1x520x16xf32, #tpu.memory_space<hbm>>
        %dma_start3A_43 = tpu.memref_squeeze %dma_start3A_42 : memref<1x520x16xf32, #tpu.memory_space<hbm>> -> memref<520x16xf32, #tpu.memory_space<hbm>>
        %dma_start3A_44 = arith.constant 9480 : i32
        %dma_start3A_45 = arith.constant 0 : i32
        %dma_start3A_46 = tpu.memref_slice %arg4[%dma_start3A_44, %dma_start3A_45] : memref<10000x16xf32, #tpu.memory_space<vmem_shared>> -> memref<520x16xf32, #tpu.memory_space<vmem_shared>>
        tpu.enqueue_dma source(%dma_start3A_46 : memref<520x16xf32, #tpu.memory_space<vmem_shared>>) target(%dma_start3A_43 : memref<520x16xf32, #tpu.memory_space<hbm>>) target_semaphore(%run_scoped3A : memref<!tpu.dma_semaphore, #tpu.memory_space<semaphore_mem>>)
        %dma_wait3A = arith.constant 9480 : i32
        %dma_wait3A_47 = arith.constant 0 : i32
        %dma_wait3A_48 = tpu.memref_slice %arg3[%arg0, %dma_wait3A, %dma_wait3A_47] : memref<2x10000x16xf32, #tpu.memory_space<hbm>> -> memref<1x520x16xf32, #tpu.memory_space<hbm>>
        %dma_wait3A_49 = tpu.memref_squeeze %dma_wait3A_48 : memref<1x520x16xf32, #tpu.memory_space<hbm>> -> memref<520x16xf32, #tpu.memory_space<hbm>>
        %dma_wait3A_50 = arith.constant 9480 : i32
        %dma_wait3A_51 = arith.constant 0 : i32
        %dma_wait3A_52 = tpu.memref_slice %arg4[%dma_wait3A_50, %dma_wait3A_51] : memref<10000x16xf32, #tpu.memory_space<vmem_shared>> -> memref<520x16xf32, #tpu.memory_space<vmem_shared>>
        tpu.wait_dma2 semaphore(%run_scoped3A : memref<!tpu.dma_semaphore, #tpu.memory_space<semaphore_mem>>) src(%dma_wait3A_52 : memref<520x16xf32, #tpu.memory_space<vmem_shared>>) dst(%dma_wait3A_49 : memref<520x16xf32, #tpu.memory_space<hbm>>)
        tpu.yield
      }) : () -> ()
    } else {
    }
    return
  }
}

#map = affine_map<(d0, d1) -> (0, 0, 0)>
#map1 = affine_map<(d0, d1) -> (0, 0)>
module attributes {stable_mosaic.version = 14 : i64} {
  func.func @agg(%arg0: i32, %arg1: i32, %arg2: memref<32x125x80xi32, #tpu.memory_space<hbm>>, %arg3: memref<32x125x80xi32, #tpu.memory_space<hbm>>, %arg4: memref<10000x16xf32, #tpu.memory_space<hbm>>, %arg5: memref<2x10000x16xf32, #tpu.memory_space<hbm>>, %arg6: memref<10000x16xf32, #tpu.memory_space<vmem_shared>>, %arg7: memref<632x16xf32, #tpu.memory_space<vmem>>, %arg8: memref<125x80xi32, #tpu.memory_space<vmem>>, %arg9: memref<125x80xi32, #tpu.memory_space<vmem>>, %arg10: memref<80x16xf32, #tpu.memory_space<vmem>>, %arg11: memref<80x16xf32, #tpu.memory_space<vmem>>, %arg12: memref<80x16xf32, #tpu.memory_space<vmem>>, %arg13: memref<80x16xf32, #tpu.memory_space<vmem>>, %arg14: memref<80x16xf32, #tpu.memory_space<vmem>>, %arg15: memref<!tpu.dma_semaphore, #tpu.memory_space<semaphore_mem>>, %arg16: memref<!tpu.dma_semaphore, #tpu.memory_space<semaphore_mem>>, %arg17: memref<!tpu.dma_semaphore, #tpu.memory_space<semaphore_mem>>, %arg18: memref<!tpu.dma_semaphore, #tpu.memory_space<semaphore_mem>>, %arg19: memref<!tpu.dma_semaphore, #tpu.memory_space<semaphore_mem>>, %arg20: memref<!tpu.dma_semaphore, #tpu.memory_space<semaphore_mem>>, %arg21: memref<!tpu.dma_semaphore, #tpu.memory_space<semaphore_mem>>, %arg22: memref<!tpu.dma_semaphore, #tpu.memory_space<semaphore_mem>>, %arg23: memref<!tpu.dma_semaphore, #tpu.memory_space<semaphore_mem>>, %arg24: memref<!tpu.dma_semaphore, #tpu.memory_space<semaphore_mem>>, %arg25: memref<!tpu.dma_semaphore, #tpu.memory_space<semaphore_mem>>) attributes {dimension_semantics = [#tpu.dimension_semantics<core_parallel>, #tpu.dimension_semantics<subcore_parallel>], iteration_bounds = array<i64: 2, 16>, scalar_prefetch = 0 : i64, scratch_operands = 20 : i64, tpu.core_type = #tpu.core_type<sc_vector_subcore>, window_params = [{transform_indices = #map}, {transform_indices = #map}, {transform_indices = #map1}, {transform_indices = #map}]} {
    %mul3A = arith.constant 16 : i32
    %mul3A_0 = arith.muli %arg0, %mul3A : i32
    %add3A = arith.addi %mul3A_0, %arg1 : i32
    %broadcast_in_dim3A = arith.constant 0.000000e+00 : f32
    %broadcast_in_dim3A_1 = vector.broadcast %broadcast_in_dim3A : f32 to vector<16xf32>
    %dma_start3A = arith.constant 0 : i32
    %dma_start3A_2 = arith.constant 0 : i32
    %dma_start3A_3 = tpu.memref_slice %arg2[%add3A, %dma_start3A, %dma_start3A_2] : memref<32x125x80xi32, #tpu.memory_space<hbm>> -> memref<1x125x80xi32, #tpu.memory_space<hbm>>
    %dma_start3A_4 = tpu.memref_squeeze %dma_start3A_3 : memref<1x125x80xi32, #tpu.memory_space<hbm>> -> memref<125x80xi32, #tpu.memory_space<hbm>>
    %dma_start3A_5 = arith.constant 0 : i32
    %dma_start3A_6 = arith.constant 0 : i32
    %dma_start3A_7 = tpu.memref_slice %arg2[%add3A, %dma_start3A_5, %dma_start3A_6] : memref<32x125x80xi32, #tpu.memory_space<hbm>> -> memref<1x125x80xi32, #tpu.memory_space<hbm>>
    %dma_start3A_8 = tpu.memref_squeeze %dma_start3A_7 : memref<1x125x80xi32, #tpu.memory_space<hbm>> -> memref<125x80xi32, #tpu.memory_space<hbm>>
    tpu.enqueue_dma source(%dma_start3A_8 : memref<125x80xi32, #tpu.memory_space<hbm>>) target(%arg8 : memref<125x80xi32, #tpu.memory_space<vmem>>) target_semaphore(%arg16 : memref<!tpu.dma_semaphore, #tpu.memory_space<semaphore_mem>>)
    %dma_start3A_9 = arith.constant 0 : i32
    %dma_start3A_10 = arith.constant 0 : i32
    %dma_start3A_11 = tpu.memref_slice %arg3[%add3A, %dma_start3A_9, %dma_start3A_10] : memref<32x125x80xi32, #tpu.memory_space<hbm>> -> memref<1x125x80xi32, #tpu.memory_space<hbm>>
    %dma_start3A_12 = tpu.memref_squeeze %dma_start3A_11 : memref<1x125x80xi32, #tpu.memory_space<hbm>> -> memref<125x80xi32, #tpu.memory_space<hbm>>
    %dma_start3A_13 = arith.constant 0 : i32
    %dma_start3A_14 = arith.constant 0 : i32
    %dma_start3A_15 = tpu.memref_slice %arg3[%add3A, %dma_start3A_13, %dma_start3A_14] : memref<32x125x80xi32, #tpu.memory_space<hbm>> -> memref<1x125x80xi32, #tpu.memory_space<hbm>>
    %dma_start3A_16 = tpu.memref_squeeze %dma_start3A_15 : memref<1x125x80xi32, #tpu.memory_space<hbm>> -> memref<125x80xi32, #tpu.memory_space<hbm>>
    tpu.enqueue_dma source(%dma_start3A_16 : memref<125x80xi32, #tpu.memory_space<hbm>>) target(%arg9 : memref<125x80xi32, #tpu.memory_space<vmem>>) target_semaphore(%arg17 : memref<!tpu.dma_semaphore, #tpu.memory_space<semaphore_mem>>)
    %scan3A = arith.constant 0 : i32
    %scan3A_17 = arith.constant 0 : i32
    %scan3A_18 = arith.constant 632 : i32
    %scan3A_19 = arith.addi %scan3A_17, %scan3A_18 : i32
    %scan3A_20 = arith.constant 1 : i32
    %scan3A_21 = scf.for %scan3A_107 = %scan3A_17 to %scan3A_19 step %scan3A_20 iter_args(%scan3A_108 = %scan3A) -> (i32)  : i32 {
      %swap3A = arith.index_cast %scan3A_107 : i32 to index
      %swap3A_109 = arith.constant 0 : index
      %swap3A_110 = tpu.vector_load %arg7[%swap3A, %swap3A_109] {strides = array<i32>} : memref<632x16xf32, #tpu.memory_space<vmem>>, vector<1x16xf32>,
      %swap3A_111 = vector.shape_cast %swap3A_110 : vector<1x16xf32> to vector<16xf32>
      %swap3A_112 = vector.shape_cast %broadcast_in_dim3A_1 : vector<16xf32> to vector<1x16xf32>
      tpu.vector_store %arg7[%swap3A, %swap3A_109], %swap3A_112 {strides = array<i32>} : memref<632x16xf32, #tpu.memory_space<vmem>>, vector<1x16xf32>,
      %scan3A_113 = arith.constant 0 : i32
      scf.yield %scan3A_113 : i32
    }
    %scan3A_22 = arith.constant 632 : i32
    %lt3A = arith.constant 15 : i32
    %lt3A_23 = arith.cmpi slt, %arg1, %lt3A : i32
    %convert_element_type3A = arith.extui %lt3A_23 : i1 to i32
    %cond3A = arith.constant 0 : i32
    %cond3A_24 = arith.cmpi ne, %convert_element_type3A, %cond3A : i32
    scf.if %cond3A_24 {
      %mul3A_107 = arith.constant 632 : i32
      %mul3A_108 = arith.muli %arg1, %mul3A_107 : i32
      %dma_start3A_109 = arith.constant 0 : i32
      %dma_start3A_110 = tpu.memref_slice %arg6[%mul3A_108, %dma_start3A_109] : memref<10000x16xf32, #tpu.memory_space<vmem_shared>> -> memref<632x16xf32, #tpu.memory_space<vmem_shared>>
      %dma_start3A_111 = arith.constant 0 : i32
      %dma_start3A_112 = tpu.memref_slice %arg6[%mul3A_108, %dma_start3A_111] : memref<10000x16xf32, #tpu.memory_space<vmem_shared>> -> memref<632x16xf32, #tpu.memory_space<vmem_shared>>
      tpu.enqueue_dma source(%arg7 : memref<632x16xf32, #tpu.memory_space<vmem>>) target(%dma_start3A_112 : memref<632x16xf32, #tpu.memory_space<vmem_shared>>) target_semaphore(%arg15 : memref<!tpu.dma_semaphore, #tpu.memory_space<semaphore_mem>>)
    } else {
    }
    %eq3A = arith.constant 15 : i32
    %eq3A_25 = arith.cmpi eq, %arg1, %eq3A : i32
    %convert_element_type3A_26 = arith.extui %eq3A_25 : i1 to i32
    %cond3A_27 = arith.constant 0 : i32
    %cond3A_28 = arith.cmpi ne, %convert_element_type3A_26, %cond3A_27 : i32
    scf.if %cond3A_28 {
      %dma_start3A_107 = arith.constant 0 : i32
      %dma_start3A_108 = arith.constant 0 : i32
      %dma_start3A_109 = tpu.memref_slice %arg7[%dma_start3A_107, %dma_start3A_108] : memref<632x16xf32, #tpu.memory_space<vmem>> -> memref<520x16xf32, #tpu.memory_space<vmem>>
      %dma_start3A_110 = arith.constant 9480 : i32
      %dma_start3A_111 = arith.constant 0 : i32
      %dma_start3A_112 = tpu.memref_slice %arg6[%dma_start3A_110, %dma_start3A_111] : memref<10000x16xf32, #tpu.memory_space<vmem_shared>> -> memref<520x16xf32, #tpu.memory_space<vmem_shared>>
      %dma_start3A_113 = arith.constant 9480 : i32
      %dma_start3A_114 = arith.constant 0 : i32
      %dma_start3A_115 = tpu.memref_slice %arg6[%dma_start3A_113, %dma_start3A_114] : memref<10000x16xf32, #tpu.memory_space<vmem_shared>> -> memref<520x16xf32, #tpu.memory_space<vmem_shared>>
      %dma_start3A_116 = arith.constant 0 : i32
      %dma_start3A_117 = arith.constant 0 : i32
      %dma_start3A_118 = tpu.memref_slice %arg7[%dma_start3A_116, %dma_start3A_117] : memref<632x16xf32, #tpu.memory_space<vmem>> -> memref<520x16xf32, #tpu.memory_space<vmem>>
      tpu.enqueue_dma source(%dma_start3A_118 : memref<520x16xf32, #tpu.memory_space<vmem>>) target(%dma_start3A_115 : memref<520x16xf32, #tpu.memory_space<vmem_shared>>) target_semaphore(%arg15 : memref<!tpu.dma_semaphore, #tpu.memory_space<semaphore_mem>>)
    } else {
    }
    %dma_wait3A = arith.constant 0 : i32
    %dma_wait3A_29 = arith.constant 0 : i32
    %dma_wait3A_30 = tpu.memref_slice %arg2[%add3A, %dma_wait3A, %dma_wait3A_29] : memref<32x125x80xi32, #tpu.memory_space<hbm>> -> memref<1x125x80xi32, #tpu.memory_space<hbm>>
    %dma_wait3A_31 = tpu.memref_squeeze %dma_wait3A_30 : memref<1x125x80xi32, #tpu.memory_space<hbm>> -> memref<125x80xi32, #tpu.memory_space<hbm>>
    %dma_wait3A_32 = arith.constant 0 : i32
    %dma_wait3A_33 = arith.constant 0 : i32
    %dma_wait3A_34 = tpu.memref_slice %arg2[%add3A, %dma_wait3A_32, %dma_wait3A_33] : memref<32x125x80xi32, #tpu.memory_space<hbm>> -> memref<1x125x80xi32, #tpu.memory_space<hbm>>
    %dma_wait3A_35 = tpu.memref_squeeze %dma_wait3A_34 : memref<1x125x80xi32, #tpu.memory_space<hbm>> -> memref<125x80xi32, #tpu.memory_space<hbm>>
    tpu.wait_dma2 semaphore(%arg16 : memref<!tpu.dma_semaphore, #tpu.memory_space<semaphore_mem>>) src(%dma_wait3A_35 : memref<125x80xi32, #tpu.memory_space<hbm>>) dst(%arg8 : memref<125x80xi32, #tpu.memory_space<vmem>>)
    %dma_wait3A_36 = arith.constant 0 : i32
    %dma_wait3A_37 = arith.constant 0 : i32
    %dma_wait3A_38 = tpu.memref_slice %arg3[%add3A, %dma_wait3A_36, %dma_wait3A_37] : memref<32x125x80xi32, #tpu.memory_space<hbm>> -> memref<1x125x80xi32, #tpu.memory_space<hbm>>
    %dma_wait3A_39 = tpu.memref_squeeze %dma_wait3A_38 : memref<1x125x80xi32, #tpu.memory_space<hbm>> -> memref<125x80xi32, #tpu.memory_space<hbm>>
    %dma_wait3A_40 = arith.constant 0 : i32
    %dma_wait3A_41 = arith.constant 0 : i32
    %dma_wait3A_42 = tpu.memref_slice %arg3[%add3A, %dma_wait3A_40, %dma_wait3A_41] : memref<32x125x80xi32, #tpu.memory_space<hbm>> -> memref<1x125x80xi32, #tpu.memory_space<hbm>>
    %dma_wait3A_43 = tpu.memref_squeeze %dma_wait3A_42 : memref<1x125x80xi32, #tpu.memory_space<hbm>> -> memref<125x80xi32, #tpu.memory_space<hbm>>
    tpu.wait_dma2 semaphore(%arg17 : memref<!tpu.dma_semaphore, #tpu.memory_space<semaphore_mem>>) src(%dma_wait3A_43 : memref<125x80xi32, #tpu.memory_space<hbm>>) dst(%arg9 : memref<125x80xi32, #tpu.memory_space<vmem>>)
    %lt3A_44 = arith.constant 15 : i32
    %lt3A_45 = arith.cmpi slt, %arg1, %lt3A_44 : i32
    %convert_element_type3A_46 = arith.extui %lt3A_45 : i1 to i32
    %cond3A_47 = arith.constant 0 : i32
    %cond3A_48 = arith.cmpi ne, %convert_element_type3A_46, %cond3A_47 : i32
    scf.if %cond3A_48 {
      %mul3A_107 = arith.constant 632 : i32
      %mul3A_108 = arith.muli %arg1, %mul3A_107 : i32
      %dma_wait3A_109 = arith.constant 0 : i32
      %dma_wait3A_110 = tpu.memref_slice %arg6[%mul3A_108, %dma_wait3A_109] : memref<10000x16xf32, #tpu.memory_space<vmem_shared>> -> memref<632x16xf32, #tpu.memory_space<vmem_shared>>
      %dma_wait3A_111 = arith.constant 0 : i32
      %dma_wait3A_112 = tpu.memref_slice %arg6[%mul3A_108, %dma_wait3A_111] : memref<10000x16xf32, #tpu.memory_space<vmem_shared>> -> memref<632x16xf32, #tpu.memory_space<vmem_shared>>
      tpu.wait_dma2 semaphore(%arg15 : memref<!tpu.dma_semaphore, #tpu.memory_space<semaphore_mem>>) src(%arg7 : memref<632x16xf32, #tpu.memory_space<vmem>>) dst(%dma_wait3A_112 : memref<632x16xf32, #tpu.memory_space<vmem_shared>>)
    } else {
    }
    %eq3A_49 = arith.constant 15 : i32
    %eq3A_50 = arith.cmpi eq, %arg1, %eq3A_49 : i32
    %convert_element_type3A_51 = arith.extui %eq3A_50 : i1 to i32
    %cond3A_52 = arith.constant 0 : i32
    %cond3A_53 = arith.cmpi ne, %convert_element_type3A_51, %cond3A_52 : i32
    scf.if %cond3A_53 {
      %dma_wait3A_107 = arith.constant 0 : i32
      %dma_wait3A_108 = arith.constant 0 : i32
      %dma_wait3A_109 = tpu.memref_slice %arg7[%dma_wait3A_107, %dma_wait3A_108] : memref<632x16xf32, #tpu.memory_space<vmem>> -> memref<520x16xf32, #tpu.memory_space<vmem>>
      %dma_wait3A_110 = arith.constant 9480 : i32
      %dma_wait3A_111 = arith.constant 0 : i32
      %dma_wait3A_112 = tpu.memref_slice %arg6[%dma_wait3A_110, %dma_wait3A_111] : memref<10000x16xf32, #tpu.memory_space<vmem_shared>> -> memref<520x16xf32, #tpu.memory_space<vmem_shared>>
      %dma_wait3A_113 = arith.constant 9480 : i32
      %dma_wait3A_114 = arith.constant 0 : i32
      %dma_wait3A_115 = tpu.memref_slice %arg6[%dma_wait3A_113, %dma_wait3A_114] : memref<10000x16xf32, #tpu.memory_space<vmem_shared>> -> memref<520x16xf32, #tpu.memory_space<vmem_shared>>
      %dma_wait3A_116 = arith.constant 0 : i32
      %dma_wait3A_117 = arith.constant 0 : i32
      %dma_wait3A_118 = tpu.memref_slice %arg7[%dma_wait3A_116, %dma_wait3A_117] : memref<632x16xf32, #tpu.memory_space<vmem>> -> memref<520x16xf32, #tpu.memory_space<vmem>>
      tpu.wait_dma2 semaphore(%arg15 : memref<!tpu.dma_semaphore, #tpu.memory_space<semaphore_mem>>) src(%dma_wait3A_118 : memref<520x16xf32, #tpu.memory_space<vmem>>) dst(%dma_wait3A_115 : memref<520x16xf32, #tpu.memory_space<vmem_shared>>)
    } else {
    }
    %barrier3A = arith.constant 0 : index
    tpu.barrier barrier_id(%barrier3A)
    %dma_start3A_54 = arith.constant 0 : i32
    %dma_start3A_55 = arith.constant 0 : i32
    %dma_start3A_56 = tpu.memref_slice %arg8[%dma_start3A_54, %dma_start3A_55] : memref<125x80xi32, #tpu.memory_space<vmem>> -> memref<1x80xi32, #tpu.memory_space<vmem>>
    %dma_start3A_57 = tpu.memref_squeeze %dma_start3A_56 : memref<1x80xi32, #tpu.memory_space<vmem>> -> memref<80xi32, #tpu.memory_space<vmem>>
    %dma_start3A_58 = arith.constant 0 : i32
    %dma_start3A_59 = arith.constant 0 : i32
    %dma_start3A_60 = tpu.memref_slice %arg4[%dma_start3A_58, %dma_start3A_59] : memref<10000x16xf32, #tpu.memory_space<hbm>> -> memref<10000x16xf32, #tpu.memory_space<hbm>>
    tpu.enqueue_indirect_dma source(%dma_start3A_60 : memref<10000x16xf32, #tpu.memory_space<hbm>>) target(%arg10 : memref<80x16xf32, #tpu.memory_space<vmem>>) offsets(%dma_start3A_57 : memref<80xi32, #tpu.memory_space<vmem>>) semaphore(%arg16 : memref<!tpu.dma_semaphore, #tpu.memory_space<semaphore_mem>>)
    %dma_start3A_61 = arith.constant 1 : i32
    %dma_start3A_62 = arith.constant 0 : i32
    %dma_start3A_63 = tpu.memref_slice %arg8[%dma_start3A_61, %dma_start3A_62] : memref<125x80xi32, #tpu.memory_space<vmem>> -> memref<1x80xi32, #tpu.memory_space<vmem>>
    %dma_start3A_64 = tpu.memref_squeeze %dma_start3A_63 : memref<1x80xi32, #tpu.memory_space<vmem>> -> memref<80xi32, #tpu.memory_space<vmem>>
    %dma_start3A_65 = arith.constant 0 : i32
    %dma_start3A_66 = arith.constant 0 : i32
    %dma_start3A_67 = tpu.memref_slice %arg4[%dma_start3A_65, %dma_start3A_66] : memref<10000x16xf32, #tpu.memory_space<hbm>> -> memref<10000x16xf32, #tpu.memory_space<hbm>>
    tpu.enqueue_indirect_dma source(%dma_start3A_67 : memref<10000x16xf32, #tpu.memory_space<hbm>>) target(%arg11 : memref<80x16xf32, #tpu.memory_space<vmem>>) offsets(%dma_start3A_64 : memref<80xi32, #tpu.memory_space<vmem>>) semaphore(%arg17 : memref<!tpu.dma_semaphore, #tpu.memory_space<semaphore_mem>>)
    %dma_start3A_68 = arith.constant 2 : i32
    %dma_start3A_69 = arith.constant 0 : i32
    %dma_start3A_70 = tpu.memref_slice %arg8[%dma_start3A_68, %dma_start3A_69] : memref<125x80xi32, #tpu.memory_space<vmem>> -> memref<1x80xi32, #tpu.memory_space<vmem>>
    %dma_start3A_71 = tpu.memref_squeeze %dma_start3A_70 : memref<1x80xi32, #tpu.memory_space<vmem>> -> memref<80xi32, #tpu.memory_space<vmem>>
    %dma_start3A_72 = arith.constant 0 : i32
    %dma_start3A_73 = arith.constant 0 : i32
    %dma_start3A_74 = tpu.memref_slice %arg4[%dma_start3A_72, %dma_start3A_73] : memref<10000x16xf32, #tpu.memory_space<hbm>> -> memref<10000x16xf32, #tpu.memory_space<hbm>>
    tpu.enqueue_indirect_dma source(%dma_start3A_74 : memref<10000x16xf32, #tpu.memory_space<hbm>>) target(%arg12 : memref<80x16xf32, #tpu.memory_space<vmem>>) offsets(%dma_start3A_71 : memref<80xi32, #tpu.memory_space<vmem>>) semaphore(%arg18 : memref<!tpu.dma_semaphore, #tpu.memory_space<semaphore_mem>>)
    %dma_start3A_75 = arith.constant 3 : i32
    %dma_start3A_76 = arith.constant 0 : i32
    %dma_start3A_77 = tpu.memref_slice %arg8[%dma_start3A_75, %dma_start3A_76] : memref<125x80xi32, #tpu.memory_space<vmem>> -> memref<1x80xi32, #tpu.memory_space<vmem>>
    %dma_start3A_78 = tpu.memref_squeeze %dma_start3A_77 : memref<1x80xi32, #tpu.memory_space<vmem>> -> memref<80xi32, #tpu.memory_space<vmem>>
    %dma_start3A_79 = arith.constant 0 : i32
    %dma_start3A_80 = arith.constant 0 : i32
    %dma_start3A_81 = tpu.memref_slice %arg4[%dma_start3A_79, %dma_start3A_80] : memref<10000x16xf32, #tpu.memory_space<hbm>> -> memref<10000x16xf32, #tpu.memory_space<hbm>>
    tpu.enqueue_indirect_dma source(%dma_start3A_81 : memref<10000x16xf32, #tpu.memory_space<hbm>>) target(%arg13 : memref<80x16xf32, #tpu.memory_space<vmem>>) offsets(%dma_start3A_78 : memref<80xi32, #tpu.memory_space<vmem>>) semaphore(%arg19 : memref<!tpu.dma_semaphore, #tpu.memory_space<semaphore_mem>>)
    %dma_start3A_82 = arith.constant 4 : i32
    %dma_start3A_83 = arith.constant 0 : i32
    %dma_start3A_84 = tpu.memref_slice %arg8[%dma_start3A_82, %dma_start3A_83] : memref<125x80xi32, #tpu.memory_space<vmem>> -> memref<1x80xi32, #tpu.memory_space<vmem>>
    %dma_start3A_85 = tpu.memref_squeeze %dma_start3A_84 : memref<1x80xi32, #tpu.memory_space<vmem>> -> memref<80xi32, #tpu.memory_space<vmem>>
    %dma_start3A_86 = arith.constant 0 : i32
    %dma_start3A_87 = arith.constant 0 : i32
    %dma_start3A_88 = tpu.memref_slice %arg4[%dma_start3A_86, %dma_start3A_87] : memref<10000x16xf32, #tpu.memory_space<hbm>> -> memref<10000x16xf32, #tpu.memory_space<hbm>>
    tpu.enqueue_indirect_dma source(%dma_start3A_88 : memref<10000x16xf32, #tpu.memory_space<hbm>>) target(%arg14 : memref<80x16xf32, #tpu.memory_space<vmem>>) offsets(%dma_start3A_85 : memref<80xi32, #tpu.memory_space<vmem>>) semaphore(%arg20 : memref<!tpu.dma_semaphore, #tpu.memory_space<semaphore_mem>>)
    %scan3A_89 = arith.constant 0 : i32
    %scan3A_90 = arith.constant 0 : i32
    %scan3A_91 = arith.constant 25 : i32
    %scan3A_92 = arith.addi %scan3A_90, %scan3A_91 : i32
    %scan3A_93 = arith.constant 1 : i32
    %scan3A_94 = scf.for %scan3A_107 = %scan3A_90 to %scan3A_92 step %scan3A_93 iter_args(%scan3A_108 = %scan3A_89) -> (i32)  : i32 {
      %mul3A_109 = arith.constant 5 : i32
      %mul3A_110 = arith.muli %scan3A_107, %mul3A_109 : i32
      %add3A_111 = arith.constant 0 : i32
      %add3A_112 = arith.addi %mul3A_110, %add3A_111 : i32
      %dma_wait3A_113 = arith.constant 0 : i32
      %dma_wait3A_114 = tpu.memref_slice %arg8[%add3A_112, %dma_wait3A_113] : memref<125x80xi32, #tpu.memory_space<vmem>> -> memref<1x80xi32, #tpu.memory_space<vmem>>
      %dma_wait3A_115 = tpu.memref_squeeze %dma_wait3A_114 : memref<1x80xi32, #tpu.memory_space<vmem>> -> memref<80xi32, #tpu.memory_space<vmem>>
      %dma_wait3A_116 = arith.constant 0 : i32
      %dma_wait3A_117 = arith.constant 0 : i32
      %dma_wait3A_118 = tpu.memref_slice %arg4[%dma_wait3A_116, %dma_wait3A_117] : memref<10000x16xf32, #tpu.memory_space<hbm>> -> memref<10000x16xf32, #tpu.memory_space<hbm>>
      tpu.wait_indirect_dma semaphore(%arg16 : memref<!tpu.dma_semaphore, #tpu.memory_space<semaphore_mem>>) src(%dma_wait3A_118 : memref<10000x16xf32, #tpu.memory_space<hbm>>) dst(%arg10 : memref<80x16xf32, #tpu.memory_space<vmem>>)
      %dma_start3A_119 = arith.constant 0 : i32
      %dma_start3A_120 = tpu.memref_slice %arg9[%add3A_112, %dma_start3A_119] : memref<125x80xi32, #tpu.memory_space<vmem>> -> memref<1x80xi32, #tpu.memory_space<vmem>>
      %dma_start3A_121 = tpu.memref_squeeze %dma_start3A_120 : memref<1x80xi32, #tpu.memory_space<vmem>> -> memref<80xi32, #tpu.memory_space<vmem>>
      %dma_start3A_122 = arith.constant 0 : i32
      %dma_start3A_123 = arith.constant 0 : i32
      %dma_start3A_124 = tpu.memref_slice %arg6[%dma_start3A_122, %dma_start3A_123] : memref<10000x16xf32, #tpu.memory_space<vmem_shared>> -> memref<10000x16xf32, #tpu.memory_space<vmem_shared>>
      tpu.enqueue_indirect_dma source(%arg10 : memref<80x16xf32, #tpu.memory_space<vmem>>) target(%dma_start3A_124 : memref<10000x16xf32, #tpu.memory_space<vmem_shared>>) offsets(%dma_start3A_121 : memref<80xi32, #tpu.memory_space<vmem>>) semaphore(%arg21 : memref<!tpu.dma_semaphore, #tpu.memory_space<semaphore_mem>>) {add = true}
      %add3A_125 = arith.constant 1 : i32
      %add3A_126 = arith.addi %mul3A_110, %add3A_125 : i32
      %dma_wait3A_127 = arith.constant 0 : i32
      %dma_wait3A_128 = tpu.memref_slice %arg8[%add3A_126, %dma_wait3A_127] : memref<125x80xi32, #tpu.memory_space<vmem>> -> memref<1x80xi32, #tpu.memory_space<vmem>>
      %dma_wait3A_129 = tpu.memref_squeeze %dma_wait3A_128 : memref<1x80xi32, #tpu.memory_space<vmem>> -> memref<80xi32, #tpu.memory_space<vmem>>
      %dma_wait3A_130 = arith.constant 0 : i32
      %dma_wait3A_131 = arith.constant 0 : i32
      %dma_wait3A_132 = tpu.memref_slice %arg4[%dma_wait3A_130, %dma_wait3A_131] : memref<10000x16xf32, #tpu.memory_space<hbm>> -> memref<10000x16xf32, #tpu.memory_space<hbm>>
      tpu.wait_indirect_dma semaphore(%arg17 : memref<!tpu.dma_semaphore, #tpu.memory_space<semaphore_mem>>) src(%dma_wait3A_132 : memref<10000x16xf32, #tpu.memory_space<hbm>>) dst(%arg11 : memref<80x16xf32, #tpu.memory_space<vmem>>)
      %dma_start3A_133 = arith.constant 0 : i32
      %dma_start3A_134 = tpu.memref_slice %arg9[%add3A_126, %dma_start3A_133] : memref<125x80xi32, #tpu.memory_space<vmem>> -> memref<1x80xi32, #tpu.memory_space<vmem>>
      %dma_start3A_135 = tpu.memref_squeeze %dma_start3A_134 : memref<1x80xi32, #tpu.memory_space<vmem>> -> memref<80xi32, #tpu.memory_space<vmem>>
      %dma_start3A_136 = arith.constant 0 : i32
      %dma_start3A_137 = arith.constant 0 : i32
      %dma_start3A_138 = tpu.memref_slice %arg6[%dma_start3A_136, %dma_start3A_137] : memref<10000x16xf32, #tpu.memory_space<vmem_shared>> -> memref<10000x16xf32, #tpu.memory_space<vmem_shared>>
      tpu.enqueue_indirect_dma source(%arg11 : memref<80x16xf32, #tpu.memory_space<vmem>>) target(%dma_start3A_138 : memref<10000x16xf32, #tpu.memory_space<vmem_shared>>) offsets(%dma_start3A_135 : memref<80xi32, #tpu.memory_space<vmem>>) semaphore(%arg22 : memref<!tpu.dma_semaphore, #tpu.memory_space<semaphore_mem>>) {add = true}
      %add3A_139 = arith.constant 2 : i32
      %add3A_140 = arith.addi %mul3A_110, %add3A_139 : i32
      %dma_wait3A_141 = arith.constant 0 : i32
      %dma_wait3A_142 = tpu.memref_slice %arg8[%add3A_140, %dma_wait3A_141] : memref<125x80xi32, #tpu.memory_space<vmem>> -> memref<1x80xi32, #tpu.memory_space<vmem>>
      %dma_wait3A_143 = tpu.memref_squeeze %dma_wait3A_142 : memref<1x80xi32, #tpu.memory_space<vmem>> -> memref<80xi32, #tpu.memory_space<vmem>>
      %dma_wait3A_144 = arith.constant 0 : i32
      %dma_wait3A_145 = arith.constant 0 : i32
      %dma_wait3A_146 = tpu.memref_slice %arg4[%dma_wait3A_144, %dma_wait3A_145] : memref<10000x16xf32, #tpu.memory_space<hbm>> -> memref<10000x16xf32, #tpu.memory_space<hbm>>
      tpu.wait_indirect_dma semaphore(%arg18 : memref<!tpu.dma_semaphore, #tpu.memory_space<semaphore_mem>>) src(%dma_wait3A_146 : memref<10000x16xf32, #tpu.memory_space<hbm>>) dst(%arg12 : memref<80x16xf32, #tpu.memory_space<vmem>>)
      %dma_start3A_147 = arith.constant 0 : i32
      %dma_start3A_148 = tpu.memref_slice %arg9[%add3A_140, %dma_start3A_147] : memref<125x80xi32, #tpu.memory_space<vmem>> -> memref<1x80xi32, #tpu.memory_space<vmem>>
      %dma_start3A_149 = tpu.memref_squeeze %dma_start3A_148 : memref<1x80xi32, #tpu.memory_space<vmem>> -> memref<80xi32, #tpu.memory_space<vmem>>
      %dma_start3A_150 = arith.constant 0 : i32
      %dma_start3A_151 = arith.constant 0 : i32
      %dma_start3A_152 = tpu.memref_slice %arg6[%dma_start3A_150, %dma_start3A_151] : memref<10000x16xf32, #tpu.memory_space<vmem_shared>> -> memref<10000x16xf32, #tpu.memory_space<vmem_shared>>
      tpu.enqueue_indirect_dma source(%arg12 : memref<80x16xf32, #tpu.memory_space<vmem>>) target(%dma_start3A_152 : memref<10000x16xf32, #tpu.memory_space<vmem_shared>>) offsets(%dma_start3A_149 : memref<80xi32, #tpu.memory_space<vmem>>) semaphore(%arg23 : memref<!tpu.dma_semaphore, #tpu.memory_space<semaphore_mem>>) {add = true}
      %add3A_153 = arith.constant 3 : i32
      %add3A_154 = arith.addi %mul3A_110, %add3A_153 : i32
      %dma_wait3A_155 = arith.constant 0 : i32
      %dma_wait3A_156 = tpu.memref_slice %arg8[%add3A_154, %dma_wait3A_155] : memref<125x80xi32, #tpu.memory_space<vmem>> -> memref<1x80xi32, #tpu.memory_space<vmem>>
      %dma_wait3A_157 = tpu.memref_squeeze %dma_wait3A_156 : memref<1x80xi32, #tpu.memory_space<vmem>> -> memref<80xi32, #tpu.memory_space<vmem>>
      %dma_wait3A_158 = arith.constant 0 : i32
      %dma_wait3A_159 = arith.constant 0 : i32
      %dma_wait3A_160 = tpu.memref_slice %arg4[%dma_wait3A_158, %dma_wait3A_159] : memref<10000x16xf32, #tpu.memory_space<hbm>> -> memref<10000x16xf32, #tpu.memory_space<hbm>>
      tpu.wait_indirect_dma semaphore(%arg19 : memref<!tpu.dma_semaphore, #tpu.memory_space<semaphore_mem>>) src(%dma_wait3A_160 : memref<10000x16xf32, #tpu.memory_space<hbm>>) dst(%arg13 : memref<80x16xf32, #tpu.memory_space<vmem>>)
      %dma_start3A_161 = arith.constant 0 : i32
      %dma_start3A_162 = tpu.memref_slice %arg9[%add3A_154, %dma_start3A_161] : memref<125x80xi32, #tpu.memory_space<vmem>> -> memref<1x80xi32, #tpu.memory_space<vmem>>
      %dma_start3A_163 = tpu.memref_squeeze %dma_start3A_162 : memref<1x80xi32, #tpu.memory_space<vmem>> -> memref<80xi32, #tpu.memory_space<vmem>>
      %dma_start3A_164 = arith.constant 0 : i32
      %dma_start3A_165 = arith.constant 0 : i32
      %dma_start3A_166 = tpu.memref_slice %arg6[%dma_start3A_164, %dma_start3A_165] : memref<10000x16xf32, #tpu.memory_space<vmem_shared>> -> memref<10000x16xf32, #tpu.memory_space<vmem_shared>>
      tpu.enqueue_indirect_dma source(%arg13 : memref<80x16xf32, #tpu.memory_space<vmem>>) target(%dma_start3A_166 : memref<10000x16xf32, #tpu.memory_space<vmem_shared>>) offsets(%dma_start3A_163 : memref<80xi32, #tpu.memory_space<vmem>>) semaphore(%arg24 : memref<!tpu.dma_semaphore, #tpu.memory_space<semaphore_mem>>) {add = true}
      %add3A_167 = arith.constant 4 : i32
      %add3A_168 = arith.addi %mul3A_110, %add3A_167 : i32
      %dma_wait3A_169 = arith.constant 0 : i32
      %dma_wait3A_170 = tpu.memref_slice %arg8[%add3A_168, %dma_wait3A_169] : memref<125x80xi32, #tpu.memory_space<vmem>> -> memref<1x80xi32, #tpu.memory_space<vmem>>
      %dma_wait3A_171 = tpu.memref_squeeze %dma_wait3A_170 : memref<1x80xi32, #tpu.memory_space<vmem>> -> memref<80xi32, #tpu.memory_space<vmem>>
      %dma_wait3A_172 = arith.constant 0 : i32
      %dma_wait3A_173 = arith.constant 0 : i32
      %dma_wait3A_174 = tpu.memref_slice %arg4[%dma_wait3A_172, %dma_wait3A_173] : memref<10000x16xf32, #tpu.memory_space<hbm>> -> memref<10000x16xf32, #tpu.memory_space<hbm>>
      tpu.wait_indirect_dma semaphore(%arg20 : memref<!tpu.dma_semaphore, #tpu.memory_space<semaphore_mem>>) src(%dma_wait3A_174 : memref<10000x16xf32, #tpu.memory_space<hbm>>) dst(%arg14 : memref<80x16xf32, #tpu.memory_space<vmem>>)
      %dma_start3A_175 = arith.constant 0 : i32
      %dma_start3A_176 = tpu.memref_slice %arg9[%add3A_168, %dma_start3A_175] : memref<125x80xi32, #tpu.memory_space<vmem>> -> memref<1x80xi32, #tpu.memory_space<vmem>>
      %dma_start3A_177 = tpu.memref_squeeze %dma_start3A_176 : memref<1x80xi32, #tpu.memory_space<vmem>> -> memref<80xi32, #tpu.memory_space<vmem>>
      %dma_start3A_178 = arith.constant 0 : i32
      %dma_start3A_179 = arith.constant 0 : i32
      %dma_start3A_180 = tpu.memref_slice %arg6[%dma_start3A_178, %dma_start3A_179] : memref<10000x16xf32, #tpu.memory_space<vmem_shared>> -> memref<10000x16xf32, #tpu.memory_space<vmem_shared>>
      tpu.enqueue_indirect_dma source(%arg14 : memref<80x16xf32, #tpu.memory_space<vmem>>) target(%dma_start3A_180 : memref<10000x16xf32, #tpu.memory_space<vmem_shared>>) offsets(%dma_start3A_177 : memref<80xi32, #tpu.memory_space<vmem>>) semaphore(%arg25 : memref<!tpu.dma_semaphore, #tpu.memory_space<semaphore_mem>>) {add = true}
      %add3A_181 = arith.constant 0 : i32
      %add3A_182 = arith.addi %mul3A_110, %add3A_181 : i32
      %dma_wait3A_183 = arith.constant 0 : i32
      %dma_wait3A_184 = tpu.memref_slice %arg9[%add3A_182, %dma_wait3A_183] : memref<125x80xi32, #tpu.memory_space<vmem>> -> memref<1x80xi32, #tpu.memory_space<vmem>>
      %dma_wait3A_185 = tpu.memref_squeeze %dma_wait3A_184 : memref<1x80xi32, #tpu.memory_space<vmem>> -> memref<80xi32, #tpu.memory_space<vmem>>
      %dma_wait3A_186 = arith.constant 0 : i32
      %dma_wait3A_187 = arith.constant 0 : i32
      %dma_wait3A_188 = tpu.memref_slice %arg6[%dma_wait3A_186, %dma_wait3A_187] : memref<10000x16xf32, #tpu.memory_space<vmem_shared>> -> memref<10000x16xf32, #tpu.memory_space<vmem_shared>>
      tpu.wait_indirect_dma semaphore(%arg21 : memref<!tpu.dma_semaphore, #tpu.memory_space<semaphore_mem>>) src(%arg10 : memref<80x16xf32, #tpu.memory_space<vmem>>) dst(%dma_wait3A_188 : memref<10000x16xf32, #tpu.memory_space<vmem_shared>>)
      %lt3A_189 = arith.constant 24 : i32
      %lt3A_190 = arith.cmpi slt, %scan3A_107, %lt3A_189 : i32
      %convert_element_type3A_191 = arith.extui %lt3A_190 : i1 to i32
      %cond3A_192 = arith.constant 0 : i32
      %cond3A_193 = arith.cmpi ne, %convert_element_type3A_191, %cond3A_192 : i32
      scf.if %cond3A_193 {
        %add3A_247 = arith.constant 5 : i32
        %add3A_248 = arith.addi %add3A_182, %add3A_247 : i32
        %dma_start3A_249 = arith.constant 0 : i32
        %dma_start3A_250 = tpu.memref_slice %arg8[%add3A_248, %dma_start3A_249] : memref<125x80xi32, #tpu.memory_space<vmem>> -> memref<1x80xi32, #tpu.memory_space<vmem>>
        %dma_start3A_251 = tpu.memref_squeeze %dma_start3A_250 : memref<1x80xi32, #tpu.memory_space<vmem>> -> memref<80xi32, #tpu.memory_space<vmem>>
        %dma_start3A_252 = arith.constant 0 : i32
        %dma_start3A_253 = arith.constant 0 : i32
        %dma_start3A_254 = tpu.memref_slice %arg4[%dma_start3A_252, %dma_start3A_253] : memref<10000x16xf32, #tpu.memory_space<hbm>> -> memref<10000x16xf32, #tpu.memory_space<hbm>>
        tpu.enqueue_indirect_dma source(%dma_start3A_254 : memref<10000x16xf32, #tpu.memory_space<hbm>>) target(%arg10 : memref<80x16xf32, #tpu.memory_space<vmem>>) offsets(%dma_start3A_251 : memref<80xi32, #tpu.memory_space<vmem>>) semaphore(%arg16 : memref<!tpu.dma_semaphore, #tpu.memory_space<semaphore_mem>>)
      } else {
      }
      %add3A_194 = arith.constant 1 : i32
      %add3A_195 = arith.addi %mul3A_110, %add3A_194 : i32
      %dma_wait3A_196 = arith.constant 0 : i32
      %dma_wait3A_197 = tpu.memref_slice %arg9[%add3A_195, %dma_wait3A_196] : memref<125x80xi32, #tpu.memory_space<vmem>> -> memref<1x80xi32, #tpu.memory_space<vmem>>
      %dma_wait3A_198 = tpu.memref_squeeze %dma_wait3A_197 : memref<1x80xi32, #tpu.memory_space<vmem>> -> memref<80xi32, #tpu.memory_space<vmem>>
      %dma_wait3A_199 = arith.constant 0 : i32
      %dma_wait3A_200 = arith.constant 0 : i32
      %dma_wait3A_201 = tpu.memref_slice %arg6[%dma_wait3A_199, %dma_wait3A_200] : memref<10000x16xf32, #tpu.memory_space<vmem_shared>> -> memref<10000x16xf32, #tpu.memory_space<vmem_shared>>
      tpu.wait_indirect_dma semaphore(%arg22 : memref<!tpu.dma_semaphore, #tpu.memory_space<semaphore_mem>>) src(%arg11 : memref<80x16xf32, #tpu.memory_space<vmem>>) dst(%dma_wait3A_201 : memref<10000x16xf32, #tpu.memory_space<vmem_shared>>)
      %lt3A_202 = arith.constant 24 : i32
      %lt3A_203 = arith.cmpi slt, %scan3A_107, %lt3A_202 : i32
      %convert_element_type3A_204 = arith.extui %lt3A_203 : i1 to i32
      %cond3A_205 = arith.constant 0 : i32
      %cond3A_206 = arith.cmpi ne, %convert_element_type3A_204, %cond3A_205 : i32
      scf.if %cond3A_206 {
        %add3A_247 = arith.constant 5 : i32
        %add3A_248 = arith.addi %add3A_195, %add3A_247 : i32
        %dma_start3A_249 = arith.constant 0 : i32
        %dma_start3A_250 = tpu.memref_slice %arg8[%add3A_248, %dma_start3A_249] : memref<125x80xi32, #tpu.memory_space<vmem>> -> memref<1x80xi32, #tpu.memory_space<vmem>>
        %dma_start3A_251 = tpu.memref_squeeze %dma_start3A_250 : memref<1x80xi32, #tpu.memory_space<vmem>> -> memref<80xi32, #tpu.memory_space<vmem>>
        %dma_start3A_252 = arith.constant 0 : i32
        %dma_start3A_253 = arith.constant 0 : i32
        %dma_start3A_254 = tpu.memref_slice %arg4[%dma_start3A_252, %dma_start3A_253] : memref<10000x16xf32, #tpu.memory_space<hbm>> -> memref<10000x16xf32, #tpu.memory_space<hbm>>
        tpu.enqueue_indirect_dma source(%dma_start3A_254 : memref<10000x16xf32, #tpu.memory_space<hbm>>) target(%arg11 : memref<80x16xf32, #tpu.memory_space<vmem>>) offsets(%dma_start3A_251 : memref<80xi32, #tpu.memory_space<vmem>>) semaphore(%arg17 : memref<!tpu.dma_semaphore, #tpu.memory_space<semaphore_mem>>)
      } else {
      }
      %add3A_207 = arith.constant 2 : i32
      %add3A_208 = arith.addi %mul3A_110, %add3A_207 : i32
      %dma_wait3A_209 = arith.constant 0 : i32
      %dma_wait3A_210 = tpu.memref_slice %arg9[%add3A_208, %dma_wait3A_209] : memref<125x80xi32, #tpu.memory_space<vmem>> -> memref<1x80xi32, #tpu.memory_space<vmem>>
      %dma_wait3A_211 = tpu.memref_squeeze %dma_wait3A_210 : memref<1x80xi32, #tpu.memory_space<vmem>> -> memref<80xi32, #tpu.memory_space<vmem>>
      %dma_wait3A_212 = arith.constant 0 : i32
      %dma_wait3A_213 = arith.constant 0 : i32
      %dma_wait3A_214 = tpu.memref_slice %arg6[%dma_wait3A_212, %dma_wait3A_213] : memref<10000x16xf32, #tpu.memory_space<vmem_shared>> -> memref<10000x16xf32, #tpu.memory_space<vmem_shared>>
      tpu.wait_indirect_dma semaphore(%arg23 : memref<!tpu.dma_semaphore, #tpu.memory_space<semaphore_mem>>) src(%arg12 : memref<80x16xf32, #tpu.memory_space<vmem>>) dst(%dma_wait3A_214 : memref<10000x16xf32, #tpu.memory_space<vmem_shared>>)
      %lt3A_215 = arith.constant 24 : i32
      %lt3A_216 = arith.cmpi slt, %scan3A_107, %lt3A_215 : i32
      %convert_element_type3A_217 = arith.extui %lt3A_216 : i1 to i32
      %cond3A_218 = arith.constant 0 : i32
      %cond3A_219 = arith.cmpi ne, %convert_element_type3A_217, %cond3A_218 : i32
      scf.if %cond3A_219 {
        %add3A_247 = arith.constant 5 : i32
        %add3A_248 = arith.addi %add3A_208, %add3A_247 : i32
        %dma_start3A_249 = arith.constant 0 : i32
        %dma_start3A_250 = tpu.memref_slice %arg8[%add3A_248, %dma_start3A_249] : memref<125x80xi32, #tpu.memory_space<vmem>> -> memref<1x80xi32, #tpu.memory_space<vmem>>
        %dma_start3A_251 = tpu.memref_squeeze %dma_start3A_250 : memref<1x80xi32, #tpu.memory_space<vmem>> -> memref<80xi32, #tpu.memory_space<vmem>>
        %dma_start3A_252 = arith.constant 0 : i32
        %dma_start3A_253 = arith.constant 0 : i32
        %dma_start3A_254 = tpu.memref_slice %arg4[%dma_start3A_252, %dma_start3A_253] : memref<10000x16xf32, #tpu.memory_space<hbm>> -> memref<10000x16xf32, #tpu.memory_space<hbm>>
        tpu.enqueue_indirect_dma source(%dma_start3A_254 : memref<10000x16xf32, #tpu.memory_space<hbm>>) target(%arg12 : memref<80x16xf32, #tpu.memory_space<vmem>>) offsets(%dma_start3A_251 : memref<80xi32, #tpu.memory_space<vmem>>) semaphore(%arg18 : memref<!tpu.dma_semaphore, #tpu.memory_space<semaphore_mem>>)
      } else {
      }
      %add3A_220 = arith.constant 3 : i32
      %add3A_221 = arith.addi %mul3A_110, %add3A_220 : i32
      %dma_wait3A_222 = arith.constant 0 : i32
      %dma_wait3A_223 = tpu.memref_slice %arg9[%add3A_221, %dma_wait3A_222] : memref<125x80xi32, #tpu.memory_space<vmem>> -> memref<1x80xi32, #tpu.memory_space<vmem>>
      %dma_wait3A_224 = tpu.memref_squeeze %dma_wait3A_223 : memref<1x80xi32, #tpu.memory_space<vmem>> -> memref<80xi32, #tpu.memory_space<vmem>>
      %dma_wait3A_225 = arith.constant 0 : i32
      %dma_wait3A_226 = arith.constant 0 : i32
      %dma_wait3A_227 = tpu.memref_slice %arg6[%dma_wait3A_225, %dma_wait3A_226] : memref<10000x16xf32, #tpu.memory_space<vmem_shared>> -> memref<10000x16xf32, #tpu.memory_space<vmem_shared>>
      tpu.wait_indirect_dma semaphore(%arg24 : memref<!tpu.dma_semaphore, #tpu.memory_space<semaphore_mem>>) src(%arg13 : memref<80x16xf32, #tpu.memory_space<vmem>>) dst(%dma_wait3A_227 : memref<10000x16xf32, #tpu.memory_space<vmem_shared>>)
      %lt3A_228 = arith.constant 24 : i32
      %lt3A_229 = arith.cmpi slt, %scan3A_107, %lt3A_228 : i32
      %convert_element_type3A_230 = arith.extui %lt3A_229 : i1 to i32
      %cond3A_231 = arith.constant 0 : i32
      %cond3A_232 = arith.cmpi ne, %convert_element_type3A_230, %cond3A_231 : i32
      scf.if %cond3A_232 {
        %add3A_247 = arith.constant 5 : i32
        %add3A_248 = arith.addi %add3A_221, %add3A_247 : i32
        %dma_start3A_249 = arith.constant 0 : i32
        %dma_start3A_250 = tpu.memref_slice %arg8[%add3A_248, %dma_start3A_249] : memref<125x80xi32, #tpu.memory_space<vmem>> -> memref<1x80xi32, #tpu.memory_space<vmem>>
        %dma_start3A_251 = tpu.memref_squeeze %dma_start3A_250 : memref<1x80xi32, #tpu.memory_space<vmem>> -> memref<80xi32, #tpu.memory_space<vmem>>
        %dma_start3A_252 = arith.constant 0 : i32
        %dma_start3A_253 = arith.constant 0 : i32
        %dma_start3A_254 = tpu.memref_slice %arg4[%dma_start3A_252, %dma_start3A_253] : memref<10000x16xf32, #tpu.memory_space<hbm>> -> memref<10000x16xf32, #tpu.memory_space<hbm>>
        tpu.enqueue_indirect_dma source(%dma_start3A_254 : memref<10000x16xf32, #tpu.memory_space<hbm>>) target(%arg13 : memref<80x16xf32, #tpu.memory_space<vmem>>) offsets(%dma_start3A_251 : memref<80xi32, #tpu.memory_space<vmem>>) semaphore(%arg19 : memref<!tpu.dma_semaphore, #tpu.memory_space<semaphore_mem>>)
      } else {
      }
      %add3A_233 = arith.constant 4 : i32
      %add3A_234 = arith.addi %mul3A_110, %add3A_233 : i32
      %dma_wait3A_235 = arith.constant 0 : i32
      %dma_wait3A_236 = tpu.memref_slice %arg9[%add3A_234, %dma_wait3A_235] : memref<125x80xi32, #tpu.memory_space<vmem>> -> memref<1x80xi32, #tpu.memory_space<vmem>>
      %dma_wait3A_237 = tpu.memref_squeeze %dma_wait3A_236 : memref<1x80xi32, #tpu.memory_space<vmem>> -> memref<80xi32, #tpu.memory_space<vmem>>
      %dma_wait3A_238 = arith.constant 0 : i32
      %dma_wait3A_239 = arith.constant 0 : i32
      %dma_wait3A_240 = tpu.memref_slice %arg6[%dma_wait3A_238, %dma_wait3A_239] : memref<10000x16xf32, #tpu.memory_space<vmem_shared>> -> memref<10000x16xf32, #tpu.memory_space<vmem_shared>>
      tpu.wait_indirect_dma semaphore(%arg25 : memref<!tpu.dma_semaphore, #tpu.memory_space<semaphore_mem>>) src(%arg14 : memref<80x16xf32, #tpu.memory_space<vmem>>) dst(%dma_wait3A_240 : memref<10000x16xf32, #tpu.memory_space<vmem_shared>>)
      %lt3A_241 = arith.constant 24 : i32
      %lt3A_242 = arith.cmpi slt, %scan3A_107, %lt3A_241 : i32
      %convert_element_type3A_243 = arith.extui %lt3A_242 : i1 to i32
      %cond3A_244 = arith.constant 0 : i32
      %cond3A_245 = arith.cmpi ne, %convert_element_type3A_243, %cond3A_244 : i32
      scf.if %cond3A_245 {
        %add3A_247 = arith.constant 5 : i32
        %add3A_248 = arith.addi %add3A_234, %add3A_247 : i32
        %dma_start3A_249 = arith.constant 0 : i32
        %dma_start3A_250 = tpu.memref_slice %arg8[%add3A_248, %dma_start3A_249] : memref<125x80xi32, #tpu.memory_space<vmem>> -> memref<1x80xi32, #tpu.memory_space<vmem>>
        %dma_start3A_251 = tpu.memref_squeeze %dma_start3A_250 : memref<1x80xi32, #tpu.memory_space<vmem>> -> memref<80xi32, #tpu.memory_space<vmem>>
        %dma_start3A_252 = arith.constant 0 : i32
        %dma_start3A_253 = arith.constant 0 : i32
        %dma_start3A_254 = tpu.memref_slice %arg4[%dma_start3A_252, %dma_start3A_253] : memref<10000x16xf32, #tpu.memory_space<hbm>> -> memref<10000x16xf32, #tpu.memory_space<hbm>>
        tpu.enqueue_indirect_dma source(%dma_start3A_254 : memref<10000x16xf32, #tpu.memory_space<hbm>>) target(%arg14 : memref<80x16xf32, #tpu.memory_space<vmem>>) offsets(%dma_start3A_251 : memref<80xi32, #tpu.memory_space<vmem>>) semaphore(%arg20 : memref<!tpu.dma_semaphore, #tpu.memory_space<semaphore_mem>>)
      } else {
      }
      %scan3A_246 = arith.constant 0 : i32
      scf.yield %scan3A_246 : i32
    }
    %scan3A_95 = arith.constant 25 : i32
    %barrier3A_96 = arith.constant 0 : index
    tpu.barrier barrier_id(%barrier3A_96)
    %lt3A_97 = arith.constant 15 : i32
    %lt3A_98 = arith.cmpi slt, %arg1, %lt3A_97 : i32
    %convert_element_type3A_99 = arith.extui %lt3A_98 : i1 to i32
    %cond3A_100 = arith.constant 0 : i32
    %cond3A_101 = arith.cmpi ne, %convert_element_type3A_99, %cond3A_100 : i32
    scf.if %cond3A_101 {
      %mul3A_107 = arith.constant 632 : i32
      %mul3A_108 = arith.muli %arg1, %mul3A_107 : i32
      %mul3A_109 = arith.constant 632 : i32
      %mul3A_110 = arith.muli %arg1, %mul3A_109 : i32
      "tpu.region"() ({
        %run_scoped3A = tpu.sem_alloc : memref<!tpu.dma_semaphore, #tpu.memory_space<semaphore_mem>>
        %dma_start3A_111 = arith.constant 0 : i32
        %dma_start3A_112 = tpu.memref_slice %arg5[%arg0, %mul3A_110, %dma_start3A_111] : memref<2x10000x16xf32, #tpu.memory_space<hbm>> -> memref<1x632x16xf32, #tpu.memory_space<hbm>>
        %dma_start3A_113 = tpu.memref_squeeze %dma_start3A_112 : memref<1x632x16xf32, #tpu.memory_space<hbm>> -> memref<632x16xf32, #tpu.memory_space<hbm>>
        %dma_start3A_114 = arith.constant 0 : i32
        %dma_start3A_115 = tpu.memref_slice %arg6[%mul3A_108, %dma_start3A_114] : memref<10000x16xf32, #tpu.memory_space<vmem_shared>> -> memref<632x16xf32, #tpu.memory_space<vmem_shared>>
        tpu.enqueue_dma source(%dma_start3A_115 : memref<632x16xf32, #tpu.memory_space<vmem_shared>>) target(%dma_start3A_113 : memref<632x16xf32, #tpu.memory_space<hbm>>) target_semaphore(%run_scoped3A : memref<!tpu.dma_semaphore, #tpu.memory_space<semaphore_mem>>)
        %dma_wait3A_116 = arith.constant 0 : i32
        %dma_wait3A_117 = tpu.memref_slice %arg5[%arg0, %mul3A_110, %dma_wait3A_116] : memref<2x10000x16xf32, #tpu.memory_space<hbm>> -> memref<1x632x16xf32, #tpu.memory_space<hbm>>
        %dma_wait3A_118 = tpu.memref_squeeze %dma_wait3A_117 : memref<1x632x16xf32, #tpu.memory_space<hbm>> -> memref<632x16xf32, #tpu.memory_space<hbm>>
        %dma_wait3A_119 = arith.constant 0 : i32
        %dma_wait3A_120 = tpu.memref_slice %arg6[%mul3A_108, %dma_wait3A_119] : memref<10000x16xf32, #tpu.memory_space<vmem_shared>> -> memref<632x16xf32, #tpu.memory_space<vmem_shared>>
        tpu.wait_dma2 semaphore(%run_scoped3A : memref<!tpu.dma_semaphore, #tpu.memory_space<semaphore_mem>>) src(%dma_wait3A_120 : memref<632x16xf32, #tpu.memory_space<vmem_shared>>) dst(%dma_wait3A_118 : memref<632x16xf32, #tpu.memory_space<hbm>>)
        tpu.yield
      }) : () -> ()
    } else {
    }
    %eq3A_102 = arith.constant 15 : i32
    %eq3A_103 = arith.cmpi eq, %arg1, %eq3A_102 : i32
    %convert_element_type3A_104 = arith.extui %eq3A_103 : i1 to i32
    %cond3A_105 = arith.constant 0 : i32
    %cond3A_106 = arith.cmpi ne, %convert_element_type3A_104, %cond3A_105 : i32
    scf.if %cond3A_106 {
      "tpu.region"() ({
        %run_scoped3A = tpu.sem_alloc : memref<!tpu.dma_semaphore, #tpu.memory_space<semaphore_mem>>
        %dma_start3A_107 = arith.constant 9480 : i32
        %dma_start3A_108 = arith.constant 0 : i32
        %dma_start3A_109 = tpu.memref_slice %arg5[%arg0, %dma_start3A_107, %dma_start3A_108] : memref<2x10000x16xf32, #tpu.memory_space<hbm>> -> memref<1x520x16xf32, #tpu.memory_space<hbm>>
        %dma_start3A_110 = tpu.memref_squeeze %dma_start3A_109 : memref<1x520x16xf32, #tpu.memory_space<hbm>> -> memref<520x16xf32, #tpu.memory_space<hbm>>
        %dma_start3A_111 = arith.constant 9480 : i32
        %dma_start3A_112 = arith.constant 0 : i32
        %dma_start3A_113 = tpu.memref_slice %arg6[%dma_start3A_111, %dma_start3A_112] : memref<10000x16xf32, #tpu.memory_space<vmem_shared>> -> memref<520x16xf32, #tpu.memory_space<vmem_shared>>
        tpu.enqueue_dma source(%dma_start3A_113 : memref<520x16xf32, #tpu.memory_space<vmem_shared>>) target(%dma_start3A_110 : memref<520x16xf32, #tpu.memory_space<hbm>>) target_semaphore(%run_scoped3A : memref<!tpu.dma_semaphore, #tpu.memory_space<semaphore_mem>>)
        %dma_wait3A_114 = arith.constant 9480 : i32
        %dma_wait3A_115 = arith.constant 0 : i32
        %dma_wait3A_116 = tpu.memref_slice %arg5[%arg0, %dma_wait3A_114, %dma_wait3A_115] : memref<2x10000x16xf32, #tpu.memory_space<hbm>> -> memref<1x520x16xf32, #tpu.memory_space<hbm>>
        %dma_wait3A_117 = tpu.memref_squeeze %dma_wait3A_116 : memref<1x520x16xf32, #tpu.memory_space<hbm>> -> memref<520x16xf32, #tpu.memory_space<hbm>>
        %dma_wait3A_118 = arith.constant 9480 : i32
        %dma_wait3A_119 = arith.constant 0 : i32
        %dma_wait3A_120 = tpu.memref_slice %arg6[%dma_wait3A_118, %dma_wait3A_119] : memref<10000x16xf32, #tpu.memory_space<vmem_shared>> -> memref<520x16xf32, #tpu.memory_space<vmem_shared>>
        tpu.wait_dma2 semaphore(%run_scoped3A : memref<!tpu.dma_semaphore, #tpu.memory_space<semaphore_mem>>) src(%dma_wait3A_120 : memref<520x16xf32, #tpu.memory_space<vmem_shared>>) dst(%dma_wait3A_117 : memref<520x16xf32, #tpu.memory_space<hbm>>)
        tpu.yield
      }) : () -> ()
    } else {
    }
    return
  }
}

#map = affine_map<(d0, d1) -> (0, 0)>
module attributes {stable_mosaic.version = 14 : i64} {
  func.func @_pair_body(%arg0: i32, %arg1: i32, %arg2: memref<10000x2xf32, #tpu.memory_space<hbm>>, %arg3: memref<32x3200xi32, #tpu.memory_space<hbm>>, %arg4: memref<32x3200xi32, #tpu.memory_space<hbm>>, %arg5: memref<32x3200xf32, #tpu.memory_space<hbm>>, %arg6: memref<10000x2xf32, #tpu.memory_space<vmem>>, %arg7: memref<3200xi32, #tpu.memory_space<vmem>>, %arg8: memref<3200xi32, #tpu.memory_space<vmem>>, %arg9: memref<3200xf32, #tpu.memory_space<vmem>>) attributes {dimension_semantics = [#tpu.dimension_semantics<core_parallel>, #tpu.dimension_semantics<subcore_parallel>], iteration_bounds = array<i64: 2, 16>, scalar_prefetch = 0 : i64, scratch_operands = 4 : i64, tpu.core_type = #tpu.core_type<sc_vector_subcore>, window_params = [{transform_indices = #map}, {transform_indices = #map}, {transform_indices = #map}, {transform_indices = #map}]} {
    %mul3A = arith.constant 16 : i32
    %mul3A_0 = arith.muli %arg0, %mul3A : i32
    %add3A = arith.addi %mul3A_0, %arg1 : i32
    "tpu.region"() ({
      %run_scoped3A = tpu.sem_alloc : memref<!tpu.dma_semaphore, #tpu.memory_space<semaphore_mem>>
      tpu.enqueue_dma source(%arg2 : memref<10000x2xf32, #tpu.memory_space<hbm>>) target(%arg6 : memref<10000x2xf32, #tpu.memory_space<vmem>>) target_semaphore(%run_scoped3A : memref<!tpu.dma_semaphore, #tpu.memory_space<semaphore_mem>>)
      tpu.wait_dma2 semaphore(%run_scoped3A : memref<!tpu.dma_semaphore, #tpu.memory_space<semaphore_mem>>) src(%arg2 : memref<10000x2xf32, #tpu.memory_space<hbm>>) dst(%arg6 : memref<10000x2xf32, #tpu.memory_space<vmem>>)
      tpu.yield
    }) : () -> ()
    "tpu.region"() ({
      %run_scoped3A = tpu.sem_alloc : memref<!tpu.dma_semaphore, #tpu.memory_space<semaphore_mem>>
      %dma_start3A = arith.constant 0 : i32
      %dma_start3A_10 = tpu.memref_slice %arg3[%add3A, %dma_start3A] : memref<32x3200xi32, #tpu.memory_space<hbm>> -> memref<1x3200xi32, #tpu.memory_space<hbm>>
      %dma_start3A_11 = tpu.memref_squeeze %dma_start3A_10 : memref<1x3200xi32, #tpu.memory_space<hbm>> -> memref<3200xi32, #tpu.memory_space<hbm>>
      %dma_start3A_12 = arith.constant 0 : i32
      %dma_start3A_13 = tpu.memref_slice %arg3[%add3A, %dma_start3A_12] : memref<32x3200xi32, #tpu.memory_space<hbm>> -> memref<1x3200xi32, #tpu.memory_space<hbm>>
      %dma_start3A_14 = tpu.memref_squeeze %dma_start3A_13 : memref<1x3200xi32, #tpu.memory_space<hbm>> -> memref<3200xi32, #tpu.memory_space<hbm>>
      tpu.enqueue_dma source(%dma_start3A_14 : memref<3200xi32, #tpu.memory_space<hbm>>) target(%arg7 : memref<3200xi32, #tpu.memory_space<vmem>>) target_semaphore(%run_scoped3A : memref<!tpu.dma_semaphore, #tpu.memory_space<semaphore_mem>>)
      %dma_wait3A = arith.constant 0 : i32
      %dma_wait3A_15 = tpu.memref_slice %arg3[%add3A, %dma_wait3A] : memref<32x3200xi32, #tpu.memory_space<hbm>> -> memref<1x3200xi32, #tpu.memory_space<hbm>>
      %dma_wait3A_16 = tpu.memref_squeeze %dma_wait3A_15 : memref<1x3200xi32, #tpu.memory_space<hbm>> -> memref<3200xi32, #tpu.memory_space<hbm>>
      %dma_wait3A_17 = arith.constant 0 : i32
      %dma_wait3A_18 = tpu.memref_slice %arg3[%add3A, %dma_wait3A_17] : memref<32x3200xi32, #tpu.memory_space<hbm>> -> memref<1x3200xi32, #tpu.memory_space<hbm>>
      %dma_wait3A_19 = tpu.memref_squeeze %dma_wait3A_18 : memref<1x3200xi32, #tpu.memory_space<hbm>> -> memref<3200xi32, #tpu.memory_space<hbm>>
      tpu.wait_dma2 semaphore(%run_scoped3A : memref<!tpu.dma_semaphore, #tpu.memory_space<semaphore_mem>>) src(%dma_wait3A_19 : memref<3200xi32, #tpu.memory_space<hbm>>) dst(%arg7 : memref<3200xi32, #tpu.memory_space<vmem>>)
      tpu.yield
    }) : () -> ()
    "tpu.region"() ({
      %run_scoped3A = tpu.sem_alloc : memref<!tpu.dma_semaphore, #tpu.memory_space<semaphore_mem>>
      %dma_start3A = arith.constant 0 : i32
      %dma_start3A_10 = tpu.memref_slice %arg4[%add3A, %dma_start3A] : memref<32x3200xi32, #tpu.memory_space<hbm>> -> memref<1x3200xi32, #tpu.memory_space<hbm>>
      %dma_start3A_11 = tpu.memref_squeeze %dma_start3A_10 : memref<1x3200xi32, #tpu.memory_space<hbm>> -> memref<3200xi32, #tpu.memory_space<hbm>>
      %dma_start3A_12 = arith.constant 0 : i32
      %dma_start3A_13 = tpu.memref_slice %arg4[%add3A, %dma_start3A_12] : memref<32x3200xi32, #tpu.memory_space<hbm>> -> memref<1x3200xi32, #tpu.memory_space<hbm>>
      %dma_start3A_14 = tpu.memref_squeeze %dma_start3A_13 : memref<1x3200xi32, #tpu.memory_space<hbm>> -> memref<3200xi32, #tpu.memory_space<hbm>>
      tpu.enqueue_dma source(%dma_start3A_14 : memref<3200xi32, #tpu.memory_space<hbm>>) target(%arg8 : memref<3200xi32, #tpu.memory_space<vmem>>) target_semaphore(%run_scoped3A : memref<!tpu.dma_semaphore, #tpu.memory_space<semaphore_mem>>)
      %dma_wait3A = arith.constant 0 : i32
      %dma_wait3A_15 = tpu.memref_slice %arg4[%add3A, %dma_wait3A] : memref<32x3200xi32, #tpu.memory_space<hbm>> -> memref<1x3200xi32, #tpu.memory_space<hbm>>
      %dma_wait3A_16 = tpu.memref_squeeze %dma_wait3A_15 : memref<1x3200xi32, #tpu.memory_space<hbm>> -> memref<3200xi32, #tpu.memory_space<hbm>>
      %dma_wait3A_17 = arith.constant 0 : i32
      %dma_wait3A_18 = tpu.memref_slice %arg4[%add3A, %dma_wait3A_17] : memref<32x3200xi32, #tpu.memory_space<hbm>> -> memref<1x3200xi32, #tpu.memory_space<hbm>>
      %dma_wait3A_19 = tpu.memref_squeeze %dma_wait3A_18 : memref<1x3200xi32, #tpu.memory_space<hbm>> -> memref<3200xi32, #tpu.memory_space<hbm>>
      tpu.wait_dma2 semaphore(%run_scoped3A : memref<!tpu.dma_semaphore, #tpu.memory_space<semaphore_mem>>) src(%dma_wait3A_19 : memref<3200xi32, #tpu.memory_space<hbm>>) dst(%arg8 : memref<3200xi32, #tpu.memory_space<vmem>>)
      tpu.yield
    }) : () -> ()
    %broadcast_in_dim3A = arith.constant 0 : i32
    %broadcast_in_dim3A_1 = vector.broadcast %broadcast_in_dim3A : i32 to vector<16xi32>
    %broadcast_in_dim3A_2 = arith.constant 1 : i32
    %broadcast_in_dim3A_3 = vector.broadcast %broadcast_in_dim3A_2 : i32 to vector<16xi32>
    %scan3A = arith.constant 0 : i32
    %scan3A_4 = arith.constant 0 : i32
    %scan3A_5 = arith.constant 25 : i32
    %scan3A_6 = arith.addi %scan3A_4, %scan3A_5 : i32
    %scan3A_7 = arith.constant 1 : i32
    %scan3A_8 = scf.for %scan3A_10 = %scan3A_4 to %scan3A_6 step %scan3A_7 iter_args(%scan3A_11 = %scan3A) -> (i32)  : i32 {
      %mul3A_12 = arith.constant 8 : i32
      %mul3A_13 = arith.muli %scan3A_10, %mul3A_12 : i32
      %add3A_14 = arith.constant 0 : i32
      %add3A_15 = arith.addi %mul3A_13, %add3A_14 : i32
      %mul3A_16 = arith.constant 16 : i32
      %mul3A_17 = arith.muli %add3A_15, %mul3A_16 : i32
      %get3A = arith.index_cast %mul3A_17 : i32 to index
      %get3A_18 = tpu.vector_load %arg7[%get3A] {strides = array<i32>} : memref<3200xi32, #tpu.memory_space<vmem>>, vector<16xi32>,
      %get3A_19 = arith.index_cast %mul3A_17 : i32 to index
      %get3A_20 = tpu.vector_load %arg8[%get3A_19] {strides = array<i32>} : memref<3200xi32, #tpu.memory_space<vmem>>, vector<16xi32>,
      %gather3A = tpu.vector_load_idx %arg6[%get3A_18, %broadcast_in_dim3A_1] : memref<10000x2xf32, #tpu.memory_space<vmem>>[vector<16xi32>, vector<16xi32>], vector<16xf32>,
      %gather3A_21 = tpu.vector_load_idx %arg6[%get3A_20, %broadcast_in_dim3A_3] : memref<10000x2xf32, #tpu.memory_space<vmem>>[vector<16xi32>, vector<16xi32>], vector<16xf32>,
      %add3A_22 = arith.addf %gather3A, %gather3A_21 : vector<16xf32>
      %neg3A = arith.constant 0.000000e+00 : f32
      %neg3A_23 = vector.broadcast %neg3A : f32 to vector<16xf32>
      %neg3A_24 = arith.subf %neg3A_23, %add3A_22 : vector<16xf32>
      %exp3A = math.exp %neg3A_24 : vector<16xf32>
      %add3A_25 = arith.constant 1.000000e+00 : f32
      %add3A_26 = vector.broadcast %add3A_25 : f32 to vector<16xf32>
      %add3A_27 = arith.addf %add3A_26, %exp3A : vector<16xf32>
      %div3A = arith.constant 1.000000e+00 : f32
      %div3A_28 = vector.broadcast %div3A : f32 to vector<16xf32>
      %div3A_29 = arith.divf %div3A_28, %add3A_27 : vector<16xf32>
      %swap3A = arith.index_cast %mul3A_17 : i32 to index
      %swap3A_30 = tpu.vector_load %arg9[%swap3A] {strides = array<i32>} : memref<3200xf32, #tpu.memory_space<vmem>>, vector<16xf32>,
      tpu.vector_store %arg9[%swap3A], %div3A_29 {strides = array<i32>} : memref<3200xf32, #tpu.memory_space<vmem>>, vector<16xf32>,
      %mul3A_31 = arith.constant 8 : i32
      %mul3A_32 = arith.muli %scan3A_10, %mul3A_31 : i32
      %add3A_33 = arith.constant 1 : i32
      %add3A_34 = arith.addi %mul3A_32, %add3A_33 : i32
      %mul3A_35 = arith.constant 16 : i32
      %mul3A_36 = arith.muli %add3A_34, %mul3A_35 : i32
      %get3A_37 = arith.index_cast %mul3A_36 : i32 to index
      %get3A_38 = tpu.vector_load %arg7[%get3A_37] {strides = array<i32>} : memref<3200xi32, #tpu.memory_space<vmem>>, vector<16xi32>,
      %get3A_39 = arith.index_cast %mul3A_36 : i32 to index
      %get3A_40 = tpu.vector_load %arg8[%get3A_39] {strides = array<i32>} : memref<3200xi32, #tpu.memory_space<vmem>>, vector<16xi32>,
      %gather3A_41 = tpu.vector_load_idx %arg6[%get3A_38, %broadcast_in_dim3A_1] : memref<10000x2xf32, #tpu.memory_space<vmem>>[vector<16xi32>, vector<16xi32>], vector<16xf32>,
      %gather3A_42 = tpu.vector_load_idx %arg6[%get3A_40, %broadcast_in_dim3A_3] : memref<10000x2xf32, #tpu.memory_space<vmem>>[vector<16xi32>, vector<16xi32>], vector<16xf32>,
      %add3A_43 = arith.addf %gather3A_41, %gather3A_42 : vector<16xf32>
      %neg3A_44 = arith.constant 0.000000e+00 : f32
      %neg3A_45 = vector.broadcast %neg3A_44 : f32 to vector<16xf32>
      %neg3A_46 = arith.subf %neg3A_45, %add3A_43 : vector<16xf32>
      %exp3A_47 = math.exp %neg3A_46 : vector<16xf32>
      %add3A_48 = arith.constant 1.000000e+00 : f32
      %add3A_49 = vector.broadcast %add3A_48 : f32 to vector<16xf32>
      %add3A_50 = arith.addf %add3A_49, %exp3A_47 : vector<16xf32>
      %div3A_51 = arith.constant 1.000000e+00 : f32
      %div3A_52 = vector.broadcast %div3A_51 : f32 to vector<16xf32>
      %div3A_53 = arith.divf %div3A_52, %add3A_50 : vector<16xf32>
      %swap3A_54 = arith.index_cast %mul3A_36 : i32 to index
      %swap3A_55 = tpu.vector_load %arg9[%swap3A_54] {strides = array<i32>} : memref<3200xf32, #tpu.memory_space<vmem>>, vector<16xf32>,
      tpu.vector_store %arg9[%swap3A_54], %div3A_53 {strides = array<i32>} : memref<3200xf32, #tpu.memory_space<vmem>>, vector<16xf32>,
      %mul3A_56 = arith.constant 8 : i32
      %mul3A_57 = arith.muli %scan3A_10, %mul3A_56 : i32
      %add3A_58 = arith.constant 2 : i32
      %add3A_59 = arith.addi %mul3A_57, %add3A_58 : i32
      %mul3A_60 = arith.constant 16 : i32
      %mul3A_61 = arith.muli %add3A_59, %mul3A_60 : i32
      %get3A_62 = arith.index_cast %mul3A_61 : i32 to index
      %get3A_63 = tpu.vector_load %arg7[%get3A_62] {strides = array<i32>} : memref<3200xi32, #tpu.memory_space<vmem>>, vector<16xi32>,
      %get3A_64 = arith.index_cast %mul3A_61 : i32 to index
      %get3A_65 = tpu.vector_load %arg8[%get3A_64] {strides = array<i32>} : memref<3200xi32, #tpu.memory_space<vmem>>, vector<16xi32>,
      %gather3A_66 = tpu.vector_load_idx %arg6[%get3A_63, %broadcast_in_dim3A_1] : memref<10000x2xf32, #tpu.memory_space<vmem>>[vector<16xi32>, vector<16xi32>], vector<16xf32>,
      %gather3A_67 = tpu.vector_load_idx %arg6[%get3A_65, %broadcast_in_dim3A_3] : memref<10000x2xf32, #tpu.memory_space<vmem>>[vector<16xi32>, vector<16xi32>], vector<16xf32>,
      %add3A_68 = arith.addf %gather3A_66, %gather3A_67 : vector<16xf32>
      %neg3A_69 = arith.constant 0.000000e+00 : f32
      %neg3A_70 = vector.broadcast %neg3A_69 : f32 to vector<16xf32>
      %neg3A_71 = arith.subf %neg3A_70, %add3A_68 : vector<16xf32>
      %exp3A_72 = math.exp %neg3A_71 : vector<16xf32>
      %add3A_73 = arith.constant 1.000000e+00 : f32
      %add3A_74 = vector.broadcast %add3A_73 : f32 to vector<16xf32>
      %add3A_75 = arith.addf %add3A_74, %exp3A_72 : vector<16xf32>
      %div3A_76 = arith.constant 1.000000e+00 : f32
      %div3A_77 = vector.broadcast %div3A_76 : f32 to vector<16xf32>
      %div3A_78 = arith.divf %div3A_77, %add3A_75 : vector<16xf32>
      %swap3A_79 = arith.index_cast %mul3A_61 : i32 to index
      %swap3A_80 = tpu.vector_load %arg9[%swap3A_79] {strides = array<i32>} : memref<3200xf32, #tpu.memory_space<vmem>>, vector<16xf32>,
      tpu.vector_store %arg9[%swap3A_79], %div3A_78 {strides = array<i32>} : memref<3200xf32, #tpu.memory_space<vmem>>, vector<16xf32>,
      %mul3A_81 = arith.constant 8 : i32
      %mul3A_82 = arith.muli %scan3A_10, %mul3A_81 : i32
      %add3A_83 = arith.constant 3 : i32
      %add3A_84 = arith.addi %mul3A_82, %add3A_83 : i32
      %mul3A_85 = arith.constant 16 : i32
      %mul3A_86 = arith.muli %add3A_84, %mul3A_85 : i32
      %get3A_87 = arith.index_cast %mul3A_86 : i32 to index
      %get3A_88 = tpu.vector_load %arg7[%get3A_87] {strides = array<i32>} : memref<3200xi32, #tpu.memory_space<vmem>>, vector<16xi32>,
      %get3A_89 = arith.index_cast %mul3A_86 : i32 to index
      %get3A_90 = tpu.vector_load %arg8[%get3A_89] {strides = array<i32>} : memref<3200xi32, #tpu.memory_space<vmem>>, vector<16xi32>,
      %gather3A_91 = tpu.vector_load_idx %arg6[%get3A_88, %broadcast_in_dim3A_1] : memref<10000x2xf32, #tpu.memory_space<vmem>>[vector<16xi32>, vector<16xi32>], vector<16xf32>,
      %gather3A_92 = tpu.vector_load_idx %arg6[%get3A_90, %broadcast_in_dim3A_3] : memref<10000x2xf32, #tpu.memory_space<vmem>>[vector<16xi32>, vector<16xi32>], vector<16xf32>,
      %add3A_93 = arith.addf %gather3A_91, %gather3A_92 : vector<16xf32>
      %neg3A_94 = arith.constant 0.000000e+00 : f32
      %neg3A_95 = vector.broadcast %neg3A_94 : f32 to vector<16xf32>
      %neg3A_96 = arith.subf %neg3A_95, %add3A_93 : vector<16xf32>
      %exp3A_97 = math.exp %neg3A_96 : vector<16xf32>
      %add3A_98 = arith.constant 1.000000e+00 : f32
      %add3A_99 = vector.broadcast %add3A_98 : f32 to vector<16xf32>
      %add3A_100 = arith.addf %add3A_99, %exp3A_97 : vector<16xf32>
      %div3A_101 = arith.constant 1.000000e+00 : f32
      %div3A_102 = vector.broadcast %div3A_101 : f32 to vector<16xf32>
      %div3A_103 = arith.divf %div3A_102, %add3A_100 : vector<16xf32>
      %swap3A_104 = arith.index_cast %mul3A_86 : i32 to index
      %swap3A_105 = tpu.vector_load %arg9[%swap3A_104] {strides = array<i32>} : memref<3200xf32, #tpu.memory_space<vmem>>, vector<16xf32>,
      tpu.vector_store %arg9[%swap3A_104], %div3A_103 {strides = array<i32>} : memref<3200xf32, #tpu.memory_space<vmem>>, vector<16xf32>,
      %mul3A_106 = arith.constant 8 : i32
      %mul3A_107 = arith.muli %scan3A_10, %mul3A_106 : i32
      %add3A_108 = arith.constant 4 : i32
      %add3A_109 = arith.addi %mul3A_107, %add3A_108 : i32
      %mul3A_110 = arith.constant 16 : i32
      %mul3A_111 = arith.muli %add3A_109, %mul3A_110 : i32
      %get3A_112 = arith.index_cast %mul3A_111 : i32 to index
      %get3A_113 = tpu.vector_load %arg7[%get3A_112] {strides = array<i32>} : memref<3200xi32, #tpu.memory_space<vmem>>, vector<16xi32>,
      %get3A_114 = arith.index_cast %mul3A_111 : i32 to index
      %get3A_115 = tpu.vector_load %arg8[%get3A_114] {strides = array<i32>} : memref<3200xi32, #tpu.memory_space<vmem>>, vector<16xi32>,
      %gather3A_116 = tpu.vector_load_idx %arg6[%get3A_113, %broadcast_in_dim3A_1] : memref<10000x2xf32, #tpu.memory_space<vmem>>[vector<16xi32>, vector<16xi32>], vector<16xf32>,
      %gather3A_117 = tpu.vector_load_idx %arg6[%get3A_115, %broadcast_in_dim3A_3] : memref<10000x2xf32, #tpu.memory_space<vmem>>[vector<16xi32>, vector<16xi32>], vector<16xf32>,
      %add3A_118 = arith.addf %gather3A_116, %gather3A_117 : vector<16xf32>
      %neg3A_119 = arith.constant 0.000000e+00 : f32
      %neg3A_120 = vector.broadcast %neg3A_119 : f32 to vector<16xf32>
      %neg3A_121 = arith.subf %neg3A_120, %add3A_118 : vector<16xf32>
      %exp3A_122 = math.exp %neg3A_121 : vector<16xf32>
      %add3A_123 = arith.constant 1.000000e+00 : f32
      %add3A_124 = vector.broadcast %add3A_123 : f32 to vector<16xf32>
      %add3A_125 = arith.addf %add3A_124, %exp3A_122 : vector<16xf32>
      %div3A_126 = arith.constant 1.000000e+00 : f32
      %div3A_127 = vector.broadcast %div3A_126 : f32 to vector<16xf32>
      %div3A_128 = arith.divf %div3A_127, %add3A_125 : vector<16xf32>
      %swap3A_129 = arith.index_cast %mul3A_111 : i32 to index
      %swap3A_130 = tpu.vector_load %arg9[%swap3A_129] {strides = array<i32>} : memref<3200xf32, #tpu.memory_space<vmem>>, vector<16xf32>,
      tpu.vector_store %arg9[%swap3A_129], %div3A_128 {strides = array<i32>} : memref<3200xf32, #tpu.memory_space<vmem>>, vector<16xf32>,
      %mul3A_131 = arith.constant 8 : i32
      %mul3A_132 = arith.muli %scan3A_10, %mul3A_131 : i32
      %add3A_133 = arith.constant 5 : i32
      %add3A_134 = arith.addi %mul3A_132, %add3A_133 : i32
      %mul3A_135 = arith.constant 16 : i32
      %mul3A_136 = arith.muli %add3A_134, %mul3A_135 : i32
      %get3A_137 = arith.index_cast %mul3A_136 : i32 to index
      %get3A_138 = tpu.vector_load %arg7[%get3A_137] {strides = array<i32>} : memref<3200xi32, #tpu.memory_space<vmem>>, vector<16xi32>,
      %get3A_139 = arith.index_cast %mul3A_136 : i32 to index
      %get3A_140 = tpu.vector_load %arg8[%get3A_139] {strides = array<i32>} : memref<3200xi32, #tpu.memory_space<vmem>>, vector<16xi32>,
      %gather3A_141 = tpu.vector_load_idx %arg6[%get3A_138, %broadcast_in_dim3A_1] : memref<10000x2xf32, #tpu.memory_space<vmem>>[vector<16xi32>, vector<16xi32>], vector<16xf32>,
      %gather3A_142 = tpu.vector_load_idx %arg6[%get3A_140, %broadcast_in_dim3A_3] : memref<10000x2xf32, #tpu.memory_space<vmem>>[vector<16xi32>, vector<16xi32>], vector<16xf32>,
      %add3A_143 = arith.addf %gather3A_141, %gather3A_142 : vector<16xf32>
      %neg3A_144 = arith.constant 0.000000e+00 : f32
      %neg3A_145 = vector.broadcast %neg3A_144 : f32 to vector<16xf32>
      %neg3A_146 = arith.subf %neg3A_145, %add3A_143 : vector<16xf32>
      %exp3A_147 = math.exp %neg3A_146 : vector<16xf32>
      %add3A_148 = arith.constant 1.000000e+00 : f32
      %add3A_149 = vector.broadcast %add3A_148 : f32 to vector<16xf32>
      %add3A_150 = arith.addf %add3A_149, %exp3A_147 : vector<16xf32>
      %div3A_151 = arith.constant 1.000000e+00 : f32
      %div3A_152 = vector.broadcast %div3A_151 : f32 to vector<16xf32>
      %div3A_153 = arith.divf %div3A_152, %add3A_150 : vector<16xf32>
      %swap3A_154 = arith.index_cast %mul3A_136 : i32 to index
      %swap3A_155 = tpu.vector_load %arg9[%swap3A_154] {strides = array<i32>} : memref<3200xf32, #tpu.memory_space<vmem>>, vector<16xf32>,
      tpu.vector_store %arg9[%swap3A_154], %div3A_153 {strides = array<i32>} : memref<3200xf32, #tpu.memory_space<vmem>>, vector<16xf32>,
      %mul3A_156 = arith.constant 8 : i32
      %mul3A_157 = arith.muli %scan3A_10, %mul3A_156 : i32
      %add3A_158 = arith.constant 6 : i32
      %add3A_159 = arith.addi %mul3A_157, %add3A_158 : i32
      %mul3A_160 = arith.constant 16 : i32
      %mul3A_161 = arith.muli %add3A_159, %mul3A_160 : i32
      %get3A_162 = arith.index_cast %mul3A_161 : i32 to index
      %get3A_163 = tpu.vector_load %arg7[%get3A_162] {strides = array<i32>} : memref<3200xi32, #tpu.memory_space<vmem>>, vector<16xi32>,
      %get3A_164 = arith.index_cast %mul3A_161 : i32 to index
      %get3A_165 = tpu.vector_load %arg8[%get3A_164] {strides = array<i32>} : memref<3200xi32, #tpu.memory_space<vmem>>, vector<16xi32>,
      %gather3A_166 = tpu.vector_load_idx %arg6[%get3A_163, %broadcast_in_dim3A_1] : memref<10000x2xf32, #tpu.memory_space<vmem>>[vector<16xi32>, vector<16xi32>], vector<16xf32>,
      %gather3A_167 = tpu.vector_load_idx %arg6[%get3A_165, %broadcast_in_dim3A_3] : memref<10000x2xf32, #tpu.memory_space<vmem>>[vector<16xi32>, vector<16xi32>], vector<16xf32>,
      %add3A_168 = arith.addf %gather3A_166, %gather3A_167 : vector<16xf32>
      %neg3A_169 = arith.constant 0.000000e+00 : f32
      %neg3A_170 = vector.broadcast %neg3A_169 : f32 to vector<16xf32>
      %neg3A_171 = arith.subf %neg3A_170, %add3A_168 : vector<16xf32>
      %exp3A_172 = math.exp %neg3A_171 : vector<16xf32>
      %add3A_173 = arith.constant 1.000000e+00 : f32
      %add3A_174 = vector.broadcast %add3A_173 : f32 to vector<16xf32>
      %add3A_175 = arith.addf %add3A_174, %exp3A_172 : vector<16xf32>
      %div3A_176 = arith.constant 1.000000e+00 : f32
      %div3A_177 = vector.broadcast %div3A_176 : f32 to vector<16xf32>
      %div3A_178 = arith.divf %div3A_177, %add3A_175 : vector<16xf32>
      %swap3A_179 = arith.index_cast %mul3A_161 : i32 to index
      %swap3A_180 = tpu.vector_load %arg9[%swap3A_179] {strides = array<i32>} : memref<3200xf32, #tpu.memory_space<vmem>>, vector<16xf32>,
      tpu.vector_store %arg9[%swap3A_179], %div3A_178 {strides = array<i32>} : memref<3200xf32, #tpu.memory_space<vmem>>, vector<16xf32>,
      %mul3A_181 = arith.constant 8 : i32
      %mul3A_182 = arith.muli %scan3A_10, %mul3A_181 : i32
      %add3A_183 = arith.constant 7 : i32
      %add3A_184 = arith.addi %mul3A_182, %add3A_183 : i32
      %mul3A_185 = arith.constant 16 : i32
      %mul3A_186 = arith.muli %add3A_184, %mul3A_185 : i32
      %get3A_187 = arith.index_cast %mul3A_186 : i32 to index
      %get3A_188 = tpu.vector_load %arg7[%get3A_187] {strides = array<i32>} : memref<3200xi32, #tpu.memory_space<vmem>>, vector<16xi32>,
      %get3A_189 = arith.index_cast %mul3A_186 : i32 to index
      %get3A_190 = tpu.vector_load %arg8[%get3A_189] {strides = array<i32>} : memref<3200xi32, #tpu.memory_space<vmem>>, vector<16xi32>,
      %gather3A_191 = tpu.vector_load_idx %arg6[%get3A_188, %broadcast_in_dim3A_1] : memref<10000x2xf32, #tpu.memory_space<vmem>>[vector<16xi32>, vector<16xi32>], vector<16xf32>,
      %gather3A_192 = tpu.vector_load_idx %arg6[%get3A_190, %broadcast_in_dim3A_3] : memref<10000x2xf32, #tpu.memory_space<vmem>>[vector<16xi32>, vector<16xi32>], vector<16xf32>,
      %add3A_193 = arith.addf %gather3A_191, %gather3A_192 : vector<16xf32>
      %neg3A_194 = arith.constant 0.000000e+00 : f32
      %neg3A_195 = vector.broadcast %neg3A_194 : f32 to vector<16xf32>
      %neg3A_196 = arith.subf %neg3A_195, %add3A_193 : vector<16xf32>
      %exp3A_197 = math.exp %neg3A_196 : vector<16xf32>
      %add3A_198 = arith.constant 1.000000e+00 : f32
      %add3A_199 = vector.broadcast %add3A_198 : f32 to vector<16xf32>
      %add3A_200 = arith.addf %add3A_199, %exp3A_197 : vector<16xf32>
      %div3A_201 = arith.constant 1.000000e+00 : f32
      %div3A_202 = vector.broadcast %div3A_201 : f32 to vector<16xf32>
      %div3A_203 = arith.divf %div3A_202, %add3A_200 : vector<16xf32>
      %swap3A_204 = arith.index_cast %mul3A_186 : i32 to index
      %swap3A_205 = tpu.vector_load %arg9[%swap3A_204] {strides = array<i32>} : memref<3200xf32, #tpu.memory_space<vmem>>, vector<16xf32>,
      tpu.vector_store %arg9[%swap3A_204], %div3A_203 {strides = array<i32>} : memref<3200xf32, #tpu.memory_space<vmem>>, vector<16xf32>,
      %scan3A_206 = arith.constant 0 : i32
      scf.yield %scan3A_206 : i32
    }
    %scan3A_9 = arith.constant 25 : i32
    "tpu.region"() ({
      %run_scoped3A = tpu.sem_alloc : memref<!tpu.dma_semaphore, #tpu.memory_space<semaphore_mem>>
      %dma_start3A = arith.constant 0 : i32
      %dma_start3A_10 = tpu.memref_slice %arg5[%add3A, %dma_start3A] : memref<32x3200xf32, #tpu.memory_space<hbm>> -> memref<1x3200xf32, #tpu.memory_space<hbm>>
      %dma_start3A_11 = tpu.memref_squeeze %dma_start3A_10 : memref<1x3200xf32, #tpu.memory_space<hbm>> -> memref<3200xf32, #tpu.memory_space<hbm>>
      %dma_start3A_12 = arith.constant 0 : i32
      %dma_start3A_13 = tpu.memref_slice %arg5[%add3A, %dma_start3A_12] : memref<32x3200xf32, #tpu.memory_space<hbm>> -> memref<1x3200xf32, #tpu.memory_space<hbm>>
      %dma_start3A_14 = tpu.memref_squeeze %dma_start3A_13 : memref<1x3200xf32, #tpu.memory_space<hbm>> -> memref<3200xf32, #tpu.memory_space<hbm>>
      tpu.enqueue_dma source(%arg9 : memref<3200xf32, #tpu.memory_space<vmem>>) target(%dma_start3A_14 : memref<3200xf32, #tpu.memory_space<hbm>>) target_semaphore(%run_scoped3A : memref<!tpu.dma_semaphore, #tpu.memory_space<semaphore_mem>>)
      %dma_wait3A = arith.constant 0 : i32
      %dma_wait3A_15 = tpu.memref_slice %arg5[%add3A, %dma_wait3A] : memref<32x3200xf32, #tpu.memory_space<hbm>> -> memref<1x3200xf32, #tpu.memory_space<hbm>>
      %dma_wait3A_16 = tpu.memref_squeeze %dma_wait3A_15 : memref<1x3200xf32, #tpu.memory_space<hbm>> -> memref<3200xf32, #tpu.memory_space<hbm>>
      %dma_wait3A_17 = arith.constant 0 : i32
      %dma_wait3A_18 = tpu.memref_slice %arg5[%add3A, %dma_wait3A_17] : memref<32x3200xf32, #tpu.memory_space<hbm>> -> memref<1x3200xf32, #tpu.memory_space<hbm>>
      %dma_wait3A_19 = tpu.memref_squeeze %dma_wait3A_18 : memref<1x3200xf32, #tpu.memory_space<hbm>> -> memref<3200xf32, #tpu.memory_space<hbm>>
      tpu.wait_dma2 semaphore(%run_scoped3A : memref<!tpu.dma_semaphore, #tpu.memory_space<semaphore_mem>>) src(%arg9 : memref<3200xf32, #tpu.memory_space<vmem>>) dst(%dma_wait3A_19 : memref<3200xf32, #tpu.memory_space<hbm>>)
      tpu.yield
    }) : () -> ()
    return
  }
}

#map = affine_map<(d0, d1) -> (0, 0, 0)>
#map1 = affine_map<(d0, d1) -> (0, 0)>
module attributes {stable_mosaic.version = 14 : i64} {
  func.func @agg(%arg0: i32, %arg1: i32, %arg2: memref<32x125x80xi32, #tpu.memory_space<hbm>>, %arg3: memref<32x125x80xi32, #tpu.memory_space<hbm>>, %arg4: memref<10000x32xf32, #tpu.memory_space<hbm>>, %arg5: memref<2x10000x32xf32, #tpu.memory_space<hbm>>, %arg6: memref<10000x32xf32, #tpu.memory_space<vmem_shared>>, %arg7: memref<632x32xf32, #tpu.memory_space<vmem>>, %arg8: memref<125x80xi32, #tpu.memory_space<vmem>>, %arg9: memref<125x80xi32, #tpu.memory_space<vmem>>, %arg10: memref<80x32xf32, #tpu.memory_space<vmem>>, %arg11: memref<80x32xf32, #tpu.memory_space<vmem>>, %arg12: memref<80x32xf32, #tpu.memory_space<vmem>>, %arg13: memref<80x32xf32, #tpu.memory_space<vmem>>, %arg14: memref<80x32xf32, #tpu.memory_space<vmem>>, %arg15: memref<!tpu.dma_semaphore, #tpu.memory_space<semaphore_mem>>, %arg16: memref<!tpu.dma_semaphore, #tpu.memory_space<semaphore_mem>>, %arg17: memref<!tpu.dma_semaphore, #tpu.memory_space<semaphore_mem>>, %arg18: memref<!tpu.dma_semaphore, #tpu.memory_space<semaphore_mem>>, %arg19: memref<!tpu.dma_semaphore, #tpu.memory_space<semaphore_mem>>, %arg20: memref<!tpu.dma_semaphore, #tpu.memory_space<semaphore_mem>>, %arg21: memref<!tpu.dma_semaphore, #tpu.memory_space<semaphore_mem>>, %arg22: memref<!tpu.dma_semaphore, #tpu.memory_space<semaphore_mem>>, %arg23: memref<!tpu.dma_semaphore, #tpu.memory_space<semaphore_mem>>, %arg24: memref<!tpu.dma_semaphore, #tpu.memory_space<semaphore_mem>>, %arg25: memref<!tpu.dma_semaphore, #tpu.memory_space<semaphore_mem>>) attributes {dimension_semantics = [#tpu.dimension_semantics<core_parallel>, #tpu.dimension_semantics<subcore_parallel>], iteration_bounds = array<i64: 2, 16>, scalar_prefetch = 0 : i64, scratch_operands = 20 : i64, tpu.core_type = #tpu.core_type<sc_vector_subcore>, window_params = [{transform_indices = #map}, {transform_indices = #map}, {transform_indices = #map1}, {transform_indices = #map}]} {
    %mul3A = arith.constant 16 : i32
    %mul3A_0 = arith.muli %arg0, %mul3A : i32
    %add3A = arith.addi %mul3A_0, %arg1 : i32
    %broadcast_in_dim3A = arith.constant 0.000000e+00 : f32
    %broadcast_in_dim3A_1 = vector.broadcast %broadcast_in_dim3A : f32 to vector<16xf32>
    %dma_start3A = arith.constant 0 : i32
    %dma_start3A_2 = arith.constant 0 : i32
    %dma_start3A_3 = tpu.memref_slice %arg2[%add3A, %dma_start3A, %dma_start3A_2] : memref<32x125x80xi32, #tpu.memory_space<hbm>> -> memref<1x125x80xi32, #tpu.memory_space<hbm>>
    %dma_start3A_4 = tpu.memref_squeeze %dma_start3A_3 : memref<1x125x80xi32, #tpu.memory_space<hbm>> -> memref<125x80xi32, #tpu.memory_space<hbm>>
    %dma_start3A_5 = arith.constant 0 : i32
    %dma_start3A_6 = arith.constant 0 : i32
    %dma_start3A_7 = tpu.memref_slice %arg2[%add3A, %dma_start3A_5, %dma_start3A_6] : memref<32x125x80xi32, #tpu.memory_space<hbm>> -> memref<1x125x80xi32, #tpu.memory_space<hbm>>
    %dma_start3A_8 = tpu.memref_squeeze %dma_start3A_7 : memref<1x125x80xi32, #tpu.memory_space<hbm>> -> memref<125x80xi32, #tpu.memory_space<hbm>>
    tpu.enqueue_dma source(%dma_start3A_8 : memref<125x80xi32, #tpu.memory_space<hbm>>) target(%arg8 : memref<125x80xi32, #tpu.memory_space<vmem>>) target_semaphore(%arg16 : memref<!tpu.dma_semaphore, #tpu.memory_space<semaphore_mem>>)
    %dma_start3A_9 = arith.constant 0 : i32
    %dma_start3A_10 = arith.constant 0 : i32
    %dma_start3A_11 = tpu.memref_slice %arg3[%add3A, %dma_start3A_9, %dma_start3A_10] : memref<32x125x80xi32, #tpu.memory_space<hbm>> -> memref<1x125x80xi32, #tpu.memory_space<hbm>>
    %dma_start3A_12 = tpu.memref_squeeze %dma_start3A_11 : memref<1x125x80xi32, #tpu.memory_space<hbm>> -> memref<125x80xi32, #tpu.memory_space<hbm>>
    %dma_start3A_13 = arith.constant 0 : i32
    %dma_start3A_14 = arith.constant 0 : i32
    %dma_start3A_15 = tpu.memref_slice %arg3[%add3A, %dma_start3A_13, %dma_start3A_14] : memref<32x125x80xi32, #tpu.memory_space<hbm>> -> memref<1x125x80xi32, #tpu.memory_space<hbm>>
    %dma_start3A_16 = tpu.memref_squeeze %dma_start3A_15 : memref<1x125x80xi32, #tpu.memory_space<hbm>> -> memref<125x80xi32, #tpu.memory_space<hbm>>
    tpu.enqueue_dma source(%dma_start3A_16 : memref<125x80xi32, #tpu.memory_space<hbm>>) target(%arg9 : memref<125x80xi32, #tpu.memory_space<vmem>>) target_semaphore(%arg17 : memref<!tpu.dma_semaphore, #tpu.memory_space<semaphore_mem>>)
    %scan3A = arith.constant 0 : i32
    %scan3A_17 = arith.constant 0 : i32
    %scan3A_18 = arith.constant 632 : i32
    %scan3A_19 = arith.addi %scan3A_17, %scan3A_18 : i32
    %scan3A_20 = arith.constant 1 : i32
    %scan3A_21 = scf.for %scan3A_107 = %scan3A_17 to %scan3A_19 step %scan3A_20 iter_args(%scan3A_108 = %scan3A) -> (i32)  : i32 {
      %swap3A = arith.index_cast %scan3A_107 : i32 to index
      %swap3A_109 = arith.constant 0 : index
      %swap3A_110 = tpu.vector_load %arg7[%swap3A, %swap3A_109] {strides = array<i32>} : memref<632x32xf32, #tpu.memory_space<vmem>>, vector<1x16xf32>,
      %swap3A_111 = vector.shape_cast %swap3A_110 : vector<1x16xf32> to vector<16xf32>
      %swap3A_112 = vector.shape_cast %broadcast_in_dim3A_1 : vector<16xf32> to vector<1x16xf32>
      tpu.vector_store %arg7[%swap3A, %swap3A_109], %swap3A_112 {strides = array<i32>} : memref<632x32xf32, #tpu.memory_space<vmem>>, vector<1x16xf32>,
      %swap3A_113 = arith.index_cast %scan3A_107 : i32 to index
      %swap3A_114 = arith.constant 16 : index
      %swap3A_115 = tpu.vector_load %arg7[%swap3A_113, %swap3A_114] {strides = array<i32>} : memref<632x32xf32, #tpu.memory_space<vmem>>, vector<1x16xf32>,
      %swap3A_116 = vector.shape_cast %swap3A_115 : vector<1x16xf32> to vector<16xf32>
      %swap3A_117 = vector.shape_cast %broadcast_in_dim3A_1 : vector<16xf32> to vector<1x16xf32>
      tpu.vector_store %arg7[%swap3A_113, %swap3A_114], %swap3A_117 {strides = array<i32>} : memref<632x32xf32, #tpu.memory_space<vmem>>, vector<1x16xf32>,
      %scan3A_118 = arith.constant 0 : i32
      scf.yield %scan3A_118 : i32
    }
    %scan3A_22 = arith.constant 632 : i32
    %lt3A = arith.constant 15 : i32
    %lt3A_23 = arith.cmpi slt, %arg1, %lt3A : i32
    %convert_element_type3A = arith.extui %lt3A_23 : i1 to i32
    %cond3A = arith.constant 0 : i32
    %cond3A_24 = arith.cmpi ne, %convert_element_type3A, %cond3A : i32
    scf.if %cond3A_24 {
      %mul3A_107 = arith.constant 632 : i32
      %mul3A_108 = arith.muli %arg1, %mul3A_107 : i32
      %dma_start3A_109 = arith.constant 0 : i32
      %dma_start3A_110 = tpu.memref_slice %arg6[%mul3A_108, %dma_start3A_109] : memref<10000x32xf32, #tpu.memory_space<vmem_shared>> -> memref<632x32xf32, #tpu.memory_space<vmem_shared>>
      %dma_start3A_111 = arith.constant 0 : i32
      %dma_start3A_112 = tpu.memref_slice %arg6[%mul3A_108, %dma_start3A_111] : memref<10000x32xf32, #tpu.memory_space<vmem_shared>> -> memref<632x32xf32, #tpu.memory_space<vmem_shared>>
      tpu.enqueue_dma source(%arg7 : memref<632x32xf32, #tpu.memory_space<vmem>>) target(%dma_start3A_112 : memref<632x32xf32, #tpu.memory_space<vmem_shared>>) target_semaphore(%arg15 : memref<!tpu.dma_semaphore, #tpu.memory_space<semaphore_mem>>)
    } else {
    }
    %eq3A = arith.constant 15 : i32
    %eq3A_25 = arith.cmpi eq, %arg1, %eq3A : i32
    %convert_element_type3A_26 = arith.extui %eq3A_25 : i1 to i32
    %cond3A_27 = arith.constant 0 : i32
    %cond3A_28 = arith.cmpi ne, %convert_element_type3A_26, %cond3A_27 : i32
    scf.if %cond3A_28 {
      %dma_start3A_107 = arith.constant 0 : i32
      %dma_start3A_108 = arith.constant 0 : i32
      %dma_start3A_109 = tpu.memref_slice %arg7[%dma_start3A_107, %dma_start3A_108] : memref<632x32xf32, #tpu.memory_space<vmem>> -> memref<520x32xf32, #tpu.memory_space<vmem>>
      %dma_start3A_110 = arith.constant 9480 : i32
      %dma_start3A_111 = arith.constant 0 : i32
      %dma_start3A_112 = tpu.memref_slice %arg6[%dma_start3A_110, %dma_start3A_111] : memref<10000x32xf32, #tpu.memory_space<vmem_shared>> -> memref<520x32xf32, #tpu.memory_space<vmem_shared>>
      %dma_start3A_113 = arith.constant 9480 : i32
      %dma_start3A_114 = arith.constant 0 : i32
      %dma_start3A_115 = tpu.memref_slice %arg6[%dma_start3A_113, %dma_start3A_114] : memref<10000x32xf32, #tpu.memory_space<vmem_shared>> -> memref<520x32xf32, #tpu.memory_space<vmem_shared>>
      %dma_start3A_116 = arith.constant 0 : i32
      %dma_start3A_117 = arith.constant 0 : i32
      %dma_start3A_118 = tpu.memref_slice %arg7[%dma_start3A_116, %dma_start3A_117] : memref<632x32xf32, #tpu.memory_space<vmem>> -> memref<520x32xf32, #tpu.memory_space<vmem>>
      tpu.enqueue_dma source(%dma_start3A_118 : memref<520x32xf32, #tpu.memory_space<vmem>>) target(%dma_start3A_115 : memref<520x32xf32, #tpu.memory_space<vmem_shared>>) target_semaphore(%arg15 : memref<!tpu.dma_semaphore, #tpu.memory_space<semaphore_mem>>)
    } else {
    }
    %dma_wait3A = arith.constant 0 : i32
    %dma_wait3A_29 = arith.constant 0 : i32
    %dma_wait3A_30 = tpu.memref_slice %arg2[%add3A, %dma_wait3A, %dma_wait3A_29] : memref<32x125x80xi32, #tpu.memory_space<hbm>> -> memref<1x125x80xi32, #tpu.memory_space<hbm>>
    %dma_wait3A_31 = tpu.memref_squeeze %dma_wait3A_30 : memref<1x125x80xi32, #tpu.memory_space<hbm>> -> memref<125x80xi32, #tpu.memory_space<hbm>>
    %dma_wait3A_32 = arith.constant 0 : i32
    %dma_wait3A_33 = arith.constant 0 : i32
    %dma_wait3A_34 = tpu.memref_slice %arg2[%add3A, %dma_wait3A_32, %dma_wait3A_33] : memref<32x125x80xi32, #tpu.memory_space<hbm>> -> memref<1x125x80xi32, #tpu.memory_space<hbm>>
    %dma_wait3A_35 = tpu.memref_squeeze %dma_wait3A_34 : memref<1x125x80xi32, #tpu.memory_space<hbm>> -> memref<125x80xi32, #tpu.memory_space<hbm>>
    tpu.wait_dma2 semaphore(%arg16 : memref<!tpu.dma_semaphore, #tpu.memory_space<semaphore_mem>>) src(%dma_wait3A_35 : memref<125x80xi32, #tpu.memory_space<hbm>>) dst(%arg8 : memref<125x80xi32, #tpu.memory_space<vmem>>)
    %dma_wait3A_36 = arith.constant 0 : i32
    %dma_wait3A_37 = arith.constant 0 : i32
    %dma_wait3A_38 = tpu.memref_slice %arg3[%add3A, %dma_wait3A_36, %dma_wait3A_37] : memref<32x125x80xi32, #tpu.memory_space<hbm>> -> memref<1x125x80xi32, #tpu.memory_space<hbm>>
    %dma_wait3A_39 = tpu.memref_squeeze %dma_wait3A_38 : memref<1x125x80xi32, #tpu.memory_space<hbm>> -> memref<125x80xi32, #tpu.memory_space<hbm>>
    %dma_wait3A_40 = arith.constant 0 : i32
    %dma_wait3A_41 = arith.constant 0 : i32
    %dma_wait3A_42 = tpu.memref_slice %arg3[%add3A, %dma_wait3A_40, %dma_wait3A_41] : memref<32x125x80xi32, #tpu.memory_space<hbm>> -> memref<1x125x80xi32, #tpu.memory_space<hbm>>
    %dma_wait3A_43 = tpu.memref_squeeze %dma_wait3A_42 : memref<1x125x80xi32, #tpu.memory_space<hbm>> -> memref<125x80xi32, #tpu.memory_space<hbm>>
    tpu.wait_dma2 semaphore(%arg17 : memref<!tpu.dma_semaphore, #tpu.memory_space<semaphore_mem>>) src(%dma_wait3A_43 : memref<125x80xi32, #tpu.memory_space<hbm>>) dst(%arg9 : memref<125x80xi32, #tpu.memory_space<vmem>>)
    %lt3A_44 = arith.constant 15 : i32
    %lt3A_45 = arith.cmpi slt, %arg1, %lt3A_44 : i32
    %convert_element_type3A_46 = arith.extui %lt3A_45 : i1 to i32
    %cond3A_47 = arith.constant 0 : i32
    %cond3A_48 = arith.cmpi ne, %convert_element_type3A_46, %cond3A_47 : i32
    scf.if %cond3A_48 {
      %mul3A_107 = arith.constant 632 : i32
      %mul3A_108 = arith.muli %arg1, %mul3A_107 : i32
      %dma_wait3A_109 = arith.constant 0 : i32
      %dma_wait3A_110 = tpu.memref_slice %arg6[%mul3A_108, %dma_wait3A_109] : memref<10000x32xf32, #tpu.memory_space<vmem_shared>> -> memref<632x32xf32, #tpu.memory_space<vmem_shared>>
      %dma_wait3A_111 = arith.constant 0 : i32
      %dma_wait3A_112 = tpu.memref_slice %arg6[%mul3A_108, %dma_wait3A_111] : memref<10000x32xf32, #tpu.memory_space<vmem_shared>> -> memref<632x32xf32, #tpu.memory_space<vmem_shared>>
      tpu.wait_dma2 semaphore(%arg15 : memref<!tpu.dma_semaphore, #tpu.memory_space<semaphore_mem>>) src(%arg7 : memref<632x32xf32, #tpu.memory_space<vmem>>) dst(%dma_wait3A_112 : memref<632x32xf32, #tpu.memory_space<vmem_shared>>)
    } else {
    }
    %eq3A_49 = arith.constant 15 : i32
    %eq3A_50 = arith.cmpi eq, %arg1, %eq3A_49 : i32
    %convert_element_type3A_51 = arith.extui %eq3A_50 : i1 to i32
    %cond3A_52 = arith.constant 0 : i32
    %cond3A_53 = arith.cmpi ne, %convert_element_type3A_51, %cond3A_52 : i32
    scf.if %cond3A_53 {
      %dma_wait3A_107 = arith.constant 0 : i32
      %dma_wait3A_108 = arith.constant 0 : i32
      %dma_wait3A_109 = tpu.memref_slice %arg7[%dma_wait3A_107, %dma_wait3A_108] : memref<632x32xf32, #tpu.memory_space<vmem>> -> memref<520x32xf32, #tpu.memory_space<vmem>>
      %dma_wait3A_110 = arith.constant 9480 : i32
      %dma_wait3A_111 = arith.constant 0 : i32
      %dma_wait3A_112 = tpu.memref_slice %arg6[%dma_wait3A_110, %dma_wait3A_111] : memref<10000x32xf32, #tpu.memory_space<vmem_shared>> -> memref<520x32xf32, #tpu.memory_space<vmem_shared>>
      %dma_wait3A_113 = arith.constant 9480 : i32
      %dma_wait3A_114 = arith.constant 0 : i32
      %dma_wait3A_115 = tpu.memref_slice %arg6[%dma_wait3A_113, %dma_wait3A_114] : memref<10000x32xf32, #tpu.memory_space<vmem_shared>> -> memref<520x32xf32, #tpu.memory_space<vmem_shared>>
      %dma_wait3A_116 = arith.constant 0 : i32
      %dma_wait3A_117 = arith.constant 0 : i32
      %dma_wait3A_118 = tpu.memref_slice %arg7[%dma_wait3A_116, %dma_wait3A_117] : memref<632x32xf32, #tpu.memory_space<vmem>> -> memref<520x32xf32, #tpu.memory_space<vmem>>
      tpu.wait_dma2 semaphore(%arg15 : memref<!tpu.dma_semaphore, #tpu.memory_space<semaphore_mem>>) src(%dma_wait3A_118 : memref<520x32xf32, #tpu.memory_space<vmem>>) dst(%dma_wait3A_115 : memref<520x32xf32, #tpu.memory_space<vmem_shared>>)
    } else {
    }
    %barrier3A = arith.constant 0 : index
    tpu.barrier barrier_id(%barrier3A)
    %dma_start3A_54 = arith.constant 0 : i32
    %dma_start3A_55 = arith.constant 0 : i32
    %dma_start3A_56 = tpu.memref_slice %arg8[%dma_start3A_54, %dma_start3A_55] : memref<125x80xi32, #tpu.memory_space<vmem>> -> memref<1x80xi32, #tpu.memory_space<vmem>>
    %dma_start3A_57 = tpu.memref_squeeze %dma_start3A_56 : memref<1x80xi32, #tpu.memory_space<vmem>> -> memref<80xi32, #tpu.memory_space<vmem>>
    %dma_start3A_58 = arith.constant 0 : i32
    %dma_start3A_59 = arith.constant 0 : i32
    %dma_start3A_60 = tpu.memref_slice %arg4[%dma_start3A_58, %dma_start3A_59] : memref<10000x32xf32, #tpu.memory_space<hbm>> -> memref<10000x32xf32, #tpu.memory_space<hbm>>
    tpu.enqueue_indirect_dma source(%dma_start3A_60 : memref<10000x32xf32, #tpu.memory_space<hbm>>) target(%arg10 : memref<80x32xf32, #tpu.memory_space<vmem>>) offsets(%dma_start3A_57 : memref<80xi32, #tpu.memory_space<vmem>>) semaphore(%arg16 : memref<!tpu.dma_semaphore, #tpu.memory_space<semaphore_mem>>)
    %dma_start3A_61 = arith.constant 1 : i32
    %dma_start3A_62 = arith.constant 0 : i32
    %dma_start3A_63 = tpu.memref_slice %arg8[%dma_start3A_61, %dma_start3A_62] : memref<125x80xi32, #tpu.memory_space<vmem>> -> memref<1x80xi32, #tpu.memory_space<vmem>>
    %dma_start3A_64 = tpu.memref_squeeze %dma_start3A_63 : memref<1x80xi32, #tpu.memory_space<vmem>> -> memref<80xi32, #tpu.memory_space<vmem>>
    %dma_start3A_65 = arith.constant 0 : i32
    %dma_start3A_66 = arith.constant 0 : i32
    %dma_start3A_67 = tpu.memref_slice %arg4[%dma_start3A_65, %dma_start3A_66] : memref<10000x32xf32, #tpu.memory_space<hbm>> -> memref<10000x32xf32, #tpu.memory_space<hbm>>
    tpu.enqueue_indirect_dma source(%dma_start3A_67 : memref<10000x32xf32, #tpu.memory_space<hbm>>) target(%arg11 : memref<80x32xf32, #tpu.memory_space<vmem>>) offsets(%dma_start3A_64 : memref<80xi32, #tpu.memory_space<vmem>>) semaphore(%arg17 : memref<!tpu.dma_semaphore, #tpu.memory_space<semaphore_mem>>)
    %dma_start3A_68 = arith.constant 2 : i32
    %dma_start3A_69 = arith.constant 0 : i32
    %dma_start3A_70 = tpu.memref_slice %arg8[%dma_start3A_68, %dma_start3A_69] : memref<125x80xi32, #tpu.memory_space<vmem>> -> memref<1x80xi32, #tpu.memory_space<vmem>>
    %dma_start3A_71 = tpu.memref_squeeze %dma_start3A_70 : memref<1x80xi32, #tpu.memory_space<vmem>> -> memref<80xi32, #tpu.memory_space<vmem>>
    %dma_start3A_72 = arith.constant 0 : i32
    %dma_start3A_73 = arith.constant 0 : i32
    %dma_start3A_74 = tpu.memref_slice %arg4[%dma_start3A_72, %dma_start3A_73] : memref<10000x32xf32, #tpu.memory_space<hbm>> -> memref<10000x32xf32, #tpu.memory_space<hbm>>
    tpu.enqueue_indirect_dma source(%dma_start3A_74 : memref<10000x32xf32, #tpu.memory_space<hbm>>) target(%arg12 : memref<80x32xf32, #tpu.memory_space<vmem>>) offsets(%dma_start3A_71 : memref<80xi32, #tpu.memory_space<vmem>>) semaphore(%arg18 : memref<!tpu.dma_semaphore, #tpu.memory_space<semaphore_mem>>)
    %dma_start3A_75 = arith.constant 3 : i32
    %dma_start3A_76 = arith.constant 0 : i32
    %dma_start3A_77 = tpu.memref_slice %arg8[%dma_start3A_75, %dma_start3A_76] : memref<125x80xi32, #tpu.memory_space<vmem>> -> memref<1x80xi32, #tpu.memory_space<vmem>>
    %dma_start3A_78 = tpu.memref_squeeze %dma_start3A_77 : memref<1x80xi32, #tpu.memory_space<vmem>> -> memref<80xi32, #tpu.memory_space<vmem>>
    %dma_start3A_79 = arith.constant 0 : i32
    %dma_start3A_80 = arith.constant 0 : i32
    %dma_start3A_81 = tpu.memref_slice %arg4[%dma_start3A_79, %dma_start3A_80] : memref<10000x32xf32, #tpu.memory_space<hbm>> -> memref<10000x32xf32, #tpu.memory_space<hbm>>
    tpu.enqueue_indirect_dma source(%dma_start3A_81 : memref<10000x32xf32, #tpu.memory_space<hbm>>) target(%arg13 : memref<80x32xf32, #tpu.memory_space<vmem>>) offsets(%dma_start3A_78 : memref<80xi32, #tpu.memory_space<vmem>>) semaphore(%arg19 : memref<!tpu.dma_semaphore, #tpu.memory_space<semaphore_mem>>)
    %dma_start3A_82 = arith.constant 4 : i32
    %dma_start3A_83 = arith.constant 0 : i32
    %dma_start3A_84 = tpu.memref_slice %arg8[%dma_start3A_82, %dma_start3A_83] : memref<125x80xi32, #tpu.memory_space<vmem>> -> memref<1x80xi32, #tpu.memory_space<vmem>>
    %dma_start3A_85 = tpu.memref_squeeze %dma_start3A_84 : memref<1x80xi32, #tpu.memory_space<vmem>> -> memref<80xi32, #tpu.memory_space<vmem>>
    %dma_start3A_86 = arith.constant 0 : i32
    %dma_start3A_87 = arith.constant 0 : i32
    %dma_start3A_88 = tpu.memref_slice %arg4[%dma_start3A_86, %dma_start3A_87] : memref<10000x32xf32, #tpu.memory_space<hbm>> -> memref<10000x32xf32, #tpu.memory_space<hbm>>
    tpu.enqueue_indirect_dma source(%dma_start3A_88 : memref<10000x32xf32, #tpu.memory_space<hbm>>) target(%arg14 : memref<80x32xf32, #tpu.memory_space<vmem>>) offsets(%dma_start3A_85 : memref<80xi32, #tpu.memory_space<vmem>>) semaphore(%arg20 : memref<!tpu.dma_semaphore, #tpu.memory_space<semaphore_mem>>)
    %scan3A_89 = arith.constant 0 : i32
    %scan3A_90 = arith.constant 0 : i32
    %scan3A_91 = arith.constant 25 : i32
    %scan3A_92 = arith.addi %scan3A_90, %scan3A_91 : i32
    %scan3A_93 = arith.constant 1 : i32
    %scan3A_94 = scf.for %scan3A_107 = %scan3A_90 to %scan3A_92 step %scan3A_93 iter_args(%scan3A_108 = %scan3A_89) -> (i32)  : i32 {
      %mul3A_109 = arith.constant 5 : i32
      %mul3A_110 = arith.muli %scan3A_107, %mul3A_109 : i32
      %add3A_111 = arith.constant 0 : i32
      %add3A_112 = arith.addi %mul3A_110, %add3A_111 : i32
      %dma_wait3A_113 = arith.constant 0 : i32
      %dma_wait3A_114 = tpu.memref_slice %arg8[%add3A_112, %dma_wait3A_113] : memref<125x80xi32, #tpu.memory_space<vmem>> -> memref<1x80xi32, #tpu.memory_space<vmem>>
      %dma_wait3A_115 = tpu.memref_squeeze %dma_wait3A_114 : memref<1x80xi32, #tpu.memory_space<vmem>> -> memref<80xi32, #tpu.memory_space<vmem>>
      %dma_wait3A_116 = arith.constant 0 : i32
      %dma_wait3A_117 = arith.constant 0 : i32
      %dma_wait3A_118 = tpu.memref_slice %arg4[%dma_wait3A_116, %dma_wait3A_117] : memref<10000x32xf32, #tpu.memory_space<hbm>> -> memref<10000x32xf32, #tpu.memory_space<hbm>>
      tpu.wait_indirect_dma semaphore(%arg16 : memref<!tpu.dma_semaphore, #tpu.memory_space<semaphore_mem>>) src(%dma_wait3A_118 : memref<10000x32xf32, #tpu.memory_space<hbm>>) dst(%arg10 : memref<80x32xf32, #tpu.memory_space<vmem>>)
      %dma_start3A_119 = arith.constant 0 : i32
      %dma_start3A_120 = tpu.memref_slice %arg9[%add3A_112, %dma_start3A_119] : memref<125x80xi32, #tpu.memory_space<vmem>> -> memref<1x80xi32, #tpu.memory_space<vmem>>
      %dma_start3A_121 = tpu.memref_squeeze %dma_start3A_120 : memref<1x80xi32, #tpu.memory_space<vmem>> -> memref<80xi32, #tpu.memory_space<vmem>>
      %dma_start3A_122 = arith.constant 0 : i32
      %dma_start3A_123 = arith.constant 0 : i32
      %dma_start3A_124 = tpu.memref_slice %arg6[%dma_start3A_122, %dma_start3A_123] : memref<10000x32xf32, #tpu.memory_space<vmem_shared>> -> memref<10000x32xf32, #tpu.memory_space<vmem_shared>>
      tpu.enqueue_indirect_dma source(%arg10 : memref<80x32xf32, #tpu.memory_space<vmem>>) target(%dma_start3A_124 : memref<10000x32xf32, #tpu.memory_space<vmem_shared>>) offsets(%dma_start3A_121 : memref<80xi32, #tpu.memory_space<vmem>>) semaphore(%arg21 : memref<!tpu.dma_semaphore, #tpu.memory_space<semaphore_mem>>) {add = true}
      %add3A_125 = arith.constant 1 : i32
      %add3A_126 = arith.addi %mul3A_110, %add3A_125 : i32
      %dma_wait3A_127 = arith.constant 0 : i32
      %dma_wait3A_128 = tpu.memref_slice %arg8[%add3A_126, %dma_wait3A_127] : memref<125x80xi32, #tpu.memory_space<vmem>> -> memref<1x80xi32, #tpu.memory_space<vmem>>
      %dma_wait3A_129 = tpu.memref_squeeze %dma_wait3A_128 : memref<1x80xi32, #tpu.memory_space<vmem>> -> memref<80xi32, #tpu.memory_space<vmem>>
      %dma_wait3A_130 = arith.constant 0 : i32
      %dma_wait3A_131 = arith.constant 0 : i32
      %dma_wait3A_132 = tpu.memref_slice %arg4[%dma_wait3A_130, %dma_wait3A_131] : memref<10000x32xf32, #tpu.memory_space<hbm>> -> memref<10000x32xf32, #tpu.memory_space<hbm>>
      tpu.wait_indirect_dma semaphore(%arg17 : memref<!tpu.dma_semaphore, #tpu.memory_space<semaphore_mem>>) src(%dma_wait3A_132 : memref<10000x32xf32, #tpu.memory_space<hbm>>) dst(%arg11 : memref<80x32xf32, #tpu.memory_space<vmem>>)
      %dma_start3A_133 = arith.constant 0 : i32
      %dma_start3A_134 = tpu.memref_slice %arg9[%add3A_126, %dma_start3A_133] : memref<125x80xi32, #tpu.memory_space<vmem>> -> memref<1x80xi32, #tpu.memory_space<vmem>>
      %dma_start3A_135 = tpu.memref_squeeze %dma_start3A_134 : memref<1x80xi32, #tpu.memory_space<vmem>> -> memref<80xi32, #tpu.memory_space<vmem>>
      %dma_start3A_136 = arith.constant 0 : i32
      %dma_start3A_137 = arith.constant 0 : i32
      %dma_start3A_138 = tpu.memref_slice %arg6[%dma_start3A_136, %dma_start3A_137] : memref<10000x32xf32, #tpu.memory_space<vmem_shared>> -> memref<10000x32xf32, #tpu.memory_space<vmem_shared>>
      tpu.enqueue_indirect_dma source(%arg11 : memref<80x32xf32, #tpu.memory_space<vmem>>) target(%dma_start3A_138 : memref<10000x32xf32, #tpu.memory_space<vmem_shared>>) offsets(%dma_start3A_135 : memref<80xi32, #tpu.memory_space<vmem>>) semaphore(%arg22 : memref<!tpu.dma_semaphore, #tpu.memory_space<semaphore_mem>>) {add = true}
      %add3A_139 = arith.constant 2 : i32
      %add3A_140 = arith.addi %mul3A_110, %add3A_139 : i32
      %dma_wait3A_141 = arith.constant 0 : i32
      %dma_wait3A_142 = tpu.memref_slice %arg8[%add3A_140, %dma_wait3A_141] : memref<125x80xi32, #tpu.memory_space<vmem>> -> memref<1x80xi32, #tpu.memory_space<vmem>>
      %dma_wait3A_143 = tpu.memref_squeeze %dma_wait3A_142 : memref<1x80xi32, #tpu.memory_space<vmem>> -> memref<80xi32, #tpu.memory_space<vmem>>
      %dma_wait3A_144 = arith.constant 0 : i32
      %dma_wait3A_145 = arith.constant 0 : i32
      %dma_wait3A_146 = tpu.memref_slice %arg4[%dma_wait3A_144, %dma_wait3A_145] : memref<10000x32xf32, #tpu.memory_space<hbm>> -> memref<10000x32xf32, #tpu.memory_space<hbm>>
      tpu.wait_indirect_dma semaphore(%arg18 : memref<!tpu.dma_semaphore, #tpu.memory_space<semaphore_mem>>) src(%dma_wait3A_146 : memref<10000x32xf32, #tpu.memory_space<hbm>>) dst(%arg12 : memref<80x32xf32, #tpu.memory_space<vmem>>)
      %dma_start3A_147 = arith.constant 0 : i32
      %dma_start3A_148 = tpu.memref_slice %arg9[%add3A_140, %dma_start3A_147] : memref<125x80xi32, #tpu.memory_space<vmem>> -> memref<1x80xi32, #tpu.memory_space<vmem>>
      %dma_start3A_149 = tpu.memref_squeeze %dma_start3A_148 : memref<1x80xi32, #tpu.memory_space<vmem>> -> memref<80xi32, #tpu.memory_space<vmem>>
      %dma_start3A_150 = arith.constant 0 : i32
      %dma_start3A_151 = arith.constant 0 : i32
      %dma_start3A_152 = tpu.memref_slice %arg6[%dma_start3A_150, %dma_start3A_151] : memref<10000x32xf32, #tpu.memory_space<vmem_shared>> -> memref<10000x32xf32, #tpu.memory_space<vmem_shared>>
      tpu.enqueue_indirect_dma source(%arg12 : memref<80x32xf32, #tpu.memory_space<vmem>>) target(%dma_start3A_152 : memref<10000x32xf32, #tpu.memory_space<vmem_shared>>) offsets(%dma_start3A_149 : memref<80xi32, #tpu.memory_space<vmem>>) semaphore(%arg23 : memref<!tpu.dma_semaphore, #tpu.memory_space<semaphore_mem>>) {add = true}
      %add3A_153 = arith.constant 3 : i32
      %add3A_154 = arith.addi %mul3A_110, %add3A_153 : i32
      %dma_wait3A_155 = arith.constant 0 : i32
      %dma_wait3A_156 = tpu.memref_slice %arg8[%add3A_154, %dma_wait3A_155] : memref<125x80xi32, #tpu.memory_space<vmem>> -> memref<1x80xi32, #tpu.memory_space<vmem>>
      %dma_wait3A_157 = tpu.memref_squeeze %dma_wait3A_156 : memref<1x80xi32, #tpu.memory_space<vmem>> -> memref<80xi32, #tpu.memory_space<vmem>>
      %dma_wait3A_158 = arith.constant 0 : i32
      %dma_wait3A_159 = arith.constant 0 : i32
      %dma_wait3A_160 = tpu.memref_slice %arg4[%dma_wait3A_158, %dma_wait3A_159] : memref<10000x32xf32, #tpu.memory_space<hbm>> -> memref<10000x32xf32, #tpu.memory_space<hbm>>
      tpu.wait_indirect_dma semaphore(%arg19 : memref<!tpu.dma_semaphore, #tpu.memory_space<semaphore_mem>>) src(%dma_wait3A_160 : memref<10000x32xf32, #tpu.memory_space<hbm>>) dst(%arg13 : memref<80x32xf32, #tpu.memory_space<vmem>>)
      %dma_start3A_161 = arith.constant 0 : i32
      %dma_start3A_162 = tpu.memref_slice %arg9[%add3A_154, %dma_start3A_161] : memref<125x80xi32, #tpu.memory_space<vmem>> -> memref<1x80xi32, #tpu.memory_space<vmem>>
      %dma_start3A_163 = tpu.memref_squeeze %dma_start3A_162 : memref<1x80xi32, #tpu.memory_space<vmem>> -> memref<80xi32, #tpu.memory_space<vmem>>
      %dma_start3A_164 = arith.constant 0 : i32
      %dma_start3A_165 = arith.constant 0 : i32
      %dma_start3A_166 = tpu.memref_slice %arg6[%dma_start3A_164, %dma_start3A_165] : memref<10000x32xf32, #tpu.memory_space<vmem_shared>> -> memref<10000x32xf32, #tpu.memory_space<vmem_shared>>
      tpu.enqueue_indirect_dma source(%arg13 : memref<80x32xf32, #tpu.memory_space<vmem>>) target(%dma_start3A_166 : memref<10000x32xf32, #tpu.memory_space<vmem_shared>>) offsets(%dma_start3A_163 : memref<80xi32, #tpu.memory_space<vmem>>) semaphore(%arg24 : memref<!tpu.dma_semaphore, #tpu.memory_space<semaphore_mem>>) {add = true}
      %add3A_167 = arith.constant 4 : i32
      %add3A_168 = arith.addi %mul3A_110, %add3A_167 : i32
      %dma_wait3A_169 = arith.constant 0 : i32
      %dma_wait3A_170 = tpu.memref_slice %arg8[%add3A_168, %dma_wait3A_169] : memref<125x80xi32, #tpu.memory_space<vmem>> -> memref<1x80xi32, #tpu.memory_space<vmem>>
      %dma_wait3A_171 = tpu.memref_squeeze %dma_wait3A_170 : memref<1x80xi32, #tpu.memory_space<vmem>> -> memref<80xi32, #tpu.memory_space<vmem>>
      %dma_wait3A_172 = arith.constant 0 : i32
      %dma_wait3A_173 = arith.constant 0 : i32
      %dma_wait3A_174 = tpu.memref_slice %arg4[%dma_wait3A_172, %dma_wait3A_173] : memref<10000x32xf32, #tpu.memory_space<hbm>> -> memref<10000x32xf32, #tpu.memory_space<hbm>>
      tpu.wait_indirect_dma semaphore(%arg20 : memref<!tpu.dma_semaphore, #tpu.memory_space<semaphore_mem>>) src(%dma_wait3A_174 : memref<10000x32xf32, #tpu.memory_space<hbm>>) dst(%arg14 : memref<80x32xf32, #tpu.memory_space<vmem>>)
      %dma_start3A_175 = arith.constant 0 : i32
      %dma_start3A_176 = tpu.memref_slice %arg9[%add3A_168, %dma_start3A_175] : memref<125x80xi32, #tpu.memory_space<vmem>> -> memref<1x80xi32, #tpu.memory_space<vmem>>
      %dma_start3A_177 = tpu.memref_squeeze %dma_start3A_176 : memref<1x80xi32, #tpu.memory_space<vmem>> -> memref<80xi32, #tpu.memory_space<vmem>>
      %dma_start3A_178 = arith.constant 0 : i32
      %dma_start3A_179 = arith.constant 0 : i32
      %dma_start3A_180 = tpu.memref_slice %arg6[%dma_start3A_178, %dma_start3A_179] : memref<10000x32xf32, #tpu.memory_space<vmem_shared>> -> memref<10000x32xf32, #tpu.memory_space<vmem_shared>>
      tpu.enqueue_indirect_dma source(%arg14 : memref<80x32xf32, #tpu.memory_space<vmem>>) target(%dma_start3A_180 : memref<10000x32xf32, #tpu.memory_space<vmem_shared>>) offsets(%dma_start3A_177 : memref<80xi32, #tpu.memory_space<vmem>>) semaphore(%arg25 : memref<!tpu.dma_semaphore, #tpu.memory_space<semaphore_mem>>) {add = true}
      %add3A_181 = arith.constant 0 : i32
      %add3A_182 = arith.addi %mul3A_110, %add3A_181 : i32
      %dma_wait3A_183 = arith.constant 0 : i32
      %dma_wait3A_184 = tpu.memref_slice %arg9[%add3A_182, %dma_wait3A_183] : memref<125x80xi32, #tpu.memory_space<vmem>> -> memref<1x80xi32, #tpu.memory_space<vmem>>
      %dma_wait3A_185 = tpu.memref_squeeze %dma_wait3A_184 : memref<1x80xi32, #tpu.memory_space<vmem>> -> memref<80xi32, #tpu.memory_space<vmem>>
      %dma_wait3A_186 = arith.constant 0 : i32
      %dma_wait3A_187 = arith.constant 0 : i32
      %dma_wait3A_188 = tpu.memref_slice %arg6[%dma_wait3A_186, %dma_wait3A_187] : memref<10000x32xf32, #tpu.memory_space<vmem_shared>> -> memref<10000x32xf32, #tpu.memory_space<vmem_shared>>
      tpu.wait_indirect_dma semaphore(%arg21 : memref<!tpu.dma_semaphore, #tpu.memory_space<semaphore_mem>>) src(%arg10 : memref<80x32xf32, #tpu.memory_space<vmem>>) dst(%dma_wait3A_188 : memref<10000x32xf32, #tpu.memory_space<vmem_shared>>)
      %lt3A_189 = arith.constant 24 : i32
      %lt3A_190 = arith.cmpi slt, %scan3A_107, %lt3A_189 : i32
      %convert_element_type3A_191 = arith.extui %lt3A_190 : i1 to i32
      %cond3A_192 = arith.constant 0 : i32
      %cond3A_193 = arith.cmpi ne, %convert_element_type3A_191, %cond3A_192 : i32
      scf.if %cond3A_193 {
        %add3A_247 = arith.constant 5 : i32
        %add3A_248 = arith.addi %add3A_182, %add3A_247 : i32
        %dma_start3A_249 = arith.constant 0 : i32
        %dma_start3A_250 = tpu.memref_slice %arg8[%add3A_248, %dma_start3A_249] : memref<125x80xi32, #tpu.memory_space<vmem>> -> memref<1x80xi32, #tpu.memory_space<vmem>>
        %dma_start3A_251 = tpu.memref_squeeze %dma_start3A_250 : memref<1x80xi32, #tpu.memory_space<vmem>> -> memref<80xi32, #tpu.memory_space<vmem>>
        %dma_start3A_252 = arith.constant 0 : i32
        %dma_start3A_253 = arith.constant 0 : i32
        %dma_start3A_254 = tpu.memref_slice %arg4[%dma_start3A_252, %dma_start3A_253] : memref<10000x32xf32, #tpu.memory_space<hbm>> -> memref<10000x32xf32, #tpu.memory_space<hbm>>
        tpu.enqueue_indirect_dma source(%dma_start3A_254 : memref<10000x32xf32, #tpu.memory_space<hbm>>) target(%arg10 : memref<80x32xf32, #tpu.memory_space<vmem>>) offsets(%dma_start3A_251 : memref<80xi32, #tpu.memory_space<vmem>>) semaphore(%arg16 : memref<!tpu.dma_semaphore, #tpu.memory_space<semaphore_mem>>)
      } else {
      }
      %add3A_194 = arith.constant 1 : i32
      %add3A_195 = arith.addi %mul3A_110, %add3A_194 : i32
      %dma_wait3A_196 = arith.constant 0 : i32
      %dma_wait3A_197 = tpu.memref_slice %arg9[%add3A_195, %dma_wait3A_196] : memref<125x80xi32, #tpu.memory_space<vmem>> -> memref<1x80xi32, #tpu.memory_space<vmem>>
      %dma_wait3A_198 = tpu.memref_squeeze %dma_wait3A_197 : memref<1x80xi32, #tpu.memory_space<vmem>> -> memref<80xi32, #tpu.memory_space<vmem>>
      %dma_wait3A_199 = arith.constant 0 : i32
      %dma_wait3A_200 = arith.constant 0 : i32
      %dma_wait3A_201 = tpu.memref_slice %arg6[%dma_wait3A_199, %dma_wait3A_200] : memref<10000x32xf32, #tpu.memory_space<vmem_shared>> -> memref<10000x32xf32, #tpu.memory_space<vmem_shared>>
      tpu.wait_indirect_dma semaphore(%arg22 : memref<!tpu.dma_semaphore, #tpu.memory_space<semaphore_mem>>) src(%arg11 : memref<80x32xf32, #tpu.memory_space<vmem>>) dst(%dma_wait3A_201 : memref<10000x32xf32, #tpu.memory_space<vmem_shared>>)
      %lt3A_202 = arith.constant 24 : i32
      %lt3A_203 = arith.cmpi slt, %scan3A_107, %lt3A_202 : i32
      %convert_element_type3A_204 = arith.extui %lt3A_203 : i1 to i32
      %cond3A_205 = arith.constant 0 : i32
      %cond3A_206 = arith.cmpi ne, %convert_element_type3A_204, %cond3A_205 : i32
      scf.if %cond3A_206 {
        %add3A_247 = arith.constant 5 : i32
        %add3A_248 = arith.addi %add3A_195, %add3A_247 : i32
        %dma_start3A_249 = arith.constant 0 : i32
        %dma_start3A_250 = tpu.memref_slice %arg8[%add3A_248, %dma_start3A_249] : memref<125x80xi32, #tpu.memory_space<vmem>> -> memref<1x80xi32, #tpu.memory_space<vmem>>
        %dma_start3A_251 = tpu.memref_squeeze %dma_start3A_250 : memref<1x80xi32, #tpu.memory_space<vmem>> -> memref<80xi32, #tpu.memory_space<vmem>>
        %dma_start3A_252 = arith.constant 0 : i32
        %dma_start3A_253 = arith.constant 0 : i32
        %dma_start3A_254 = tpu.memref_slice %arg4[%dma_start3A_252, %dma_start3A_253] : memref<10000x32xf32, #tpu.memory_space<hbm>> -> memref<10000x32xf32, #tpu.memory_space<hbm>>
        tpu.enqueue_indirect_dma source(%dma_start3A_254 : memref<10000x32xf32, #tpu.memory_space<hbm>>) target(%arg11 : memref<80x32xf32, #tpu.memory_space<vmem>>) offsets(%dma_start3A_251 : memref<80xi32, #tpu.memory_space<vmem>>) semaphore(%arg17 : memref<!tpu.dma_semaphore, #tpu.memory_space<semaphore_mem>>)
      } else {
      }
      %add3A_207 = arith.constant 2 : i32
      %add3A_208 = arith.addi %mul3A_110, %add3A_207 : i32
      %dma_wait3A_209 = arith.constant 0 : i32
      %dma_wait3A_210 = tpu.memref_slice %arg9[%add3A_208, %dma_wait3A_209] : memref<125x80xi32, #tpu.memory_space<vmem>> -> memref<1x80xi32, #tpu.memory_space<vmem>>
      %dma_wait3A_211 = tpu.memref_squeeze %dma_wait3A_210 : memref<1x80xi32, #tpu.memory_space<vmem>> -> memref<80xi32, #tpu.memory_space<vmem>>
      %dma_wait3A_212 = arith.constant 0 : i32
      %dma_wait3A_213 = arith.constant 0 : i32
      %dma_wait3A_214 = tpu.memref_slice %arg6[%dma_wait3A_212, %dma_wait3A_213] : memref<10000x32xf32, #tpu.memory_space<vmem_shared>> -> memref<10000x32xf32, #tpu.memory_space<vmem_shared>>
      tpu.wait_indirect_dma semaphore(%arg23 : memref<!tpu.dma_semaphore, #tpu.memory_space<semaphore_mem>>) src(%arg12 : memref<80x32xf32, #tpu.memory_space<vmem>>) dst(%dma_wait3A_214 : memref<10000x32xf32, #tpu.memory_space<vmem_shared>>)
      %lt3A_215 = arith.constant 24 : i32
      %lt3A_216 = arith.cmpi slt, %scan3A_107, %lt3A_215 : i32
      %convert_element_type3A_217 = arith.extui %lt3A_216 : i1 to i32
      %cond3A_218 = arith.constant 0 : i32
      %cond3A_219 = arith.cmpi ne, %convert_element_type3A_217, %cond3A_218 : i32
      scf.if %cond3A_219 {
        %add3A_247 = arith.constant 5 : i32
        %add3A_248 = arith.addi %add3A_208, %add3A_247 : i32
        %dma_start3A_249 = arith.constant 0 : i32
        %dma_start3A_250 = tpu.memref_slice %arg8[%add3A_248, %dma_start3A_249] : memref<125x80xi32, #tpu.memory_space<vmem>> -> memref<1x80xi32, #tpu.memory_space<vmem>>
        %dma_start3A_251 = tpu.memref_squeeze %dma_start3A_250 : memref<1x80xi32, #tpu.memory_space<vmem>> -> memref<80xi32, #tpu.memory_space<vmem>>
        %dma_start3A_252 = arith.constant 0 : i32
        %dma_start3A_253 = arith.constant 0 : i32
        %dma_start3A_254 = tpu.memref_slice %arg4[%dma_start3A_252, %dma_start3A_253] : memref<10000x32xf32, #tpu.memory_space<hbm>> -> memref<10000x32xf32, #tpu.memory_space<hbm>>
        tpu.enqueue_indirect_dma source(%dma_start3A_254 : memref<10000x32xf32, #tpu.memory_space<hbm>>) target(%arg12 : memref<80x32xf32, #tpu.memory_space<vmem>>) offsets(%dma_start3A_251 : memref<80xi32, #tpu.memory_space<vmem>>) semaphore(%arg18 : memref<!tpu.dma_semaphore, #tpu.memory_space<semaphore_mem>>)
      } else {
      }
      %add3A_220 = arith.constant 3 : i32
      %add3A_221 = arith.addi %mul3A_110, %add3A_220 : i32
      %dma_wait3A_222 = arith.constant 0 : i32
      %dma_wait3A_223 = tpu.memref_slice %arg9[%add3A_221, %dma_wait3A_222] : memref<125x80xi32, #tpu.memory_space<vmem>> -> memref<1x80xi32, #tpu.memory_space<vmem>>
      %dma_wait3A_224 = tpu.memref_squeeze %dma_wait3A_223 : memref<1x80xi32, #tpu.memory_space<vmem>> -> memref<80xi32, #tpu.memory_space<vmem>>
      %dma_wait3A_225 = arith.constant 0 : i32
      %dma_wait3A_226 = arith.constant 0 : i32
      %dma_wait3A_227 = tpu.memref_slice %arg6[%dma_wait3A_225, %dma_wait3A_226] : memref<10000x32xf32, #tpu.memory_space<vmem_shared>> -> memref<10000x32xf32, #tpu.memory_space<vmem_shared>>
      tpu.wait_indirect_dma semaphore(%arg24 : memref<!tpu.dma_semaphore, #tpu.memory_space<semaphore_mem>>) src(%arg13 : memref<80x32xf32, #tpu.memory_space<vmem>>) dst(%dma_wait3A_227 : memref<10000x32xf32, #tpu.memory_space<vmem_shared>>)
      %lt3A_228 = arith.constant 24 : i32
      %lt3A_229 = arith.cmpi slt, %scan3A_107, %lt3A_228 : i32
      %convert_element_type3A_230 = arith.extui %lt3A_229 : i1 to i32
      %cond3A_231 = arith.constant 0 : i32
      %cond3A_232 = arith.cmpi ne, %convert_element_type3A_230, %cond3A_231 : i32
      scf.if %cond3A_232 {
        %add3A_247 = arith.constant 5 : i32
        %add3A_248 = arith.addi %add3A_221, %add3A_247 : i32
        %dma_start3A_249 = arith.constant 0 : i32
        %dma_start3A_250 = tpu.memref_slice %arg8[%add3A_248, %dma_start3A_249] : memref<125x80xi32, #tpu.memory_space<vmem>> -> memref<1x80xi32, #tpu.memory_space<vmem>>
        %dma_start3A_251 = tpu.memref_squeeze %dma_start3A_250 : memref<1x80xi32, #tpu.memory_space<vmem>> -> memref<80xi32, #tpu.memory_space<vmem>>
        %dma_start3A_252 = arith.constant 0 : i32
        %dma_start3A_253 = arith.constant 0 : i32
        %dma_start3A_254 = tpu.memref_slice %arg4[%dma_start3A_252, %dma_start3A_253] : memref<10000x32xf32, #tpu.memory_space<hbm>> -> memref<10000x32xf32, #tpu.memory_space<hbm>>
        tpu.enqueue_indirect_dma source(%dma_start3A_254 : memref<10000x32xf32, #tpu.memory_space<hbm>>) target(%arg13 : memref<80x32xf32, #tpu.memory_space<vmem>>) offsets(%dma_start3A_251 : memref<80xi32, #tpu.memory_space<vmem>>) semaphore(%arg19 : memref<!tpu.dma_semaphore, #tpu.memory_space<semaphore_mem>>)
      } else {
      }
      %add3A_233 = arith.constant 4 : i32
      %add3A_234 = arith.addi %mul3A_110, %add3A_233 : i32
      %dma_wait3A_235 = arith.constant 0 : i32
      %dma_wait3A_236 = tpu.memref_slice %arg9[%add3A_234, %dma_wait3A_235] : memref<125x80xi32, #tpu.memory_space<vmem>> -> memref<1x80xi32, #tpu.memory_space<vmem>>
      %dma_wait3A_237 = tpu.memref_squeeze %dma_wait3A_236 : memref<1x80xi32, #tpu.memory_space<vmem>> -> memref<80xi32, #tpu.memory_space<vmem>>
      %dma_wait3A_238 = arith.constant 0 : i32
      %dma_wait3A_239 = arith.constant 0 : i32
      %dma_wait3A_240 = tpu.memref_slice %arg6[%dma_wait3A_238, %dma_wait3A_239] : memref<10000x32xf32, #tpu.memory_space<vmem_shared>> -> memref<10000x32xf32, #tpu.memory_space<vmem_shared>>
      tpu.wait_indirect_dma semaphore(%arg25 : memref<!tpu.dma_semaphore, #tpu.memory_space<semaphore_mem>>) src(%arg14 : memref<80x32xf32, #tpu.memory_space<vmem>>) dst(%dma_wait3A_240 : memref<10000x32xf32, #tpu.memory_space<vmem_shared>>)
      %lt3A_241 = arith.constant 24 : i32
      %lt3A_242 = arith.cmpi slt, %scan3A_107, %lt3A_241 : i32
      %convert_element_type3A_243 = arith.extui %lt3A_242 : i1 to i32
      %cond3A_244 = arith.constant 0 : i32
      %cond3A_245 = arith.cmpi ne, %convert_element_type3A_243, %cond3A_244 : i32
      scf.if %cond3A_245 {
        %add3A_247 = arith.constant 5 : i32
        %add3A_248 = arith.addi %add3A_234, %add3A_247 : i32
        %dma_start3A_249 = arith.constant 0 : i32
        %dma_start3A_250 = tpu.memref_slice %arg8[%add3A_248, %dma_start3A_249] : memref<125x80xi32, #tpu.memory_space<vmem>> -> memref<1x80xi32, #tpu.memory_space<vmem>>
        %dma_start3A_251 = tpu.memref_squeeze %dma_start3A_250 : memref<1x80xi32, #tpu.memory_space<vmem>> -> memref<80xi32, #tpu.memory_space<vmem>>
        %dma_start3A_252 = arith.constant 0 : i32
        %dma_start3A_253 = arith.constant 0 : i32
        %dma_start3A_254 = tpu.memref_slice %arg4[%dma_start3A_252, %dma_start3A_253] : memref<10000x32xf32, #tpu.memory_space<hbm>> -> memref<10000x32xf32, #tpu.memory_space<hbm>>
        tpu.enqueue_indirect_dma source(%dma_start3A_254 : memref<10000x32xf32, #tpu.memory_space<hbm>>) target(%arg14 : memref<80x32xf32, #tpu.memory_space<vmem>>) offsets(%dma_start3A_251 : memref<80xi32, #tpu.memory_space<vmem>>) semaphore(%arg20 : memref<!tpu.dma_semaphore, #tpu.memory_space<semaphore_mem>>)
      } else {
      }
      %scan3A_246 = arith.constant 0 : i32
      scf.yield %scan3A_246 : i32
    }
    %scan3A_95 = arith.constant 25 : i32
    %barrier3A_96 = arith.constant 0 : index
    tpu.barrier barrier_id(%barrier3A_96)
    %lt3A_97 = arith.constant 15 : i32
    %lt3A_98 = arith.cmpi slt, %arg1, %lt3A_97 : i32
    %convert_element_type3A_99 = arith.extui %lt3A_98 : i1 to i32
    %cond3A_100 = arith.constant 0 : i32
    %cond3A_101 = arith.cmpi ne, %convert_element_type3A_99, %cond3A_100 : i32
    scf.if %cond3A_101 {
      %mul3A_107 = arith.constant 632 : i32
      %mul3A_108 = arith.muli %arg1, %mul3A_107 : i32
      %mul3A_109 = arith.constant 632 : i32
      %mul3A_110 = arith.muli %arg1, %mul3A_109 : i32
      "tpu.region"() ({
        %run_scoped3A = tpu.sem_alloc : memref<!tpu.dma_semaphore, #tpu.memory_space<semaphore_mem>>
        %dma_start3A_111 = arith.constant 0 : i32
        %dma_start3A_112 = tpu.memref_slice %arg5[%arg0, %mul3A_110, %dma_start3A_111] : memref<2x10000x32xf32, #tpu.memory_space<hbm>> -> memref<1x632x32xf32, #tpu.memory_space<hbm>>
        %dma_start3A_113 = tpu.memref_squeeze %dma_start3A_112 : memref<1x632x32xf32, #tpu.memory_space<hbm>> -> memref<632x32xf32, #tpu.memory_space<hbm>>
        %dma_start3A_114 = arith.constant 0 : i32
        %dma_start3A_115 = tpu.memref_slice %arg6[%mul3A_108, %dma_start3A_114] : memref<10000x32xf32, #tpu.memory_space<vmem_shared>> -> memref<632x32xf32, #tpu.memory_space<vmem_shared>>
        tpu.enqueue_dma source(%dma_start3A_115 : memref<632x32xf32, #tpu.memory_space<vmem_shared>>) target(%dma_start3A_113 : memref<632x32xf32, #tpu.memory_space<hbm>>) target_semaphore(%run_scoped3A : memref<!tpu.dma_semaphore, #tpu.memory_space<semaphore_mem>>)
        %dma_wait3A_116 = arith.constant 0 : i32
        %dma_wait3A_117 = tpu.memref_slice %arg5[%arg0, %mul3A_110, %dma_wait3A_116] : memref<2x10000x32xf32, #tpu.memory_space<hbm>> -> memref<1x632x32xf32, #tpu.memory_space<hbm>>
        %dma_wait3A_118 = tpu.memref_squeeze %dma_wait3A_117 : memref<1x632x32xf32, #tpu.memory_space<hbm>> -> memref<632x32xf32, #tpu.memory_space<hbm>>
        %dma_wait3A_119 = arith.constant 0 : i32
        %dma_wait3A_120 = tpu.memref_slice %arg6[%mul3A_108, %dma_wait3A_119] : memref<10000x32xf32, #tpu.memory_space<vmem_shared>> -> memref<632x32xf32, #tpu.memory_space<vmem_shared>>
        tpu.wait_dma2 semaphore(%run_scoped3A : memref<!tpu.dma_semaphore, #tpu.memory_space<semaphore_mem>>) src(%dma_wait3A_120 : memref<632x32xf32, #tpu.memory_space<vmem_shared>>) dst(%dma_wait3A_118 : memref<632x32xf32, #tpu.memory_space<hbm>>)
        tpu.yield
      }) : () -> ()
    } else {
    }
    %eq3A_102 = arith.constant 15 : i32
    %eq3A_103 = arith.cmpi eq, %arg1, %eq3A_102 : i32
    %convert_element_type3A_104 = arith.extui %eq3A_103 : i1 to i32
    %cond3A_105 = arith.constant 0 : i32
    %cond3A_106 = arith.cmpi ne, %convert_element_type3A_104, %cond3A_105 : i32
    scf.if %cond3A_106 {
      "tpu.region"() ({
        %run_scoped3A = tpu.sem_alloc : memref<!tpu.dma_semaphore, #tpu.memory_space<semaphore_mem>>
        %dma_start3A_107 = arith.constant 9480 : i32
        %dma_start3A_108 = arith.constant 0 : i32
        %dma_start3A_109 = tpu.memref_slice %arg5[%arg0, %dma_start3A_107, %dma_start3A_108] : memref<2x10000x32xf32, #tpu.memory_space<hbm>> -> memref<1x520x32xf32, #tpu.memory_space<hbm>>
        %dma_start3A_110 = tpu.memref_squeeze %dma_start3A_109 : memref<1x520x32xf32, #tpu.memory_space<hbm>> -> memref<520x32xf32, #tpu.memory_space<hbm>>
        %dma_start3A_111 = arith.constant 9480 : i32
        %dma_start3A_112 = arith.constant 0 : i32
        %dma_start3A_113 = tpu.memref_slice %arg6[%dma_start3A_111, %dma_start3A_112] : memref<10000x32xf32, #tpu.memory_space<vmem_shared>> -> memref<520x32xf32, #tpu.memory_space<vmem_shared>>
        tpu.enqueue_dma source(%dma_start3A_113 : memref<520x32xf32, #tpu.memory_space<vmem_shared>>) target(%dma_start3A_110 : memref<520x32xf32, #tpu.memory_space<hbm>>) target_semaphore(%run_scoped3A : memref<!tpu.dma_semaphore, #tpu.memory_space<semaphore_mem>>)
        %dma_wait3A_114 = arith.constant 9480 : i32
        %dma_wait3A_115 = arith.constant 0 : i32
        %dma_wait3A_116 = tpu.memref_slice %arg5[%arg0, %dma_wait3A_114, %dma_wait3A_115] : memref<2x10000x32xf32, #tpu.memory_space<hbm>> -> memref<1x520x32xf32, #tpu.memory_space<hbm>>
        %dma_wait3A_117 = tpu.memref_squeeze %dma_wait3A_116 : memref<1x520x32xf32, #tpu.memory_space<hbm>> -> memref<520x32xf32, #tpu.memory_space<hbm>>
        %dma_wait3A_118 = arith.constant 9480 : i32
        %dma_wait3A_119 = arith.constant 0 : i32
        %dma_wait3A_120 = tpu.memref_slice %arg6[%dma_wait3A_118, %dma_wait3A_119] : memref<10000x32xf32, #tpu.memory_space<vmem_shared>> -> memref<520x32xf32, #tpu.memory_space<vmem_shared>>
        tpu.wait_dma2 semaphore(%run_scoped3A : memref<!tpu.dma_semaphore, #tpu.memory_space<semaphore_mem>>) src(%dma_wait3A_120 : memref<520x32xf32, #tpu.memory_space<vmem_shared>>) dst(%dma_wait3A_117 : memref<520x32xf32, #tpu.memory_space<hbm>>)
        tpu.yield
      }) : () -> ()
    } else {
    }
    return
  }
}

module attributes {stable_mosaic.version = 14 : i64} {
  func.func @_mm1_body(%arg0: i32, %arg1: memref<400x10000xf32, #tpu.memory_space<vmem>>, %arg2: memref<10000x32xf32, #tpu.memory_space<vmem>>, %arg3: memref<400x32xf32, #tpu.memory_space<vmem>>) attributes {dimension_semantics = [#tpu.dimension_semantics<arbitrary>], iteration_bounds = array<i64: 25>, scalar_prefetch = 0 : i64, scratch_operands = 0 : i64, tpu.core_type = #tpu.core_type<tc>, window_params = [{transform_indices = @transform_0, window_bounds = array<i64: 400, 10000>}, {pipeline_mode = #tpu.pipeline_mode<synchronous>, transform_indices = @transform_1, window_bounds = array<i64: 10000, 32>}, {transform_indices = @transform_2, window_bounds = array<i64: 400, 32>}]} {
    %get3A = arith.constant 0 : index
    %get3A_0 = arith.constant 0 : index
    %get3A_1 = vector.load %arg1[%get3A, %get3A_0] : memref<400x10000xf32, #tpu.memory_space<vmem>>, vector<400x10000xf32>
    %get3A_2 = arith.constant 0 : index
    %get3A_3 = arith.constant 0 : index
    %get3A_4 = vector.load %arg2[%get3A_2, %get3A_3] : memref<10000x32xf32, #tpu.memory_space<vmem>>, vector<10000x32xf32>
    %dot_general3A = arith.constant dense<0.000000e+00> : vector<400x32xf32>
    %dot_general3A_5 = tpu.matmul %get3A_1, %get3A_4, %dot_general3A {dimension_numbers = #tpu.dot_dimension_numbers<[1], [0], [0], [1], [0, 0, 1, 1], [], []>, transpose_lhs_hint = false} : vector<400x10000xf32>, vector<10000x32xf32>, vector<400x32xf32> -> vector<400x32xf32>
    %swap3A = arith.constant 0 : index
    %swap3A_6 = arith.constant 0 : index
    %swap3A_7 = vector.load %arg3[%swap3A, %swap3A_6] : memref<400x32xf32, #tpu.memory_space<vmem>>, vector<400x32xf32>
    tpu.vector_store %arg3[%swap3A, %swap3A_6], %dot_general3A_5 {strides = array<i32>} : memref<400x32xf32, #tpu.memory_space<vmem>>, vector<400x32xf32>,
    return
  }
  func.func @transform_0(%arg0: i32) -> (i32, i32) {
    %c0_i32 = arith.constant 0 : i32
    %c0_i32_0 = arith.constant 0 : i32
    return %arg0, %c0_i32 : i32, i32
  }
  func.func @transform_1(%arg0: i32) -> (i32, i32) {
    %c0_i32 = arith.constant 0 : i32
    %c0_i32_0 = arith.constant 0 : i32
    %c0_i32_1 = arith.constant 0 : i32
    return %c0_i32, %c0_i32_0 : i32, i32
  }
  func.func @transform_2(%arg0: i32) -> (i32, i32) {
    %c0_i32 = arith.constant 0 : i32
    %c0_i32_0 = arith.constant 0 : i32
    return %arg0, %c0_i32 : i32, i32
  }
}

module attributes {stable_mosaic.version = 14 : i64} {
  func.func @_scale_body(%arg0: memref<2x10000x16xf32, #tpu.memory_space<vmem>>, %arg1: memref<10000x32xf32, #tpu.memory_space<vmem>>, %arg2: memref<10000x32xf32, #tpu.memory_space<vmem>>, %arg3: memref<10000x1xf32, #tpu.memory_space<vmem>>) attributes {dimension_semantics = [], scalar_prefetch = 0 : i64, scratch_operands = 0 : i64, tpu.core_type = #tpu.core_type<tc>} {
    %get3A = arith.constant 0 : index
    %get3A_0 = arith.constant 0 : index
    %get3A_1 = arith.constant 0 : index
    %get3A_2 = vector.load %arg0[%get3A, %get3A_0, %get3A_1] : memref<2x10000x16xf32, #tpu.memory_space<vmem>>, vector<1x10000x1xf32>
    %get3A_3 = vector.shape_cast %get3A_2 : vector<1x10000x1xf32> to vector<10000x1xf32>
    %get3A_4 = arith.constant 1 : index
    %get3A_5 = arith.constant 0 : index
    %get3A_6 = arith.constant 0 : index
    %get3A_7 = vector.load %arg0[%get3A_4, %get3A_5, %get3A_6] : memref<2x10000x16xf32, #tpu.memory_space<vmem>>, vector<1x10000x1xf32>
    %get3A_8 = vector.shape_cast %get3A_7 : vector<1x10000x1xf32> to vector<10000x1xf32>
    %add3A = arith.addf %get3A_3, %get3A_8 : vector<10000x1xf32>
    %add3A_9 = arith.constant 1.000000e+00 : f32
    %add3A_10 = vector.broadcast %add3A_9 : f32 to vector<10000x1xf32>
    %add3A_11 = arith.addf %add3A, %add3A_10 : vector<10000x1xf32>
    %rsqrt3A = math.rsqrt %add3A_11 : vector<10000x1xf32>
    %get3A_12 = arith.constant 0 : index
    %get3A_13 = arith.constant 0 : index
    %get3A_14 = vector.load %arg1[%get3A_12, %get3A_13] : memref<10000x32xf32, #tpu.memory_space<vmem>>, vector<10000x32xf32>
    %mul3A = vector.broadcast %rsqrt3A : vector<10000x1xf32> to vector<10000x32xf32>
    %mul3A_15 = arith.mulf %get3A_14, %mul3A : vector<10000x32xf32>
    %swap3A = arith.constant 0 : index
    %swap3A_16 = arith.constant 0 : index
    %swap3A_17 = vector.load %arg2[%swap3A, %swap3A_16] : memref<10000x32xf32, #tpu.memory_space<vmem>>, vector<10000x32xf32>
    tpu.vector_store %arg2[%swap3A, %swap3A_16], %mul3A_15 {strides = array<i32>} : memref<10000x32xf32, #tpu.memory_space<vmem>>, vector<10000x32xf32>,
    %swap3A_18 = arith.constant 0 : index
    %swap3A_19 = arith.constant 0 : index
    %swap3A_20 = vector.load %arg3[%swap3A_18, %swap3A_19] : memref<10000x1xf32, #tpu.memory_space<vmem>>, vector<10000x1xf32>
    tpu.vector_store %arg3[%swap3A_18, %swap3A_19], %rsqrt3A {strides = array<i32>} : memref<10000x1xf32, #tpu.memory_space<vmem>>, vector<10000x1xf32>,
    return
  }
}

module attributes {stable_mosaic.version = 14 : i64} {
  func.func @_mid_body(%arg0: memref<2x10000x32xf32, #tpu.memory_space<vmem>>, %arg1: memref<10000x32xf32, #tpu.memory_space<vmem>>, %arg2: memref<10000x1xf32, #tpu.memory_space<vmem>>, %arg3: memref<1x32xf32, #tpu.memory_space<vmem>>, %arg4: memref<32x16xf32, #tpu.memory_space<vmem>>, %arg5: memref<10000x16xf32, #tpu.memory_space<vmem>>) attributes {dimension_semantics = [], scalar_prefetch = 0 : i64, scratch_operands = 0 : i64, tpu.core_type = #tpu.core_type<tc>} {
    %get3A = arith.constant 0 : index
    %get3A_0 = arith.constant 0 : index
    %get3A_1 = vector.load %arg2[%get3A, %get3A_0] : memref<10000x1xf32, #tpu.memory_space<vmem>>, vector<10000x1xf32>
    %get3A_2 = arith.constant 0 : index
    %get3A_3 = arith.constant 0 : index
    %get3A_4 = arith.constant 0 : index
    %get3A_5 = vector.load %arg0[%get3A_2, %get3A_3, %get3A_4] : memref<2x10000x32xf32, #tpu.memory_space<vmem>>, vector<1x10000x32xf32>
    %get3A_6 = vector.shape_cast %get3A_5 : vector<1x10000x32xf32> to vector<10000x32xf32>
    %get3A_7 = arith.constant 1 : index
    %get3A_8 = arith.constant 0 : index
    %get3A_9 = arith.constant 0 : index
    %get3A_10 = vector.load %arg0[%get3A_7, %get3A_8, %get3A_9] : memref<2x10000x32xf32, #tpu.memory_space<vmem>>, vector<1x10000x32xf32>
    %get3A_11 = vector.shape_cast %get3A_10 : vector<1x10000x32xf32> to vector<10000x32xf32>
    %add3A = arith.addf %get3A_6, %get3A_11 : vector<10000x32xf32>
    %get3A_12 = arith.constant 0 : index
    %get3A_13 = arith.constant 0 : index
    %get3A_14 = vector.load %arg1[%get3A_12, %get3A_13] : memref<10000x32xf32, #tpu.memory_space<vmem>>, vector<10000x32xf32>
    %add3A_15 = arith.addf %add3A, %get3A_14 : vector<10000x32xf32>
    %mul3A = vector.broadcast %get3A_1 : vector<10000x1xf32> to vector<10000x32xf32>
    %mul3A_16 = arith.mulf %mul3A, %add3A_15 : vector<10000x32xf32>
    %get3A_17 = arith.constant 0 : index
    %get3A_18 = arith.constant 0 : index
    %get3A_19 = vector.load %arg3[%get3A_17, %get3A_18] : memref<1x32xf32, #tpu.memory_space<vmem>>, vector<1x32xf32>
    %add3A_20 = vector.broadcast %get3A_19 : vector<1x32xf32> to vector<10000x32xf32>
    %add3A_21 = arith.addf %mul3A_16, %add3A_20 : vector<10000x32xf32>
    %max3A = arith.constant 0.000000e+00 : f32
    %max3A_22 = vector.broadcast %max3A : f32 to vector<10000x32xf32>
    %max3A_23 = arith.maximumf %add3A_21, %max3A_22 : vector<10000x32xf32>
    %get3A_24 = arith.constant 0 : index
    %get3A_25 = arith.constant 0 : index
    %get3A_26 = vector.load %arg4[%get3A_24, %get3A_25] : memref<32x16xf32, #tpu.memory_space<vmem>>, vector<32x16xf32>
    %dot_general3A = arith.constant dense<0.000000e+00> : vector<10000x16xf32>
    %dot_general3A_27 = tpu.matmul %max3A_23, %get3A_26, %dot_general3A {dimension_numbers = #tpu.dot_dimension_numbers<[1], [0], [0], [1], [0, 0, 1, 1], [], []>, transpose_lhs_hint = false} : vector<10000x32xf32>, vector<32x16xf32>, vector<10000x16xf32> -> vector<10000x16xf32>
    %mul3A_28 = vector.broadcast %get3A_1 : vector<10000x1xf32> to vector<10000x16xf32>
    %mul3A_29 = arith.mulf %dot_general3A_27, %mul3A_28 : vector<10000x16xf32>
    %swap3A = arith.constant 0 : index
    %swap3A_30 = arith.constant 0 : index
    %swap3A_31 = vector.load %arg5[%swap3A, %swap3A_30] : memref<10000x16xf32, #tpu.memory_space<vmem>>, vector<10000x16xf32>
    tpu.vector_store %arg5[%swap3A, %swap3A_30], %mul3A_29 {strides = array<i32>} : memref<10000x16xf32, #tpu.memory_space<vmem>>, vector<10000x16xf32>,
    return
  }
}

module attributes {stable_mosaic.version = 14 : i64} {
  func.func @_head_body(%arg0: memref<2x10000x16xf32, #tpu.memory_space<vmem>>, %arg1: memref<10000x16xf32, #tpu.memory_space<vmem>>, %arg2: memref<10000x1xf32, #tpu.memory_space<vmem>>, %arg3: memref<1x16xf32, #tpu.memory_space<vmem>>, %arg4: memref<16x2xf32, #tpu.memory_space<vmem>>, %arg5: memref<1x2xf32, #tpu.memory_space<vmem>>, %arg6: memref<10000x2xf32, #tpu.memory_space<vmem>>) attributes {dimension_semantics = [], scalar_prefetch = 0 : i64, scratch_operands = 0 : i64, tpu.core_type = #tpu.core_type<tc>} {
    %get3A = arith.constant 0 : index
    %get3A_0 = arith.constant 0 : index
    %get3A_1 = vector.load %arg2[%get3A, %get3A_0] : memref<10000x1xf32, #tpu.memory_space<vmem>>, vector<10000x1xf32>
    %get3A_2 = arith.constant 0 : index
    %get3A_3 = arith.constant 0 : index
    %get3A_4 = arith.constant 0 : index
    %get3A_5 = vector.load %arg0[%get3A_2, %get3A_3, %get3A_4] : memref<2x10000x16xf32, #tpu.memory_space<vmem>>, vector<1x10000x16xf32>
    %get3A_6 = vector.shape_cast %get3A_5 : vector<1x10000x16xf32> to vector<10000x16xf32>
    %get3A_7 = arith.constant 1 : index
    %get3A_8 = arith.constant 0 : index
    %get3A_9 = arith.constant 0 : index
    %get3A_10 = vector.load %arg0[%get3A_7, %get3A_8, %get3A_9] : memref<2x10000x16xf32, #tpu.memory_space<vmem>>, vector<1x10000x16xf32>
    %get3A_11 = vector.shape_cast %get3A_10 : vector<1x10000x16xf32> to vector<10000x16xf32>
    %add3A = arith.addf %get3A_6, %get3A_11 : vector<10000x16xf32>
    %get3A_12 = arith.constant 0 : index
    %get3A_13 = arith.constant 0 : index
    %get3A_14 = vector.load %arg1[%get3A_12, %get3A_13] : memref<10000x16xf32, #tpu.memory_space<vmem>>, vector<10000x16xf32>
    %add3A_15 = arith.addf %add3A, %get3A_14 : vector<10000x16xf32>
    %mul3A = vector.broadcast %get3A_1 : vector<10000x1xf32> to vector<10000x16xf32>
    %mul3A_16 = arith.mulf %mul3A, %add3A_15 : vector<10000x16xf32>
    %get3A_17 = arith.constant 0 : index
    %get3A_18 = arith.constant 0 : index
    %get3A_19 = vector.load %arg3[%get3A_17, %get3A_18] : memref<1x16xf32, #tpu.memory_space<vmem>>, vector<1x16xf32>
    %add3A_20 = vector.broadcast %get3A_19 : vector<1x16xf32> to vector<10000x16xf32>
    %add3A_21 = arith.addf %mul3A_16, %add3A_20 : vector<10000x16xf32>
    %get3A_22 = arith.constant 0 : index
    %get3A_23 = arith.constant 0 : index
    %get3A_24 = vector.load %arg4[%get3A_22, %get3A_23] : memref<16x2xf32, #tpu.memory_space<vmem>>, vector<16x2xf32>
    %dot_general3A = arith.constant dense<0.000000e+00> : vector<10000x2xf32>
    %dot_general3A_25 = tpu.matmul %add3A_21, %get3A_24, %dot_general3A {dimension_numbers = #tpu.dot_dimension_numbers<[1], [0], [0], [1], [0, 0, 1, 1], [], []>, transpose_lhs_hint = false} : vector<10000x16xf32>, vector<16x2xf32>, vector<10000x2xf32> -> vector<10000x2xf32>
    %get3A_26 = arith.constant 0 : index
    %get3A_27 = arith.constant 0 : index
    %get3A_28 = vector.load %arg5[%get3A_26, %get3A_27] : memref<1x2xf32, #tpu.memory_space<vmem>>, vector<1x2xf32>
    %add3A_29 = vector.broadcast %get3A_28 : vector<1x2xf32> to vector<10000x2xf32>
    %add3A_30 = arith.addf %dot_general3A_25, %add3A_29 : vector<10000x2xf32>
    %swap3A = arith.constant 0 : index
    %swap3A_31 = arith.constant 0 : index
    %swap3A_32 = vector.load %arg6[%swap3A, %swap3A_31] : memref<10000x2xf32, #tpu.memory_space<vmem>>, vector<10000x2xf32>
    tpu.vector_store %arg6[%swap3A, %swap3A_31], %add3A_30 {strides = array<i32>} : memref<10000x2xf32, #tpu.memory_space<vmem>>, vector<10000x2xf32>,
    return
  }
}

</mosaic_0001>

<sc_bundles>
// kernel: kernel.10.cloned.1.call-start
scs
__scs_entry_jumppad:
0x0: {  	(pc) =	sbr.rel $0x88, $3  }
0x1: {  	(tag) =	ssettag $0x0;
	lr =	simm.s32 $0x1  }
0x2: {  	[smem:$0x3F98] =	sst lr;
	_ =	strace $0xD0000000  }
0x3: {  	_ = 	snop  }
0x4: {  	_ = 	snop  }
0x5: {  	_ = 	snop  }
0x6: {  	_ = 	snop  }
0x7: {  	_ = 	snop  }
__scs_overlays_trampoline_lowered:
0x8: {  	[smem:$0x3FA7] =	sst s0  }
0x9: {  	[smem:$0x3FA8] =	sst s1  }
0xa: {  	[smem:$0x3FA9] =	sst s2  }
0xb: {  	[smem:$0x3FAA] =	sst s3  }
0xc: {  	[smem:$0x3FAB] =	sst s4  }
0xd: {  	[smem:$0x3FAC] =	sst s5  }
0xe: {  	[smem:$0x3FAD] =	sst s6  }
0xf: {  	[smem:$0x3FAE] =	sst s7  }
0x10: {  	[smem:$0x3FAF] =	sst s8  }
0x11: {  	[smem:$0x3FB0] =	sst s9;
	s0 =	simm.s32 @!p0 $0x0  }
0x12: {  	s1 =	sld [smem:$0x3F96];
	s0 =	simm.s32 @p0 $0x1  }
0x13: {  	[smem:$0x3FB1] =	sst s0;
	s0 =	simm.s32 @!p1 $0x0  }
0x14: {  	s2 =	sld [smem:$0x3F95];
	s0 =	simm.s32 @p1 $0x1  }
0x15: {  	[smem:$0x3FB2] =	sst s0;
	s0 =	simm.s32 @!p2 $0x0  }
0x16: {  	s3 =	sld [smem:$0x3FDB];
	s0 =	simm.s32 @p2 $0x1  }
0x17: {  	s4 =	simm.s32 $0x1BF5;
	[smem:$0x3FB4] =	sst s0  }
0x18: {  	s0 =	sld [smem:$0x3F97];
	_ =	swait.ge [sflag:s4], $0x0  }
0x19: {  	s7 =	sld [smem:$0x3F98]  }
0x1a: {  	s8 =	sadd.s32 $0xFFFFE003, lr  }
0x1b: {  	s9 =	sadd.s32 $0xFFFFFEF7, lr;
	s5 =	simm.s32 $0xFFFFFFFF;
	p2 =	slt.u32 s8, $0xFFFFF086  }
0x1c: {  	p1 =	slt.u32 s9, $0xF7A;
	s5 =	simm.s32 @!p2 $0x0  }
0x1d: {  	s5 =	simm.s32 @p1 $0x1;
	p0 =	seq.s32 s7, s2  }
0x1e: {  	s7 =	smul.u32 @!p0 $0xF7A, s2;
	p2 =	seq.s32 @!p0 s5, $0x0  }
0x1f: {  	s9 =	smul.u32 $0xF7A, s1;
	s8 =	simm.s32 @!p0 $0x1BF5;
	p2 =	por !p2, p0  }
0x20: {  	[sflag:s8] =	ssyncset.s32 @!p0 $0xFFFFF086;
	s6 =	sadd.s32 @!p0 s3, s7;
	s7 =	simm.s32 @!p0 $0x108  }
0x21: {  	s3 =	sadd.s32 s3, s9;
	s6 =	sadd.s32 @!p0 $0x88, s6;
	s7 =	simm.s32 @p2 $0x1082  }
0x22: {  	[simem:s7], [sflag:s8] =	dma.local @!p0 [hbm:s6], $0xF7A  }
0x23: {  	s9 =	sor.u32 $0xD0000000, s2;
	s6 =	simm.s32 $0x108;
	_ =	swait.ge @!p0 [sflag:s8], $0x0  }
0x24: {  	s3 =	sadd.s32 $0x88, s3;
	s6 =	simm.s32 @!p1 $0x1082;
	[sflag:s4] =	ssyncset.s32 $0xFFFFF086  }
0x25: {  	[simem:s6], [sflag:s4] =	dma.local [hbm:s3], $0xF7A  }
0x26: {  	[smem:$0x3F98] =	sst s1;
	(tag) =	ssettag s2;
	_ =	strace s9  }
0x27: {  	s1 =	sld [smem:$0x3FA8]  }
0x28: {  	s2 =	sld [smem:$0x3FA9]  }
0x29: {  	s4 =	sld [smem:$0x3FAB]  }
0x2a: {  	p0 =	seq.s32 s5, $0x0;
	s5 =	sld [smem:$0x3FAC]  }
0x2b: {  	s6 =	sld [smem:$0x3FAD]  }
0x2c: {  	s7 =	sld [smem:$0x3FAE]  }
0x2d: {  	s3 =	simm.s32 $0x108;
	s8 =	sld [smem:$0x3FAF]  }
0x2e: {  	s3 =	simm.s32 @!p0 $0x1082;
	s9 =	sld [smem:$0x3FB0]  }
0x2f: {  	lr =	sadd.s32 s0, s3;
	s0 =	sld [smem:$0x3FA7]  }
0x30: {  	s3 =	sld [smem:$0x3FAA]  }
0x31: {  	[smem:$0x3FB3] =	sst s10  }
0x32: {  	s10 =	sld [smem:$0x3FB1];
	_ =	sdelay $0x3  }
0x33: {  	p0 =	seq.s32 s10, $0x1;
	s10 =	sld [smem:$0x3FB3];
	_ =	sdelay $0x3  }
0x34: {  	[smem:$0x3FB3] =	sst s10  }
0x35: {  	s10 =	sld [smem:$0x3FB2];
	_ =	sdelay $0x3  }
0x36: {  	p1 =	seq.s32 s10, $0x1;
	s10 =	sld [smem:$0x3FB3];
	_ =	sdelay $0x3  }
0x37: {  	[smem:$0x3FB3] =	sst s10  }
0x38: {  	s10 =	sld [smem:$0x3FB4]  }
0x39: {  	_ = 	snop;
	(pc) =	sbr.ind lr, $3  }
0x3a: {  	_ = 	snop  }
0x3b: {  	_ = 	snop  }
0x3c: {  	p2 =	seq.s32 s10, $0x1;
	s10 =	sld [smem:$0x3FB3]  }
0x3d: {  	_ =	shalt  }
0x3e: {  	_ =	shalt  }
0x3f: {  	_ =	shalt  }
0x40: {  	_ =	shalt  }
0x41: {  	_ =	shalt  }
0x42: {  	_ =	shalt  }
0x43: {  	_ =	shalt  }
0x44: {  	_ =	shalt  }
0x45: {  	_ =	shalt  }
0x46: {  	_ =	shalt  }
0x47: {  	_ =	shalt  }
0x48: {  	_ =	shalt  }
0x49: {  	_ =	shalt  }
0x4a: {  	_ =	shalt  }
0x4b: {  	_ =	shalt  }
0x4c: {  	_ =	shalt  }
0x4d: {  	_ =	shalt  }
0x4e: {  	_ =	shalt  }
0x4f: {  	_ =	shalt  }
0x50: {  	_ =	shalt  }
0x51: {  	_ =	shalt  }
0x52: {  	_ =	shalt  }
0x53: {  	_ =	shalt  }
0x54: {  	_ =	shalt  }
0x55: {  	_ =	shalt  }
0x56: {  	_ =	shalt  }
0x57: {  	_ =	shalt  }
0x58: {  	_ =	shalt  }
0x59: {  	_ =	shalt  }
0x5a: {  	_ =	shalt  }
0x5b: {  	_ =	shalt  }
0x5c: {  	_ =	shalt  }
0x5d: {  	_ =	shalt  }
0x5e: {  	_ =	shalt  }
0x5f: {  	_ =	shalt  }
0x60: {  	_ =	shalt  }
0x61: {  	_ =	shalt  }
0x62: {  	_ =	shalt  }
0x63: {  	_ =	shalt  }
0x64: {  	_ =	shalt  }
0x65: {  	_ =	shalt  }
0x66: {  	_ =	shalt  }
0x67: {  	_ =	shalt  }
0x68: {  	_ =	shalt  }
0x69: {  	_ =	shalt  }
0x6a: {  	_ =	shalt  }
0x6b: {  	_ =	shalt  }
0x6c: {  	_ =	shalt  }
0x6d: {  	_ =	shalt  }
0x6e: {  	_ =	shalt  }
0x6f: {  	_ =	shalt  }
0x70: {  	_ =	shalt  }
0x71: {  	_ =	shalt  }
0x72: {  	_ =	shalt  }
0x73: {  	_ =	shalt  }
0x74: {  	_ =	shalt  }
0x75: {  	_ =	shalt  }
0x76: {  	_ =	shalt  }
0x77: {  	_ =	shalt  }
0x78: {  	_ =	shalt  }
0x79: {  	_ =	shalt  }
0x7a: {  	_ =	shalt  }
0x7b: {  	_ =	shalt  }
0x7c: {  	_ =	shalt  }
0x7d: {  	_ =	shalt  }
0x7e: {  	_ =	shalt  }
0x7f: {  	_ =	shalt  }
0x80: {  	_ =	shalt  }
0x81: {  	_ =	shalt  }
0x82: {  	_ =	shalt  }
0x83: {  	_ =	shalt  }
0x84: {  	_ =	shalt  }
0x85: {  	_ =	shalt  }
0x86: {  	_ =	shalt  }
0x87: {  	_ =	shalt  }
.Lfunc_end0:
.L_simem_size_0:
called_computation_lowered:
.L_overlay_start_0:
0x88: {  	s2 =	sld [smem:$0x3FD9]  }
0x89: {  	s3 =	sld [smem:$0x3FFE];
	_ =	sdelay $0x1  }
0x8a: {  	s1 =	srdreg.scid  }
0x8b: {  	s0 =	sand.u32 $0x1, s1  }
0x8c: {  	s16 =	sshll.u32 s0, $0xA;
	s2 =	sadd.s32 s3, s2  }
0x8d: {  	s2 =	sadd.s32 s2, s16  }
0x8e: {  	[smem:$0x3FBF] =	sst s2  }
0x8f: {  	_ = 	snop  }
0x90: {  	(tm) =	ssettm $0x1  }
0x91: {  	s17 =	sld [smem:$0x3FFB];
	_ =	sdelay $0x3  }
0x92: {  	_ =	strace s17  }
0x93: {  	s2 =	sld [smem:$0x3FFC];
	_ =	sdelay $0x3  }
0x94: {  	_ =	strace s2  }
0x95: {  	s2 =	sld [smem:$0x3FFD];
	_ =	sdelay $0x3  }
0x96: {  	_ =	strace s2  }
0x97: {  	_ =	strace $0x8FFFFFFF  }
0x98: {  	s18 =	sld [smem:$0x3FDB];
	_ =	sdelay $0x1  }
0x99: {  	s19 =	simm.s32 $_scs_section_size  }
0x9a: {  	s4 =	simm.s32 $_size__tile_overlayer_lowered;
	s5 =	simm.s32 $_tile_overlayer_lowered  }
0x9b: {  	s22 =	simm.s32 $0x1BFF;
	s21 =	sshll.u32 s5, $0x1;
	s2 =	sadd.s32 s19, s18  }
0x9c: {  	s6 =	simm.s32 $0x0;
	s20 =	sshll.u32 s4, $0x1;
	s4 =	sadd.s32 s21, s2  }
0x9d: {  	[timem:s6], [sflag:s22] =	dma.local [hbm:s4], s20  }
0x9e: {  	_ =	swait.ge [sflag:s22], s20  }
0x9f: {  	s3 =	ssub.s32 $0x0, s20;
	[sflag:s22] =	ssyncset.done $0x0  }
0xa0: {  	[sflag:s22] =	ssyncadd.s32 s3;
	_ =	sdelay $0x1  }
0xa1: {  	s23 =	simm.s32 $0x1B8B  }
0xa2: {  	_ =	swait.ge [sflag:s23], $0x1  }
0xa3: {  	[sflag:s23] =	ssyncset.done $0x0  }
0xa4: {  	s25 =	simm.s32 $0x1B8E;
	s24 =	sld [smem:$0x3FFE];
	[sflag:s23] =	ssyncadd.s32 $0xFFFFFFFF  }
0xa5: {  	s26 =	simm.s32 $execute0_lowered;
	[smem:$0x3FD2] =	sst s25  }
0xa6: {  	s4 =	sshll.u32 s26, $0x1;
	_ =	strace $0x80000046;
	[dreg:$0x1] =	wrdreg $0xFFFFFFFF  }
0xa7: {  	s28 =	simm.s32 $_size_execute0_lowered;
	s2 =	sadd.s32 s2, s4;
	[dreg:$0x0] =	wrdreg $0x0  }
0xa8: {  	s4 =	sshll.u32 s28, $0x1;
	[dreg:$0x2] =	wrdreg s2  }
0xa9: {  	[dreg:$0x3] =	wrdreg s4  }
0xaa: {  	[dreg:$0x4] =	wrdreg $0xC0  }
0xab: {  	_ =	task [dreg:s6], $0x5FFFF  }
0xac: {  	[dreg:$0x1] =	wrdreg $0xFFFFFFFF  }
0xad: {  	[dreg:$0x0] =	wrdreg $0x60  }
0xae: {  	[dreg:$0x2] =	wrdreg s24  }
0xaf: {  	[dreg:$0x3] =	wrdreg $0x0  }
0xb0: {  	[dreg:$0x4] =	wrdreg $0x9  }
0xb1: {  	_ =	task.clear_ibuf [dreg:s6], $0x5FFFF;
	_ =	strace $0x90000046  }
0xb2: {  	s29 =	simm.s32 $0x9;
	_ =	strace $0x80000048  }
0xb3: {  	_ =	swait.ge [sflag:s29], $0x1  }
0xb4: {  	[sflag:s29] =	ssyncadd.s32 $0xFFFFFFFF  }
0xb5: {  	_ =	strace $0x90000048  }
0xb6: {  	_ =	sfence  }
0xb7: {  	s30 =	sld [smem:$0x0];
	_ =	sdelay $0x2  }
0xb8: {  	s31 =	sshll.u32 s1, $0xD;
	s1 =	sshrl.u32 s1, $0x2  }
0xb9: {  	s3 =	sand.u32 $0x4000, s31;
	s1 =	sadd.s32 s1, s30  }
0xba: {  	s0 =	sor.u32 s3, s0;
	s1 =	sshll.u32 s1, $0x11  }
0xbb: {  	s0 =	sor.u32 s1, s0  }
0xbc: {  	s0 =	sadd.s32 $0x8F2B, s0  }
0xbd: {  	[sflag:s0] =	ssyncadd.remote.s32 $0x1  }
0xbe: {  	_ =	sfence.sel $0xFFFF  }
0xbf: {  	[dreg:$0x0] =	wrdreg $0xFFFFFFFF;
	(pc) =	sbr.abs _section_cstart, $3  }
0xc0: {  	[dreg:$0x1] =	wrdreg $0xFFFFFFFF  }
0xc1: {  	_ =	task.clear_ibuf [dreg:s6], $0x2FFFF;
	_ =	strace $0x9FFFFFFF  }
0xc2: {  	(tm) =	ssettm $0x7FFFFFFF  }
0xc3: {  	_ =	shalt  }
tec
execute0_lowered:
.L_overlay_start_1:
0x0: {  	(tag) =	ssettag $0x1  }
0x1: {  	s0 =	srdreg.scid;
	s4 =	rddreg [dreg:$0x0]  }
0x2: {  	s2 =	rddreg [dreg:$0x1];
	s1 =	stileid.u32  }
0x3: {  	s3 =	simm.s32 $0x0;
	s13 =	simm.s32 $0x4E90;
	s14 =	simm.s32 $0x1  }
0x4: {  	s16 =	simm.s32 $0x0;
	s5 =	sand.u32 $0x1, s0;
	s0 =	rddreg [dreg:$0x2]  }
0x5: {  	[smem:$0x7FF] =	sst s3;
	s7 =	smul.u32 $0x9E00, s1;
	s10 =	sadd.s32 $0x14A00, s4  }
0x6: {  	s11 =	smul.u32 $0x2780, s1;
	p0 =	seq.s32 s1, $0xF;
	s6 =	sshll.u32 s5, $0x4  }
0x7: {  	_ =	strace $0x80000047;
	s8 =	ssub.s32 $0x2, s5;
	s9 =	smul.u32 $0x27100, s5  }
0x8: {  	s6 =	sor.u32 s1, s6;
	s28 =	sshrl.u32 s8, $0x1;
	s29 =	sshrl.u32 s7, $0x2  }
0x9: {  	s15 =	sadd.s32 s11, s2;
	s6 =	smul.u32 $0x4E2, s6;
	s12 =	ssub.s32 s8, s28  }
0xa: {  	s5 =	sadd.s32 s29, s2;
	s30 =	sadd.s32 s11, s9;
	s31 =	sshrl.u32 s9, $0x3  }
0xb: {  	s11 =	simm.s32 $0x2;
	s15 =	sshrl.u32 @!p0 s15, $0x3;
	s7 =	sshrl.u32 s30, $0x3  }
0xc: {  	s8 =	sadd.s32 s10, s31;
	s9 =	smax.u32 s12, $0x1;
	s12 =	simm.s32 $0x50  }
0xd: {  	s6 =	sadd.s32 s6, s4;
	s7 =	sadd.s32 s10, s7;
	s8 =	sadd.s32 $0x4A10, s8  }
0xe: {  	v0 =	vimm.f32 $0.0e+00;
	v1 =	vimm.f32 $1.000000000e+00;
	s10 =	simm.s32 $0x5390;
	s4 =	sadd.s32 $0xE00, s6;
	s6 =	sadd.s32 $0x25080, s2  }
.LBB2_1:
0xf: {  	s17 =	simm.s32 $0x0  }
.LBB2_2:
0x10: {  	p1 =	sne.s32 s17, $0x9DC0  }
.Ltmp0:
0x11: {  	_ = 	snop;
	(pc) =	sbr.rel @p1 .LBB2_2-.Ltmp0, $3  }
0x12: {  	_ =	sdelay $0x1  }
0x13: {  	s18 =	sshra.s32 s17, $0x2  }
0x14: {  	s17 =	sadd.s32 $0x40, s17;
	[tilespmem:s18+$0x2710] =	vst v0  }
0x15: {  	s17 =	simm.s32 $0x40;
	s18 =	simm.s32 $0x0  }
.LBB2_4:
0x16: {  	p1 =	sne.s32 s17, $0x13C0;
	[tilespmem:s18+$0x4E90] =	vst v1;
	s18 =	smov.u32 s17;
	s17 =	sadd.s32 $0x40, s17  }
.Ltmp1:
0x17: {  	(pc) =	sbr.rel @p1 .LBB2_4-.Ltmp1, $2  }
0x18: {  	_ =	sdelay $0x2  }
0x19: {  	s18 =	sshra.s32 s18, $0x2  }
0x1a: {  	[tilespmem:s18+$0x4E90] =	vst v1  }
0x1b: {  	[tilespmem:s10], [sflag:$0x2] =	stream.linear.gather [hbm4b:s4+s3], $0x2710, $0x38;
	[tilespmem:$0x7AA0] =	vst v63  }
0x1c: {  	_ =	swait.ge [sflag:s11], $0x2710  }
0x1d: {  	[sflag:s11] =	ssyncset.done $0x0  }
0x1e: {  	s17 =	simm.s32 @p0 $0x2710;
	[sflag:s11] =	ssyncadd.s32 $0xFFFFD8F0  }
0x1f: {  	[spmem:s6] =	stream.linear.scatter @p0 [tilespmem:s17], [sflag:$0x2], $0x2080, $0x38;
	[tilespmem:$0x7AA0] =	vst v63  }
0x20: {  	s17 =	simm.s32 @p0 $0x2  }
0x21: {  	_ =	swait.ge @p0 [sflag:s17], $0x2080  }
0x22: {  	[sflag:s17] =	ssyncset.done @p0 $0x0  }
0x23: {  	[sflag:s17] =	ssyncadd.s32 @p0 $0xFFFFDF80;
	s17 =	simm.s32 @!p0 $0x2710  }
0x24: {  	[spmem:s5] =	stream.linear.scatter @!p0 [tilespmem:s17], [sflag:$0x2], $0x2780, $0x38;
	[tilespmem:$0x7AA0] =	vst v63  }
0x25: {  	s17 =	simm.s32 @!p0 $0x2  }
0x26: {  	_ =	swait.ge @!p0 [sflag:s17], $0x2780  }
0x27: {  	[sflag:s17] =	ssyncset.done @!p0 $0x0  }
0x28: {  	[sflag:s17] =	ssyncadd.s32 @!p0 $0xFFFFD880  }
0x29: {  	s26 =	simm.s32 $0x5390;
	[bflag:$0x0] =	sbarrier.arrive $0xFFFF  }
0x2a: {  	[spmem:s2] =	stream.indirect.scatter.add.f32 [tilespmem:s13], [sflag:$0x1], $0x10, s26, s12, $0xb8;
	[tilespmem:$0x7AA0] =	vst v63  }
0x2b: {  	s28 =	simm.s32 $0x53E0  }
0x2c: {  	[spmem:s2] =	stream.indirect.scatter.add.f32 [tilespmem:s13], [sflag:$0x1], $0x10, s28, s12, $0xb8;
	[tilespmem:$0x7AA0] =	vst v63  }
0x2d: {  	s29 =	simm.s32 $0x5430  }
0x2e: {  	[spmem:s2] =	stream.indirect.scatter.add.f32 [tilespmem:s13], [sflag:$0x1], $0x10, s29, s12, $0xb8;
	[tilespmem:$0x7AA0] =	vst v63  }
0x2f: {  	s30 =	simm.s32 $0x5480  }
0x30: {  	[spmem:s2] =	stream.indirect.scatter.add.f32 [tilespmem:s13], [sflag:$0x1], $0x10, s30, s12, $0xb8;
	[tilespmem:$0x7AA0] =	vst v63  }
0x31: {  	s31 =	simm.s32 $0x54D0  }
0x32: {  	[spmem:s2] =	stream.indirect.scatter.add.f32 [tilespmem:s13], [sflag:$0x1], $0x10, s31, s12, $0xb8;
	[tilespmem:$0x7AA0] =	vst v63  }
0x33: {  	_ =	swait.ge [sflag:s14], $0x500  }
0x34: {  	[sflag:s14] =	ssyncset.done $0x0  }
0x35: {  	[sflag:s14] =	ssyncadd.s32 $0xFFFFFB00  }
0x36: {  	_ =	swait.ge [sflag:s14], $0x500  }
0x37: {  	[sflag:s14] =	ssyncset.done $0x0  }
0x38: {  	[sflag:s14] =	ssyncadd.s32 $0xFFFFFB00  }
0x39: {  	_ =	swait.ge [sflag:s14], $0x500  }
0x3a: {  	[sflag:s14] =	ssyncset.done $0x0  }
0x3b: {  	[sflag:s14] =	ssyncadd.s32 $0xFFFFFB00  }
0x3c: {  	_ =	swait.ge [sflag:s14], $0x500  }
0x3d: {  	[sflag:s14] =	ssyncset.done $0x0  }
0x3e: {  	[sflag:s14] =	ssyncadd.s32 $0xFFFFFB00  }
0x3f: {  	_ =	swait.ge [sflag:s14], $0x500  }
0x40: {  	s18 =	simm.s32 $0xC80;
	s17 =	simm.s32 $0x190;
	[sflag:s14] =	ssyncset.done $0x0  }
.LBB2_6:
0x41: {  	s19 =	sadd.s32 $0x5390, s17  }
0x42: {  	[sflag:s14] =	ssyncadd.s32 $0xFFFFFB00;
	s20 =	smov.u32 s18;
	s21 =	sadd.s32 $0x640, s18  }
0x43: {  	[spmem:s2] =	stream.indirect.scatter.add.f32 [tilespmem:s13], [sflag:$0x1], $0x10, s19, s12, $0xb8;
	[tilespmem:$0x7AA0] =	vst v63  }
0x44: {  	p1 =	sne.s32 s18, $0x9600;
	s18 =	sadd.s32 $0x53E0, s17  }
0x45: {  	[spmem:s2] =	stream.indirect.scatter.add.f32 [tilespmem:s13], [sflag:$0x1], $0x10, s18, s12, $0xb8;
	[tilespmem:$0x7AA0] =	vst v63  }
0x46: {  	s18 =	sadd.s32 $0x5430, s17  }
0x47: {  	[spmem:s2] =	stream.indirect.scatter.add.f32 [tilespmem:s13], [sflag:$0x1], $0x10, s18, s12, $0xb8;
	[tilespmem:$0x7AA0] =	vst v63  }
0x48: {  	s18 =	sadd.s32 $0x5480, s17  }
0x49: {  	[spmem:s2] =	stream.indirect.scatter.add.f32 [tilespmem:s13], [sflag:$0x1], $0x10, s18, s12, $0xb8;
	[tilespmem:$0x7AA0] =	vst v63  }
0x4a: {  	s17 =	sadd.s32 $0x54D0, s17  }
0x4b: {  	[spmem:s2] =	stream.indirect.scatter.add.f32 [tilespmem:s13], [sflag:$0x1], $0x10, s17, s12, $0xb8;
	[tilespmem:$0x7AA0] =	vst v63  }
0x4c: {  	_ =	swait.ge [sflag:s14], $0x500  }
0x4d: {  	[sflag:s14] =	ssyncset.done $0x0  }
0x4e: {  	[sflag:s14] =	ssyncadd.s32 $0xFFFFFB00  }
0x4f: {  	_ =	swait.ge [sflag:s14], $0x500  }
0x50: {  	[sflag:s14] =	ssyncset.done $0x0  }
0x51: {  	[sflag:s14] =	ssyncadd.s32 $0xFFFFFB00  }
0x52: {  	_ =	swait.ge [sflag:s14], $0x500  }
0x53: {  	[sflag:s14] =	ssyncset.done $0x0  }
0x54: {  	[sflag:s14] =	ssyncadd.s32 $0xFFFFFB00  }
.Ltmp2:
0x55: {  	_ =	swait.ge [sflag:s14], $0x500;
	(pc) =	sbr.rel @p1 .LBB2_6-.Ltmp2, $4  }
0x56: {  	[sflag:s14] =	ssyncset.done $0x0  }
0x57: {  	[sflag:s14] =	ssyncadd.s32 $0xFFFFFB00  }
0x58: {  	_ =	swait.ge [sflag:s14], $0x500  }
0x59: {  	s18 =	smov.u32 s21;
	s17 =	sshra.s32 s20, $0x2;
	[sflag:s14] =	ssyncset.done $0x0  }
0x5a: {  	s18 =	sadd.s32 $0x5390, s17;
	[sflag:s14] =	ssyncadd.s32 $0xFFFFFB00  }
0x5b: {  	[spmem:s2] =	stream.indirect.scatter.add.f32 [tilespmem:s13], [sflag:$0x1], $0x10, s18, s12, $0xb8;
	[tilespmem:$0x7AA0] =	vst v63  }
0x5c: {  	s28 =	sadd.s32 $0x53E0, s17  }
0x5d: {  	[spmem:s2] =	stream.indirect.scatter.add.f32 [tilespmem:s13], [sflag:$0x1], $0x10, s28, s12, $0xb8;
	[tilespmem:$0x7AA0] =	vst v63  }
0x5e: {  	s29 =	sadd.s32 $0x5430, s17  }
0x5f: {  	[spmem:s2] =	stream.indirect.scatter.add.f32 [tilespmem:s13], [sflag:$0x1], $0x10, s29, s12, $0xb8;
	[tilespmem:$0x7AA0] =	vst v63  }
0x60: {  	s30 =	sadd.s32 $0x5480, s17  }
0x61: {  	[spmem:s2] =	stream.indirect.scatter.add.f32 [tilespmem:s13], [sflag:$0x1], $0x10, s30, s12, $0xb8;
	[tilespmem:$0x7AA0] =	vst v63  }
0x62: {  	s31 =	sadd.s32 $0x54D0, s17  }
0x63: {  	[spmem:s2] =	stream.indirect.scatter.add.f32 [tilespmem:s13], [sflag:$0x1], $0x10, s31, s12, $0xb8;
	[tilespmem:$0x7AA0] =	vst v63  }
0x64: {  	_ =	swait.ge [sflag:s14], $0x500  }
0x65: {  	[sflag:s14] =	ssyncset.done $0x0  }
0x66: {  	[sflag:s14] =	ssyncadd.s32 $0xFFFFFB00  }
0x67: {  	_ =	swait.ge [sflag:s14], $0x500  }
0x68: {  	[sflag:s14] =	ssyncset.done $0x0  }
0x69: {  	[sflag:s14] =	ssyncadd.s32 $0xFFFFFB00  }
0x6a: {  	_ =	swait.ge [sflag:s14], $0x500  }
0x6b: {  	[sflag:s14] =	ssyncset.done $0x0  }
0x6c: {  	[sflag:s14] =	ssyncadd.s32 $0xFFFFFB00  }
0x6d: {  	_ =	swait.ge [sflag:s14], $0x500  }
0x6e: {  	[sflag:s14] =	ssyncset.done $0x0  }
0x6f: {  	[sflag:s14] =	ssyncadd.s32 $0xFFFFFB00  }
0x70: {  	_ =	swait.ge [sflag:s14], $0x500  }
0x71: {  	[sflag:s14] =	ssyncset.done $0x0  }
0x72: {  	[sflag:s14] =	ssyncadd.s32 $0xFFFFFB00  }
0x73: {  	s17 =	sshrl.u32 @p0 s6, $0x3;
	s18 =	simm.s32 @p0 $0x1FC2;
	[bflag:$0x0] =	sbarrier.arrive $0xFFFF  }
0x74: {  	[hbm:s8], [sflag:s18] =	dma.local @p0 [spmem:s17], $0x410  }
0x75: {  	s17 =	simm.s32 @p0 $0x2  }
0x76: {  	_ =	swait.ge @p0 [sflag:s17], $0x410  }
0x77: {  	s16 =	sadd.s32 $0x1, s16;
	s18 =	sshll.u32 @!p0 s1, $0x6;
	[sflag:s17] =	ssyncset.done @p0 $0x0  }
0x78: {  	p1 =	sne.s32 s16, s9;
	[sflag:s17] =	ssyncadd.s32 @p0 $0xFFFFFBF0;
	s17 =	sor.u32 @!p0 $0x1C02, s18  }
0x79: {  	[hbm:s7], [sflag:s17] =	dma.local @!p0 [spmem:s15], $0x4F0  }
.Ltmp3:
0x7a: {  	_ = 	snop;
	(pc) =	sbr.rel @p1 .LBB2_1-.Ltmp3, $4  }
0x7b: {  	s17 =	simm.s32 @!p0 $0x2  }
0x7c: {  	_ =	swait.ge @!p0 [sflag:s17], $0x4F0  }
0x7d: {  	[sflag:s17] =	ssyncset.done @!p0 $0x0  }
0x7e: {  	[sflag:s17] =	ssyncadd.s32 @!p0 $0xFFFFFB10  }
0x7f: {  	_ =	sfence.sel $0x180000  }
0x80: {  	[bflag:$0x0] =	sbarrier.arrive $0xFFFF  }
0x81: {  	p0 =	sne.s32 s1, $0x0;
	_ =	strace $0x90000047  }
0x82: {  	s0 =	sadd.s32 @!p0 $0x100000, s0;
	[bflag:$0x2] =	sbarrier.arrive $0xFFFF  }
0x83: {  	[sflag:s0] =	ssyncadd.tile.s32 @!p0 $0x1;
	_ =	shalt  }
.Lfunc_end2:
_tile_overlayer_lowered:
.L_overlay_start_2:
0x84: {  	(tag) =	ssettag $0x2  }
0x85: {  	s0 =	rddreg [dreg:$0x0];
	s2 =	stileid.u32  }
0x86: {  	s1 =	rddreg [dreg:$0x1];
	p0 =	sne.s32 s2, $0x0  }
0x87: {  	s3 =	rddreg [dreg:$0x2];
	[bflag:$0x3] =	sbarrier.arrive $0xFFFF;
	s2 =	simm.s32 @!p0 $0x1C02  }
0x88: {  	[timem:s3], [sflag:s2] =	dma.local @!p0 [hbm:s0], s1  }
0x89: {  	s0 =	simm.s32 @!p0 $0x2  }
0x8a: {  	_ =	swait.ge @!p0 [sflag:s0], s1  }
0x8b: {  	s1 =	ssub.s32 @!p0 $0x0, s1;
	[sflag:s0] =	ssyncset.done @!p0 $0x0  }
0x8c: {  	[sflag:s0] =	ssyncadd.s32 @!p0 s1  }
0x8d: {  	[bflag:$0x3] =	sbarrier.arrive $0xFFFF  }
0x8e: {  	_ =	shalt  }

// kernel: kernel.13.cloned.1.call-start
scs
__scs_entry_jumppad:
0x0: {  	(pc) =	sbr.rel $0x88, $3  }
0x1: {  	(tag) =	ssettag $0x0;
	lr =	simm.s32 $0x1  }
0x2: {  	[smem:$0x3F98] =	sst lr;
	_ =	strace $0xD0000000  }
0x3: {  	_ = 	snop  }
0x4: {  	_ = 	snop  }
0x5: {  	_ = 	snop  }
0x6: {  	_ = 	snop  }
0x7: {  	_ = 	snop  }
__scs_overlays_trampoline_lowered:
0x8: {  	[smem:$0x3FA7] =	sst s0  }
0x9: {  	[smem:$0x3FA8] =	sst s1  }
0xa: {  	[smem:$0x3FA9] =	sst s2  }
0xb: {  	[smem:$0x3FAA] =	sst s3  }
0xc: {  	[smem:$0x3FAB] =	sst s4  }
0xd: {  	[smem:$0x3FAC] =	sst s5  }
0xe: {  	[smem:$0x3FAD] =	sst s6  }
0xf: {  	[smem:$0x3FAE] =	sst s7  }
0x10: {  	[smem:$0x3FAF] =	sst s8  }
0x11: {  	[smem:$0x3FB0] =	sst s9;
	s0 =	simm.s32 @!p0 $0x0  }
0x12: {  	s1 =	sld [smem:$0x3F96];
	s0 =	simm.s32 @p0 $0x1  }
0x13: {  	[smem:$0x3FB1] =	sst s0;
	s0 =	simm.s32 @!p1 $0x0  }
0x14: {  	s2 =	sld [smem:$0x3F95];
	s0 =	simm.s32 @p1 $0x1  }
0x15: {  	[smem:$0x3FB2] =	sst s0;
	s0 =	simm.s32 @!p2 $0x0  }
0x16: {  	s3 =	sld [smem:$0x3FDB];
	s0 =	simm.s32 @p2 $0x1  }
0x17: {  	s4 =	simm.s32 $0x1BF5;
	[smem:$0x3FB4] =	sst s0  }
0x18: {  	s0 =	sld [smem:$0x3F97];
	_ =	swait.ge [sflag:s4], $0x0  }
0x19: {  	s7 =	sld [smem:$0x3F98]  }
0x1a: {  	s8 =	sadd.s32 $0xFFFFE003, lr  }
0x1b: {  	s9 =	sadd.s32 $0xFFFFFEF7, lr;
	s5 =	simm.s32 $0xFFFFFFFF;
	p2 =	slt.u32 s8, $0xFFFFF086  }
0x1c: {  	p1 =	slt.u32 s9, $0xF7A;
	s5 =	simm.s32 @!p2 $0x0  }
0x1d: {  	s5 =	simm.s32 @p1 $0x1;
	p0 =	seq.s32 s7, s2  }
0x1e: {  	s7 =	smul.u32 @!p0 $0xF7A, s2;
	p2 =	seq.s32 @!p0 s5, $0x0  }
0x1f: {  	s9 =	smul.u32 $0xF7A, s1;
	s8 =	simm.s32 @!p0 $0x1BF5;
	p2 =	por !p2, p0  }
0x20: {  	[sflag:s8] =	ssyncset.s32 @!p0 $0xFFFFF086;
	s6 =	sadd.s32 @!p0 s3, s7;
	s7 =	simm.s32 @!p0 $0x108  }
0x21: {  	s3 =	sadd.s32 s3, s9;
	s6 =	sadd.s32 @!p0 $0x88, s6;
	s7 =	simm.s32 @p2 $0x1082  }
0x22: {  	[simem:s7], [sflag:s8] =	dma.local @!p0 [hbm:s6], $0xF7A  }
0x23: {  	s9 =	sor.u32 $0xD0000000, s2;
	s6 =	simm.s32 $0x108;
	_ =	swait.ge @!p0 [sflag:s8], $0x0  }
0x24: {  	s3 =	sadd.s32 $0x88, s3;
	s6 =	simm.s32 @!p1 $0x1082;
	[sflag:s4] =	ssyncset.s32 $0xFFFFF086  }
0x25: {  	[simem:s6], [sflag:s4] =	dma.local [hbm:s3], $0xF7A  }
0x26: {  	[smem:$0x3F98] =	sst s1;
	(tag) =	ssettag s2;
	_ =	strace s9  }
0x27: {  	s1 =	sld [smem:$0x3FA8]  }
0x28: {  	s2 =	sld [smem:$0x3FA9]  }
0x29: {  	s4 =	sld [smem:$0x3FAB]  }
0x2a: {  	p0 =	seq.s32 s5, $0x0;
	s5 =	sld [smem:$0x3FAC]  }
0x2b: {  	s6 =	sld [smem:$0x3FAD]  }
0x2c: {  	s7 =	sld [smem:$0x3FAE]  }
0x2d: {  	s3 =	simm.s32 $0x108;
	s8 =	sld [smem:$0x3FAF]  }
0x2e: {  	s3 =	simm.s32 @!p0 $0x1082;
	s9 =	sld [smem:$0x3FB0]  }
0x2f: {  	lr =	sadd.s32 s0, s3;
	s0 =	sld [smem:$0x3FA7]  }
0x30: {  	s3 =	sld [smem:$0x3FAA]  }
0x31: {  	[smem:$0x3FB3] =	sst s10  }
0x32: {  	s10 =	sld [smem:$0x3FB1];
	_ =	sdelay $0x3  }
0x33: {  	p0 =	seq.s32 s10, $0x1;
	s10 =	sld [smem:$0x3FB3];
	_ =	sdelay $0x3  }
0x34: {  	[smem:$0x3FB3] =	sst s10  }
0x35: {  	s10 =	sld [smem:$0x3FB2];
	_ =	sdelay $0x3  }
0x36: {  	p1 =	seq.s32 s10, $0x1;
	s10 =	sld [smem:$0x3FB3];
	_ =	sdelay $0x3  }
0x37: {  	[smem:$0x3FB3] =	sst s10  }
0x38: {  	s10 =	sld [smem:$0x3FB4]  }
0x39: {  	_ = 	snop;
	(pc) =	sbr.ind lr, $3  }
0x3a: {  	_ = 	snop  }
0x3b: {  	_ = 	snop  }
0x3c: {  	p2 =	seq.s32 s10, $0x1;
	s10 =	sld [smem:$0x3FB3]  }
0x3d: {  	_ =	shalt  }
0x3e: {  	_ =	shalt  }
0x3f: {  	_ =	shalt  }
0x40: {  	_ =	shalt  }
0x41: {  	_ =	shalt  }
0x42: {  	_ =	shalt  }
0x43: {  	_ =	shalt  }
0x44: {  	_ =	shalt  }
0x45: {  	_ =	shalt  }
0x46: {  	_ =	shalt  }
0x47: {  	_ =	shalt  }
0x48: {  	_ =	shalt  }
0x49: {  	_ =	shalt  }
0x4a: {  	_ =	shalt  }
0x4b: {  	_ =	shalt  }
0x4c: {  	_ =	shalt  }
0x4d: {  	_ =	shalt  }
0x4e: {  	_ =	shalt  }
0x4f: {  	_ =	shalt  }
0x50: {  	_ =	shalt  }
0x51: {  	_ =	shalt  }
0x52: {  	_ =	shalt  }
0x53: {  	_ =	shalt  }
0x54: {  	_ =	shalt  }
0x55: {  	_ =	shalt  }
0x56: {  	_ =	shalt  }
0x57: {  	_ =	shalt  }
0x58: {  	_ =	shalt  }
0x59: {  	_ =	shalt  }
0x5a: {  	_ =	shalt  }
0x5b: {  	_ =	shalt  }
0x5c: {  	_ =	shalt  }
0x5d: {  	_ =	shalt  }
0x5e: {  	_ =	shalt  }
0x5f: {  	_ =	shalt  }
0x60: {  	_ =	shalt  }
0x61: {  	_ =	shalt  }
0x62: {  	_ =	shalt  }
0x63: {  	_ =	shalt  }
0x64: {  	_ =	shalt  }
0x65: {  	_ =	shalt  }
0x66: {  	_ =	shalt  }
0x67: {  	_ =	shalt  }
0x68: {  	_ =	shalt  }
0x69: {  	_ =	shalt  }
0x6a: {  	_ =	shalt  }
0x6b: {  	_ =	shalt  }
0x6c: {  	_ =	shalt  }
0x6d: {  	_ =	shalt  }
0x6e: {  	_ =	shalt  }
0x6f: {  	_ =	shalt  }
0x70: {  	_ =	shalt  }
0x71: {  	_ =	shalt  }
0x72: {  	_ =	shalt  }
0x73: {  	_ =	shalt  }
0x74: {  	_ =	shalt  }
0x75: {  	_ =	shalt  }
0x76: {  	_ =	shalt  }
0x77: {  	_ =	shalt  }
0x78: {  	_ =	shalt  }
0x79: {  	_ =	shalt  }
0x7a: {  	_ =	shalt  }
0x7b: {  	_ =	shalt  }
0x7c: {  	_ =	shalt  }
0x7d: {  	_ =	shalt  }
0x7e: {  	_ =	shalt  }
0x7f: {  	_ =	shalt  }
0x80: {  	_ =	shalt  }
0x81: {  	_ =	shalt  }
0x82: {  	_ =	shalt  }
0x83: {  	_ =	shalt  }
0x84: {  	_ =	shalt  }
0x85: {  	_ =	shalt  }
0x86: {  	_ =	shalt  }
0x87: {  	_ =	shalt  }
.Lfunc_end0:
.L_simem_size_0:
called_computation.1_lowered:
.L_overlay_start_0:
0x88: {  	s2 =	sld [smem:$0x3FD9]  }
0x89: {  	s3 =	sld [smem:$0x3FFE];
	_ =	sdelay $0x1  }
0x8a: {  	s1 =	srdreg.scid  }
0x8b: {  	s0 =	sand.u32 $0x1, s1  }
0x8c: {  	s16 =	sshll.u32 s0, $0xA;
	s2 =	sadd.s32 s3, s2  }
0x8d: {  	s2 =	sadd.s32 s2, s16  }
0x8e: {  	[smem:$0x3FBF] =	sst s2  }
0x8f: {  	_ = 	snop  }
0x90: {  	(tm) =	ssettm $0x1  }
0x91: {  	s17 =	sld [smem:$0x3FFB];
	_ =	sdelay $0x3  }
0x92: {  	_ =	strace s17  }
0x93: {  	s2 =	sld [smem:$0x3FFC];
	_ =	sdelay $0x3  }
0x94: {  	_ =	strace s2  }
0x95: {  	s2 =	sld [smem:$0x3FFD];
	_ =	sdelay $0x3  }
0x96: {  	_ =	strace s2  }
0x97: {  	_ =	strace $0x8FFFFFFF  }
0x98: {  	s18 =	sld [smem:$0x3FDB];
	_ =	sdelay $0x1  }
0x99: {  	s19 =	simm.s32 $_scs_section_size  }
0x9a: {  	s4 =	simm.s32 $_size__tile_overlayer_lowered;
	s5 =	simm.s32 $_tile_overlayer_lowered  }
0x9b: {  	s22 =	simm.s32 $0x1BFF;
	s21 =	sshll.u32 s5, $0x1;
	s2 =	sadd.s32 s19, s18  }
0x9c: {  	s6 =	simm.s32 $0x0;
	s20 =	sshll.u32 s4, $0x1;
	s4 =	sadd.s32 s21, s2  }
0x9d: {  	[timem:s6], [sflag:s22] =	dma.local [hbm:s4], s20  }
0x9e: {  	_ =	swait.ge [sflag:s22], s20  }
0x9f: {  	s3 =	ssub.s32 $0x0, s20;
	[sflag:s22] =	ssyncset.done $0x0  }
0xa0: {  	[sflag:s22] =	ssyncadd.s32 s3;
	_ =	sdelay $0x1  }
0xa1: {  	s23 =	simm.s32 $0x1B8B  }
0xa2: {  	_ =	swait.ge [sflag:s23], $0x1  }
0xa3: {  	[sflag:s23] =	ssyncset.done $0x0  }
0xa4: {  	s25 =	simm.s32 $0x1B8E;
	s24 =	sld [smem:$0x3FFE];
	[sflag:s23] =	ssyncadd.s32 $0xFFFFFFFF  }
0xa5: {  	s26 =	simm.s32 $execute0_lowered;
	[smem:$0x3FD2] =	sst s25  }
0xa6: {  	s4 =	sshll.u32 s26, $0x1;
	_ =	strace $0x80000049;
	[dreg:$0x1] =	wrdreg $0xFFFFFFFF  }
0xa7: {  	s28 =	simm.s32 $_size_execute0_lowered;
	s2 =	sadd.s32 s2, s4;
	[dreg:$0x0] =	wrdreg $0x0  }
0xa8: {  	s4 =	sshll.u32 s28, $0x1;
	[dreg:$0x2] =	wrdreg s2  }
0xa9: {  	[dreg:$0x3] =	wrdreg s4  }
0xaa: {  	[dreg:$0x4] =	wrdreg $0xC0  }
0xab: {  	_ =	task [dreg:s6], $0x5FFFF  }
0xac: {  	[dreg:$0x1] =	wrdreg $0xFFFFFFFF  }
0xad: {  	[dreg:$0x0] =	wrdreg $0x60  }
0xae: {  	[dreg:$0x2] =	wrdreg s24  }
0xaf: {  	[dreg:$0x3] =	wrdreg $0x0  }
0xb0: {  	[dreg:$0x4] =	wrdreg $0x9  }
0xb1: {  	_ =	task.clear_ibuf [dreg:s6], $0x5FFFF;
	_ =	strace $0x90000049  }
0xb2: {  	s29 =	simm.s32 $0x9;
	_ =	strace $0x8000004B  }
0xb3: {  	_ =	swait.ge [sflag:s29], $0x1  }
0xb4: {  	[sflag:s29] =	ssyncadd.s32 $0xFFFFFFFF  }
0xb5: {  	_ =	strace $0x9000004B  }
0xb6: {  	_ =	sfence  }
0xb7: {  	s30 =	sld [smem:$0x0];
	_ =	sdelay $0x2  }
0xb8: {  	s31 =	sshll.u32 s1, $0xD;
	s1 =	sshrl.u32 s1, $0x2  }
0xb9: {  	s3 =	sand.u32 $0x4000, s31;
	s1 =	sadd.s32 s1, s30  }
0xba: {  	s0 =	sor.u32 s3, s0;
	s1 =	sshll.u32 s1, $0x11  }
0xbb: {  	s0 =	sor.u32 s1, s0  }
0xbc: {  	s0 =	sadd.s32 $0x8F2B, s0  }
0xbd: {  	[sflag:s0] =	ssyncadd.remote.s32 $0x1  }
0xbe: {  	_ =	sfence.sel $0xFFFF  }
0xbf: {  	[dreg:$0x0] =	wrdreg $0xFFFFFFFF;
	(pc) =	sbr.abs _section_cstart, $3  }
0xc0: {  	[dreg:$0x1] =	wrdreg $0xFFFFFFFF  }
0xc1: {  	_ =	task.clear_ibuf [dreg:s6], $0x2FFFF;
	_ =	strace $0x9FFFFFFF  }
0xc2: {  	(tm) =	ssettm $0x7FFFFFFF  }
0xc3: {  	_ =	shalt  }
tec
execute0_lowered:
.L_overlay_start_1:
0x0: {  	(tag) =	ssettag $0x1  }
0x1: {  	s0 =	srdreg.scid;
	s1 =	rddreg [dreg:$0x0]  }
0x2: {  	s2 =	rddreg [dreg:$0x1];
	s3 =	stileid.u32;
	s5 =	simm.s32 $0x0  }
0x3: {  	s12 =	simm.s32 $0x9D20;
	s14 =	simm.s32 $0x2;
	s15 =	simm.s32 $0x3  }
0x4: {  	s16 =	simm.s32 $0x50;
	s17 =	simm.s32 $0xEB40;
	s19 =	simm.s32 $0xF540  }
0x5: {  	s21 =	simm.s32 $0xFF40;
	s23 =	simm.s32 $0x10940;
	s28 =	simm.s32 $0x4  }
0x6: {  	s29 =	simm.s32 $0x5;
	s30 =	simm.s32 $0x6;
	s31 =	simm.s32 $0x7  }
0x7: {  	s13 =	simm.s32 $0x9;
	s18 =	simm.s32 $0xA;
	s20 =	simm.s32 $0xB  }
0x8: {  	s24 =	simm.s32 $0x0;
	s0 =	sand.u32 $0x1, s0;
	s7 =	smul.u32 $0x13C00, s3  }
0x9: {  	[smem:$0x7FF] =	sst s5;
	s10 =	smul.u32 $0x4F00, s3;
	p0 =	seq.s32 s3, $0xF  }
0xa: {  	s4 =	sshll.u32 s0, $0x4;
	_ =	strace $0x8000004A;
	s25 =	ssub.s32 $0x2, s0  }
0xb: {  	s0 =	smul.u32 $0x4E200, s0;
	s4 =	sor.u32 s3, s4;
	s8 =	sshrl.u32 s25, $0x1  }
0xc: {  	s7 =	sshrl.u32 s7, $0x2;
	s4 =	smul.u32 $0x4E2, s4;
	s11 =	ssub.s32 s25, s8  }
0xd: {  	s26 =	sadd.s32 s10, s0;
	s7 =	sadd.s32 s7, s2;
	s0 =	sshrl.u32 s0, $0x3  }
0xe: {  	s8 =	sadd.s32 $0x4A100, s2;
	s9 =	sshrl.u32 s26, $0x3;
	s11 =	smax.u32 s11, $0x1  }
0xf: {  	s26 =	simm.s32 $0x11340;
	s6 =	sadd.s32 s4, s1;
	s4 =	sadd.s32 $0x14A00, s1  }
0x10: {  	s1 =	sadd.s32 $0x1E800, s1;
	s5 =	sadd.s32 $0xAC00, s6;
	s6 =	sadd.s32 $0xE00, s6  }
0x11: {  	s9 =	sadd.s32 s1, s9;
	s0 =	sadd.s32 s1, s0;
	s1 =	sadd.s32 s10, s2  }
0x12: {  	v0 =	vimm.f32 $0.0e+00;
	s10 =	sadd.s32 $0x9420, s0;
	s25 =	sshrl.u32 @!p0 s1, $0x3;
	s0 =	simm.s32 $0x8  }
.LBB2_1:
0x13: {  	s1 =	simm.s32 $0x0  }
0x14: {  	[tilespmem:s12], [sflag:$0x2] =	stream.linear.gather [hbm4b:s5+s1], $0x2710, $0x38;
	[tilespmem:$0x11D40] =	vst v63  }
0x15: {  	s3 =	simm.s32 $0xC430  }
0x16: {  	[tilespmem:s3], [sflag:$0x3] =	stream.linear.gather [hbm4b:s6+s1], $0x2710, $0x38;
	[tilespmem:$0x11D40] =	vst v63  }
0x17: {  	s22 =	simm.s32 $0x0;
	s1 =	simm.s32 $0x80  }
.LBB2_2:
0x18: {  	p1 =	sne.s32 s1, $0x13B80;
	[tilespmem:s22+$0x4E20] =	vst v0;
	s3 =	smov.u32 s1;
	s1 =	sadd.s32 $0x80, s1  }
.Ltmp0:
0x19: {  	[tilespmem:s22+$0x4E30] =	vst v0;
	(pc) =	sbr.rel @p1 .LBB2_2-.Ltmp0, $2  }
0x1a: {  	_ =	sdelay $0x2  }
0x1b: {  	s22 =	sshra.s32 s3, $0x2  }
0x1c: {  	[tilespmem:s22+$0x4E20] =	vst v0  }
0x1d: {  	[tilespmem:s22+$0x4E30] =	vst v0;
	s1 =	simm.s32 @p0 $0x4E20  }
0x1e: {  	[spmem:s8] =	stream.linear.scatter @p0 [tilespmem:s1], [sflag:$0x1], $0x4100, $0x38;
	[tilespmem:$0x11D40] =	vst v63  }
0x1f: {  	s1 =	simm.s32 @!p0 $0x4E20  }
0x20: {  	[spmem:s7] =	stream.linear.scatter @!p0 [tilespmem:s1], [sflag:$0x1], $0x4F00, $0x38;
	[tilespmem:$0x11D40] =	vst v63  }
0x21: {  	_ =	swait.ge [sflag:s14], $0x2710  }
0x22: {  	[sflag:s14] =	ssyncset.done $0x0  }
0x23: {  	[sflag:s14] =	ssyncadd.s32 $0xFFFFD8F0  }
0x24: {  	_ =	swait.ge [sflag:s15], $0x2710  }
0x25: {  	[sflag:s15] =	ssyncset.done $0x0  }
0x26: {  	s1 =	simm.s32 @p0 $0x1;
	[sflag:s15] =	ssyncadd.s32 $0xFFFFD8F0  }
0x27: {  	_ =	swait.ge @p0 [sflag:s1], $0x4100  }
0x28: {  	[sflag:s1] =	ssyncset.done @p0 $0x0  }
0x29: {  	[sflag:s1] =	ssyncadd.s32 @p0 $0xFFFFBF00;
	s1 =	simm.s32 @!p0 $0x1  }
0x2a: {  	_ =	swait.ge @!p0 [sflag:s1], $0x4F00  }
0x2b: {  	[sflag:s1] =	ssyncset.done @!p0 $0x0  }
0x2c: {  	[sflag:s1] =	ssyncadd.s32 @!p0 $0xFFFFB100  }
0x2d: {  	[bflag:$0x0] =	sbarrier.arrive $0xFFFF  }
0x2e: {  	[tilespmem:s17], [sflag:$0x2] =	stream.indirect.gather [hbm4b:s4+s16], $0x20, s12, s16, $0xb8;
	[tilespmem:$0x11D40] =	vst v63  }
0x2f: {  	s22 =	simm.s32 $0x9D70  }
0x30: {  	[tilespmem:s19], [sflag:$0x3] =	stream.indirect.gather [hbm4b:s4+s16], $0x20, s22, s16, $0xb8;
	[tilespmem:$0x11D40] =	vst v63  }
0x31: {  	s3 =	simm.s32 $0x9DC0  }
0x32: {  	[tilespmem:s21], [sflag:$0x4] =	stream.indirect.gather [hbm4b:s4+s16], $0x20, s3, s16, $0xb8;
	[tilespmem:$0x11D40] =	vst v63  }
0x33: {  	s22 =	simm.s32 $0x9E10  }
0x34: {  	[tilespmem:s23], [sflag:$0x5] =	stream.indirect.gather [hbm4b:s4+s16], $0x20, s22, s16, $0xb8;
	[tilespmem:$0x11D40] =	vst v63  }
0x35: {  	s3 =	simm.s32 $0x9E60  }
0x36: {  	[tilespmem:s26], [sflag:$0x6] =	stream.indirect.gather [hbm4b:s4+s16], $0x20, s3, s16, $0xb8;
	[tilespmem:$0x11D40] =	vst v63  }
0x37: {  	_ =	swait.ge [sflag:s14], $0xA00  }
0x38: {  	[sflag:s14] =	ssyncset.done $0x0  }
0x39: {  	s22 =	simm.s32 $0xC430;
	[sflag:s14] =	ssyncadd.s32 $0xFFFFF600  }
0x3a: {  	[spmem:s2] =	stream.indirect.scatter.add.f32 [tilespmem:s17], [sflag:$0x7], $0x20, s22, s16, $0xb8;
	[tilespmem:$0x11D40] =	vst v63  }
0x3b: {  	_ =	swait.ge [sflag:s15], $0xA00  }
0x3c: {  	[sflag:s15] =	ssyncset.done $0x0  }
0x3d: {  	s3 =	simm.s32 $0xC480;
	[sflag:s15] =	ssyncadd.s32 $0xFFFFF600  }
0x3e: {  	[spmem:s2] =	stream.indirect.scatter.add.f32 [tilespmem:s19], [sflag:$0x8], $0x20, s3, s16, $0xb8;
	[tilespmem:$0x11D40] =	vst v63  }
0x3f: {  	_ =	swait.ge [sflag:s28], $0xA00  }
0x40: {  	[sflag:s28] =	ssyncset.done $0x0  }
0x41: {  	s22 =	simm.s32 $0xC4D0;
	[sflag:s28] =	ssyncadd.s32 $0xFFFFF600  }
0x42: {  	[spmem:s2] =	stream.indirect.scatter.add.f32 [tilespmem:s21], [sflag:$0x9], $0x20, s22, s16, $0xb8;
	[tilespmem:$0x11D40] =	vst v63  }
0x43: {  	_ =	swait.ge [sflag:s29], $0xA00  }
0x44: {  	[sflag:s29] =	ssyncset.done $0x0  }
0x45: {  	s3 =	simm.s32 $0xC520;
	[sflag:s29] =	ssyncadd.s32 $0xFFFFF600  }
0x46: {  	[spmem:s2] =	stream.indirect.scatter.add.f32 [tilespmem:s23], [sflag:$0xA], $0x20, s3, s16, $0xb8;
	[tilespmem:$0x11D40] =	vst v63  }
0x47: {  	_ =	swait.ge [sflag:s30], $0xA00  }
0x48: {  	[sflag:s30] =	ssyncset.done $0x0  }
0x49: {  	s22 =	simm.s32 $0xC570;
	[sflag:s30] =	ssyncadd.s32 $0xFFFFF600  }
0x4a: {  	[spmem:s2] =	stream.indirect.scatter.add.f32 [tilespmem:s26], [sflag:$0xB], $0x20, s22, s16, $0xb8;
	[tilespmem:$0x11D40] =	vst v63  }
0x4b: {  	_ =	swait.ge [sflag:s31], $0xA00  }
0x4c: {  	[sflag:s31] =	ssyncset.done $0x0  }
0x4d: {  	s3 =	simm.s32 $0x9EB0;
	[sflag:s31] =	ssyncadd.s32 $0xFFFFF600  }
0x4e: {  	[tilespmem:s17], [sflag:$0x2] =	stream.indirect.gather [hbm4b:s4+s16], $0x20, s3, s16, $0xb8;
	[tilespmem:$0x11D40] =	vst v63  }
0x4f: {  	_ =	swait.ge [sflag:s0], $0xA00  }
0x50: {  	[sflag:s0] =	ssyncset.done $0x0  }
0x51: {  	s22 =	simm.s32 $0x9F00;
	[sflag:s0] =	ssyncadd.s32 $0xFFFFF600  }
0x52: {  	[tilespmem:s19], [sflag:$0x3] =	stream.indirect.gather [hbm4b:s4+s16], $0x20, s22, s16, $0xb8;
	[tilespmem:$0x11D40] =	vst v63  }
0x53: {  	_ =	swait.ge [sflag:s13], $0xA00  }
0x54: {  	[sflag:s13] =	ssyncset.done $0x0  }
0x55: {  	s3 =	simm.s32 $0x9F50;
	[sflag:s13] =	ssyncadd.s32 $0xFFFFF600  }
0x56: {  	[tilespmem:s21], [sflag:$0x4] =	stream.indirect.gather [hbm4b:s4+s16], $0x20, s3, s16, $0xb8;
	[tilespmem:$0x11D40] =	vst v63  }
0x57: {  	_ =	swait.ge [sflag:s18], $0xA00  }
0x58: {  	[sflag:s18] =	ssyncset.done $0x0  }
0x59: {  	s22 =	simm.s32 $0x9FA0;
	[sflag:s18] =	ssyncadd.s32 $0xFFFFF600  }
0x5a: {  	[tilespmem:s23], [sflag:$0x5] =	stream.indirect.gather [hbm4b:s4+s16], $0x20, s22, s16, $0xb8;
	[tilespmem:$0x11D40] =	vst v63  }
0x5b: {  	_ =	swait.ge [sflag:s20], $0xA00  }
0x5c: {  	[sflag:s20] =	ssyncset.done $0x0  }
0x5d: {  	s1 =	simm.s32 $0x640;
	s22 =	simm.s32 $0x9FF0;
	[sflag:s20] =	ssyncadd.s32 $0xFFFFF600  }
.LBB2_4:
0x5e: {  	[tilespmem:s26], [sflag:$0x6] =	stream.indirect.gather [hbm4b:s4+s16], $0x20, s22, s16, $0xb8;
	[tilespmem:$0x11D40] =	vst v63  }
0x5f: {  	s3 =	smov.u32 s1  }
0x60: {  	p1 =	sne.s32 s1, $0x8FC0;
	s1 =	sadd.s32 $0x640, s1;
	_ =	swait.ge [sflag:s14], $0xA00  }
0x61: {  	s22 =	sshra.s32 s3, $0x2;
	[sflag:s14] =	ssyncset.done $0x0  }
0x62: {  	s3 =	sadd.s32 $0xC430, s22;
	[sflag:s14] =	ssyncadd.s32 $0xFFFFF600  }
0x63: {  	[spmem:s2] =	stream.indirect.scatter.add.f32 [tilespmem:s17], [sflag:$0x7], $0x20, s3, s16, $0xb8;
	[tilespmem:$0x11D40] =	vst v63  }
0x64: {  	_ =	swait.ge [sflag:s15], $0xA00  }
0x65: {  	[sflag:s15] =	ssyncset.done $0x0  }
0x66: {  	s3 =	sadd.s32 $0xC480, s22;
	[sflag:s15] =	ssyncadd.s32 $0xFFFFF600  }
0x67: {  	[spmem:s2] =	stream.indirect.scatter.add.f32 [tilespmem:s19], [sflag:$0x8], $0x20, s3, s16, $0xb8;
	[tilespmem:$0x11D40] =	vst v63  }
0x68: {  	_ =	swait.ge [sflag:s28], $0xA00  }
0x69: {  	[sflag:s28] =	ssyncset.done $0x0  }
0x6a: {  	s3 =	sadd.s32 $0xC4D0, s22;
	[sflag:s28] =	ssyncadd.s32 $0xFFFFF600  }
0x6b: {  	[spmem:s2] =	stream.indirect.scatter.add.f32 [tilespmem:s21], [sflag:$0x9], $0x20, s3, s16, $0xb8;
	[tilespmem:$0x11D40] =	vst v63  }
0x6c: {  	_ =	swait.ge [sflag:s29], $0xA00  }
0x6d: {  	[sflag:s29] =	ssyncset.done $0x0  }
0x6e: {  	s3 =	sadd.s32 $0xC520, s22;
	[sflag:s29] =	ssyncadd.s32 $0xFFFFF600  }
0x6f: {  	[spmem:s2] =	stream.indirect.scatter.add.f32 [tilespmem:s23], [sflag:$0xA], $0x20, s3, s16, $0xb8;
	[tilespmem:$0x11D40] =	vst v63  }
0x70: {  	_ =	swait.ge [sflag:s30], $0xA00  }
0x71: {  	[sflag:s30] =	ssyncset.done $0x0  }
0x72: {  	s3 =	sadd.s32 $0xC570, s22;
	[sflag:s30] =	ssyncadd.s32 $0xFFFFF600  }
0x73: {  	[spmem:s2] =	stream.indirect.scatter.add.f32 [tilespmem:s26], [sflag:$0xB], $0x20, s3, s16, $0xb8;
	[tilespmem:$0x11D40] =	vst v63  }
0x74: {  	_ =	swait.ge [sflag:s31], $0xA00  }
0x75: {  	[sflag:s31] =	ssyncset.done $0x0  }
0x76: {  	s3 =	sadd.s32 $0x9EB0, s22;
	[sflag:s31] =	ssyncadd.s32 $0xFFFFF600  }
0x77: {  	[tilespmem:s17], [sflag:$0x2] =	stream.indirect.gather [hbm4b:s4+s16], $0x20, s3, s16, $0xb8;
	[tilespmem:$0x11D40] =	vst v63  }
0x78: {  	_ =	swait.ge [sflag:s0], $0xA00  }
0x79: {  	[sflag:s0] =	ssyncset.done $0x0  }
0x7a: {  	s3 =	sadd.s32 $0x9F00, s22;
	[sflag:s0] =	ssyncadd.s32 $0xFFFFF600  }
0x7b: {  	[tilespmem:s19], [sflag:$0x3] =	stream.indirect.gather [hbm4b:s4+s16], $0x20, s3, s16, $0xb8;
	[tilespmem:$0x11D40] =	vst v63  }
0x7c: {  	_ =	swait.ge [sflag:s13], $0xA00  }
0x7d: {  	[sflag:s13] =	ssyncset.done $0x0  }
0x7e: {  	s3 =	sadd.s32 $0x9F50, s22;
	[sflag:s13] =	ssyncadd.s32 $0xFFFFF600  }
0x7f: {  	[tilespmem:s21], [sflag:$0x4] =	stream.indirect.gather [hbm4b:s4+s16], $0x20, s3, s16, $0xb8;
	[tilespmem:$0x11D40] =	vst v63  }
0x80: {  	_ =	swait.ge [sflag:s18], $0xA00  }
0x81: {  	[sflag:s18] =	ssyncset.done $0x0  }
.Ltmp1:
0x82: {  	s3 =	sadd.s32 $0x9FA0, s22;
	[sflag:s18] =	ssyncadd.s32 $0xFFFFF600;
	(pc) =	sbr.rel @p1 .LBB2_4-.Ltmp1, $4  }
0x83: {  	[tilespmem:s23], [sflag:$0x5] =	stream.indirect.gather [hbm4b:s4+s16], $0x20, s3, s16, $0xb8;
	[tilespmem:$0x11D40] =	vst v63  }
0x84: {  	_ =	swait.ge [sflag:s20], $0xA00  }
0x85: {  	[sflag:s20] =	ssyncset.done $0x0  }
0x86: {  	s22 =	sadd.s32 $0x9FF0, s22;
	[sflag:s20] =	ssyncadd.s32 $0xFFFFF600  }
0x87: {  	[tilespmem:s26], [sflag:$0x6] =	stream.indirect.gather [hbm4b:s4+s16], $0x20, s22, s16, $0xb8;
	[tilespmem:$0x11D40] =	vst v63  }
0x88: {  	_ =	swait.ge [sflag:s14], $0xA00  }
0x89: {  	[sflag:s14] =	ssyncset.done $0x0  }
0x8a: {  	s1 =	simm.s32 $0xE9B0;
	[sflag:s14] =	ssyncadd.s32 $0xFFFFF600  }
0x8b: {  	[spmem:s2] =	stream.indirect.scatter.add.f32 [tilespmem:s17], [sflag:$0x7], $0x20, s1, s16, $0xb8;
	[tilespmem:$0x11D40] =	vst v63  }
0x8c: {  	_ =	swait.ge [sflag:s15], $0xA00  }
0x8d: {  	[sflag:s15] =	ssyncset.done $0x0  }
0x8e: {  	s3 =	simm.s32 $0xEA00;
	[sflag:s15] =	ssyncadd.s32 $0xFFFFF600  }
0x8f: {  	[spmem:s2] =	stream.indirect.scatter.add.f32 [tilespmem:s19], [sflag:$0x8], $0x20, s3, s16, $0xb8;
	[tilespmem:$0x11D40] =	vst v63  }
0x90: {  	_ =	swait.ge [sflag:s28], $0xA00  }
0x91: {  	[sflag:s28] =	ssyncset.done $0x0  }
0x92: {  	s22 =	simm.s32 $0xEA50;
	[sflag:s28] =	ssyncadd.s32 $0xFFFFF600  }
0x93: {  	[spmem:s2] =	stream.indirect.scatter.add.f32 [tilespmem:s21], [sflag:$0x9], $0x20, s22, s16, $0xb8;
	[tilespmem:$0x11D40] =	vst v63  }
0x94: {  	_ =	swait.ge [sflag:s29], $0xA00  }
0x95: {  	[sflag:s29] =	ssyncset.done $0x0  }
0x96: {  	s3 =	simm.s32 $0xEAA0;
	[sflag:s29] =	ssyncadd.s32 $0xFFFFF600  }
0x97: {  	[spmem:s2] =	stream.indirect.scatter.add.f32 [tilespmem:s23], [sflag:$0xA], $0x20, s3, s16, $0xb8;
	[tilespmem:$0x11D40] =	vst v63  }
0x98: {  	_ =	swait.ge [sflag:s30], $0xA00  }
0x99: {  	[sflag:s30] =	ssyncset.done $0x0  }
0x9a: {  	s22 =	simm.s32 $0xEAF0;
	[sflag:s30] =	ssyncadd.s32 $0xFFFFF600  }
0x9b: {  	[spmem:s2] =	stream.indirect.scatter.add.f32 [tilespmem:s26], [sflag:$0xB], $0x20, s22, s16, $0xb8;
	[tilespmem:$0x11D40] =	vst v63  }
0x9c: {  	_ =	swait.ge [sflag:s31], $0xA00  }
0x9d: {  	[sflag:s31] =	ssyncset.done $0x0  }
0x9e: {  	[sflag:s31] =	ssyncadd.s32 $0xFFFFF600  }
0x9f: {  	_ =	swait.ge [sflag:s0], $0xA00  }
0xa0: {  	[sflag:s0] =	ssyncset.done $0x0  }
0xa1: {  	[sflag:s0] =	ssyncadd.s32 $0xFFFFF600  }
0xa2: {  	_ =	swait.ge [sflag:s13], $0xA00  }
0xa3: {  	[sflag:s13] =	ssyncset.done $0x0  }
0xa4: {  	[sflag:s13] =	ssyncadd.s32 $0xFFFFF600  }
0xa5: {  	_ =	swait.ge [sflag:s18], $0xA00  }
0xa6: {  	[sflag:s18] =	ssyncset.done $0x0  }
0xa7: {  	[sflag:s18] =	ssyncadd.s32 $0xFFFFF600  }
0xa8: {  	_ =	swait.ge [sflag:s20], $0xA00  }
0xa9: {  	[sflag:s20] =	ssyncset.done $0x0  }
0xaa: {  	[sflag:s20] =	ssyncadd.s32 $0xFFFFF600  }
0xab: {  	s1 =	sshrl.u32 @p0 s8, $0x3;
	s3 =	simm.s32 @p0 $0x1FCC;
	[bflag:$0x0] =	sbarrier.arrive $0xFFFF  }
0xac: {  	[hbm:s10], [sflag:s3] =	dma.local @p0 [spmem:s1], $0x820  }
0xad: {  	s1 =	simm.s32 @p0 $0xC  }
0xae: {  	s3 =	stileid.u32;
	_ =	swait.ge @p0 [sflag:s1], $0x820  }
0xaf: {  	s24 =	sadd.s32 $0x1, s24;
	s3 =	sshll.u32 @!p0 s3, $0x6;
	[sflag:s1] =	ssyncset.done @p0 $0x0  }
0xb0: {  	p1 =	sne.s32 s24, s11;
	[sflag:s1] =	ssyncadd.s32 @p0 $0xFFFFF7E0;
	s1 =	sor.u32 @!p0 $0x1C0C, s3  }
0xb1: {  	[hbm:s9], [sflag:s1] =	dma.local @!p0 [spmem:s25], $0x9E0  }
.Ltmp2:
0xb2: {  	_ = 	snop;
	(pc) =	sbr.rel @p1 .LBB2_1-.Ltmp2, $4  }
0xb3: {  	s1 =	simm.s32 @!p0 $0xC  }
0xb4: {  	_ =	swait.ge @!p0 [sflag:s1], $0x9E0  }
0xb5: {  	[sflag:s1] =	ssyncset.done @!p0 $0x0  }
0xb6: {  	[sflag:s1] =	ssyncadd.s32 @!p0 $0xFFFFF620  }
0xb7: {  	_ =	sfence.sel $0x180000  }
0xb8: {  	[bflag:$0x0] =	sbarrier.arrive $0xFFFF  }
0xb9: {  	_ =	strace $0x9000004A  }
0xba: {  	s0 =	stileid.u32;
	[bflag:$0x2] =	sbarrier.arrive $0xFFFF  }
0xbb: {  	p0 =	sne.s32 s0, $0x0;
	s0 =	rddreg [dreg:$0x2]  }
0xbc: {  	s0 =	sadd.s32 @!p0 $0x100000, s0  }
0xbd: {  	[sflag:s0] =	ssyncadd.tile.s32 @!p0 $0x1;
	_ =	shalt  }
.Lfunc_end2:
_tile_overlayer_lowered:
.L_overlay_start_2:
0xbe: {  	(tag) =	ssettag $0x2  }
0xbf: {  	s0 =	rddreg [dreg:$0x0];
	s2 =	stileid.u32  }
0xc0: {  	s1 =	rddreg [dreg:$0x1];
	p0 =	sne.s32 s2, $0x0  }
0xc1: {  	s3 =	rddreg [dreg:$0x2];
	[bflag:$0x3] =	sbarrier.arrive $0xFFFF;
	s2 =	simm.s32 @!p0 $0x1C0C  }
0xc2: {  	[timem:s3], [sflag:s2] =	dma.local @!p0 [hbm:s0], s1  }
0xc3: {  	s0 =	simm.s32 @!p0 $0xC  }
0xc4: {  	_ =	swait.ge @!p0 [sflag:s0], s1  }
0xc5: {  	s1 =	ssub.s32 @!p0 $0x0, s1;
	[sflag:s0] =	ssyncset.done @!p0 $0x0  }
0xc6: {  	[sflag:s0] =	ssyncadd.s32 @!p0 s1  }
0xc7: {  	[bflag:$0x3] =	sbarrier.arrive $0xFFFF  }
0xc8: {  	_ =	shalt  }

// kernel: kernel.16.cloned.1.call-start
scs
__scs_entry_jumppad:
0x0: {  	(pc) =	sbr.rel $0x88, $3  }
0x1: {  	(tag) =	ssettag $0x0;
	lr =	simm.s32 $0x1  }
0x2: {  	[smem:$0x3F98] =	sst lr;
	_ =	strace $0xD0000000  }
0x3: {  	_ = 	snop  }
0x4: {  	_ = 	snop  }
0x5: {  	_ = 	snop  }
0x6: {  	_ = 	snop  }
0x7: {  	_ = 	snop  }
__scs_overlays_trampoline_lowered:
0x8: {  	[smem:$0x3FA7] =	sst s0  }
0x9: {  	[smem:$0x3FA8] =	sst s1  }
0xa: {  	[smem:$0x3FA9] =	sst s2  }
0xb: {  	[smem:$0x3FAA] =	sst s3  }
0xc: {  	[smem:$0x3FAB] =	sst s4  }
0xd: {  	[smem:$0x3FAC] =	sst s5  }
0xe: {  	[smem:$0x3FAD] =	sst s6  }
0xf: {  	[smem:$0x3FAE] =	sst s7  }
0x10: {  	[smem:$0x3FAF] =	sst s8  }
0x11: {  	[smem:$0x3FB0] =	sst s9;
	s0 =	simm.s32 @!p0 $0x0  }
0x12: {  	s1 =	sld [smem:$0x3F96];
	s0 =	simm.s32 @p0 $0x1  }
0x13: {  	[smem:$0x3FB1] =	sst s0;
	s0 =	simm.s32 @!p1 $0x0  }
0x14: {  	s2 =	sld [smem:$0x3F95];
	s0 =	simm.s32 @p1 $0x1  }
0x15: {  	[smem:$0x3FB2] =	sst s0;
	s0 =	simm.s32 @!p2 $0x0  }
0x16: {  	s3 =	sld [smem:$0x3FDB];
	s0 =	simm.s32 @p2 $0x1  }
0x17: {  	s4 =	simm.s32 $0x1BF5;
	[smem:$0x3FB4] =	sst s0  }
0x18: {  	s0 =	sld [smem:$0x3F97];
	_ =	swait.ge [sflag:s4], $0x0  }
0x19: {  	s7 =	sld [smem:$0x3F98]  }
0x1a: {  	s8 =	sadd.s32 $0xFFFFE003, lr  }
0x1b: {  	s9 =	sadd.s32 $0xFFFFFEF7, lr;
	s5 =	simm.s32 $0xFFFFFFFF;
	p2 =	slt.u32 s8, $0xFFFFF086  }
0x1c: {  	p1 =	slt.u32 s9, $0xF7A;
	s5 =	simm.s32 @!p2 $0x0  }
0x1d: {  	s5 =	simm.s32 @p1 $0x1;
	p0 =	seq.s32 s7, s2  }
0x1e: {  	s7 =	smul.u32 @!p0 $0xF7A, s2;
	p2 =	seq.s32 @!p0 s5, $0x0  }
0x1f: {  	s9 =	smul.u32 $0xF7A, s1;
	s8 =	simm.s32 @!p0 $0x1BF5;
	p2 =	por !p2, p0  }
0x20: {  	[sflag:s8] =	ssyncset.s32 @!p0 $0xFFFFF086;
	s6 =	sadd.s32 @!p0 s3, s7;
	s7 =	simm.s32 @!p0 $0x108  }
0x21: {  	s3 =	sadd.s32 s3, s9;
	s6 =	sadd.s32 @!p0 $0x88, s6;
	s7 =	simm.s32 @p2 $0x1082  }
0x22: {  	[simem:s7], [sflag:s8] =	dma.local @!p0 [hbm:s6], $0xF7A  }
0x23: {  	s9 =	sor.u32 $0xD0000000, s2;
	s6 =	simm.s32 $0x108;
	_ =	swait.ge @!p0 [sflag:s8], $0x0  }
0x24: {  	s3 =	sadd.s32 $0x88, s3;
	s6 =	simm.s32 @!p1 $0x1082;
	[sflag:s4] =	ssyncset.s32 $0xFFFFF086  }
0x25: {  	[simem:s6], [sflag:s4] =	dma.local [hbm:s3], $0xF7A  }
0x26: {  	[smem:$0x3F98] =	sst s1;
	(tag) =	ssettag s2;
	_ =	strace s9  }
0x27: {  	s1 =	sld [smem:$0x3FA8]  }
0x28: {  	s2 =	sld [smem:$0x3FA9]  }
0x29: {  	s4 =	sld [smem:$0x3FAB]  }
0x2a: {  	p0 =	seq.s32 s5, $0x0;
	s5 =	sld [smem:$0x3FAC]  }
0x2b: {  	s6 =	sld [smem:$0x3FAD]  }
0x2c: {  	s7 =	sld [smem:$0x3FAE]  }
0x2d: {  	s3 =	simm.s32 $0x108;
	s8 =	sld [smem:$0x3FAF]  }
0x2e: {  	s3 =	simm.s32 @!p0 $0x1082;
	s9 =	sld [smem:$0x3FB0]  }
0x2f: {  	lr =	sadd.s32 s0, s3;
	s0 =	sld [smem:$0x3FA7]  }
0x30: {  	s3 =	sld [smem:$0x3FAA]  }
0x31: {  	[smem:$0x3FB3] =	sst s10  }
0x32: {  	s10 =	sld [smem:$0x3FB1];
	_ =	sdelay $0x3  }
0x33: {  	p0 =	seq.s32 s10, $0x1;
	s10 =	sld [smem:$0x3FB3];
	_ =	sdelay $0x3  }
0x34: {  	[smem:$0x3FB3] =	sst s10  }
0x35: {  	s10 =	sld [smem:$0x3FB2];
	_ =	sdelay $0x3  }
0x36: {  	p1 =	seq.s32 s10, $0x1;
	s10 =	sld [smem:$0x3FB3];
	_ =	sdelay $0x3  }
0x37: {  	[smem:$0x3FB3] =	sst s10  }
0x38: {  	s10 =	sld [smem:$0x3FB4]  }
0x39: {  	_ = 	snop;
	(pc) =	sbr.ind lr, $3  }
0x3a: {  	_ = 	snop  }
0x3b: {  	_ = 	snop  }
0x3c: {  	p2 =	seq.s32 s10, $0x1;
	s10 =	sld [smem:$0x3FB3]  }
0x3d: {  	_ =	shalt  }
0x3e: {  	_ =	shalt  }
0x3f: {  	_ =	shalt  }
0x40: {  	_ =	shalt  }
0x41: {  	_ =	shalt  }
0x42: {  	_ =	shalt  }
0x43: {  	_ =	shalt  }
0x44: {  	_ =	shalt  }
0x45: {  	_ =	shalt  }
0x46: {  	_ =	shalt  }
0x47: {  	_ =	shalt  }
0x48: {  	_ =	shalt  }
0x49: {  	_ =	shalt  }
0x4a: {  	_ =	shalt  }
0x4b: {  	_ =	shalt  }
0x4c: {  	_ =	shalt  }
0x4d: {  	_ =	shalt  }
0x4e: {  	_ =	shalt  }
0x4f: {  	_ =	shalt  }
0x50: {  	_ =	shalt  }
0x51: {  	_ =	shalt  }
0x52: {  	_ =	shalt  }
0x53: {  	_ =	shalt  }
0x54: {  	_ =	shalt  }
0x55: {  	_ =	shalt  }
0x56: {  	_ =	shalt  }
0x57: {  	_ =	shalt  }
0x58: {  	_ =	shalt  }
0x59: {  	_ =	shalt  }
0x5a: {  	_ =	shalt  }
0x5b: {  	_ =	shalt  }
0x5c: {  	_ =	shalt  }
0x5d: {  	_ =	shalt  }
0x5e: {  	_ =	shalt  }
0x5f: {  	_ =	shalt  }
0x60: {  	_ =	shalt  }
0x61: {  	_ =	shalt  }
0x62: {  	_ =	shalt  }
0x63: {  	_ =	shalt  }
0x64: {  	_ =	shalt  }
0x65: {  	_ =	shalt  }
0x66: {  	_ =	shalt  }
0x67: {  	_ =	shalt  }
0x68: {  	_ =	shalt  }
0x69: {  	_ =	shalt  }
0x6a: {  	_ =	shalt  }
0x6b: {  	_ =	shalt  }
0x6c: {  	_ =	shalt  }
0x6d: {  	_ =	shalt  }
0x6e: {  	_ =	shalt  }
0x6f: {  	_ =	shalt  }
0x70: {  	_ =	shalt  }
0x71: {  	_ =	shalt  }
0x72: {  	_ =	shalt  }
0x73: {  	_ =	shalt  }
0x74: {  	_ =	shalt  }
0x75: {  	_ =	shalt  }
0x76: {  	_ =	shalt  }
0x77: {  	_ =	shalt  }
0x78: {  	_ =	shalt  }
0x79: {  	_ =	shalt  }
0x7a: {  	_ =	shalt  }
0x7b: {  	_ =	shalt  }
0x7c: {  	_ =	shalt  }
0x7d: {  	_ =	shalt  }
0x7e: {  	_ =	shalt  }
0x7f: {  	_ =	shalt  }
0x80: {  	_ =	shalt  }
0x81: {  	_ =	shalt  }
0x82: {  	_ =	shalt  }
0x83: {  	_ =	shalt  }
0x84: {  	_ =	shalt  }
0x85: {  	_ =	shalt  }
0x86: {  	_ =	shalt  }
0x87: {  	_ =	shalt  }
.Lfunc_end0:
.L_simem_size_0:
called_computation.2_lowered:
.L_overlay_start_0:
0x88: {  	s2 =	sld [smem:$0x3FD9]  }
0x89: {  	s3 =	sld [smem:$0x3FFE];
	_ =	sdelay $0x1  }
0x8a: {  	s1 =	srdreg.scid  }
0x8b: {  	s0 =	sand.u32 $0x1, s1  }
0x8c: {  	s16 =	sshll.u32 s0, $0xA;
	s2 =	sadd.s32 s3, s2  }
0x8d: {  	s2 =	sadd.s32 s2, s16  }
0x8e: {  	[smem:$0x3FBF] =	sst s2  }
0x8f: {  	_ = 	snop  }
0x90: {  	(tm) =	ssettm $0x1  }
0x91: {  	s17 =	sld [smem:$0x3FFB];
	_ =	sdelay $0x3  }
0x92: {  	_ =	strace s17  }
0x93: {  	s2 =	sld [smem:$0x3FFC];
	_ =	sdelay $0x3  }
0x94: {  	_ =	strace s2  }
0x95: {  	s2 =	sld [smem:$0x3FFD];
	_ =	sdelay $0x3  }
0x96: {  	_ =	strace s2  }
0x97: {  	_ =	strace $0x8FFFFFFF  }
0x98: {  	s18 =	sld [smem:$0x3FDB];
	_ =	sdelay $0x1  }
0x99: {  	s19 =	simm.s32 $_scs_section_size  }
0x9a: {  	s4 =	simm.s32 $_size__tile_overlayer_lowered;
	s5 =	simm.s32 $_tile_overlayer_lowered  }
0x9b: {  	s22 =	simm.s32 $0x1BFF;
	s21 =	sshll.u32 s5, $0x1;
	s2 =	sadd.s32 s19, s18  }
0x9c: {  	s6 =	simm.s32 $0x0;
	s20 =	sshll.u32 s4, $0x1;
	s4 =	sadd.s32 s21, s2  }
0x9d: {  	[timem:s6], [sflag:s22] =	dma.local [hbm:s4], s20  }
0x9e: {  	_ =	swait.ge [sflag:s22], s20  }
0x9f: {  	s3 =	ssub.s32 $0x0, s20;
	[sflag:s22] =	ssyncset.done $0x0  }
0xa0: {  	[sflag:s22] =	ssyncadd.s32 s3;
	_ =	sdelay $0x1  }
0xa1: {  	s23 =	simm.s32 $0x1B8B  }
0xa2: {  	_ =	swait.ge [sflag:s23], $0x1  }
0xa3: {  	[sflag:s23] =	ssyncset.done $0x0  }
0xa4: {  	s25 =	simm.s32 $0x1B8E;
	s24 =	sld [smem:$0x3FFE];
	[sflag:s23] =	ssyncadd.s32 $0xFFFFFFFF  }
0xa5: {  	s26 =	simm.s32 $execute0_lowered;
	[smem:$0x3FD2] =	sst s25  }
0xa6: {  	s4 =	sshll.u32 s26, $0x1;
	_ =	strace $0x8000004C;
	[dreg:$0x1] =	wrdreg $0xFFFFFFFF  }
0xa7: {  	s28 =	simm.s32 $_size_execute0_lowered;
	s2 =	sadd.s32 s2, s4;
	[dreg:$0x0] =	wrdreg $0x0  }
0xa8: {  	s4 =	sshll.u32 s28, $0x1;
	[dreg:$0x2] =	wrdreg s2  }
0xa9: {  	[dreg:$0x3] =	wrdreg s4  }
0xaa: {  	[dreg:$0x4] =	wrdreg $0xC0  }
0xab: {  	_ =	task [dreg:s6], $0x5FFFF  }
0xac: {  	[dreg:$0x1] =	wrdreg $0xFFFFFFFF  }
0xad: {  	[dreg:$0x0] =	wrdreg $0x60  }
0xae: {  	[dreg:$0x2] =	wrdreg s24  }
0xaf: {  	[dreg:$0x3] =	wrdreg $0x0  }
0xb0: {  	[dreg:$0x4] =	wrdreg $0x9  }
0xb1: {  	_ =	task.clear_ibuf [dreg:s6], $0x5FFFF;
	_ =	strace $0x9000004C  }
0xb2: {  	s29 =	simm.s32 $0x9;
	_ =	strace $0x8000004E  }
0xb3: {  	_ =	swait.ge [sflag:s29], $0x1  }
0xb4: {  	[sflag:s29] =	ssyncadd.s32 $0xFFFFFFFF  }
0xb5: {  	_ =	strace $0x9000004E  }
0xb6: {  	_ =	sfence  }
0xb7: {  	s30 =	sld [smem:$0x0];
	_ =	sdelay $0x2  }
0xb8: {  	s31 =	sshll.u32 s1, $0xD;
	s1 =	sshrl.u32 s1, $0x2  }
0xb9: {  	s3 =	sand.u32 $0x4000, s31;
	s1 =	sadd.s32 s1, s30  }
0xba: {  	s0 =	sor.u32 s3, s0;
	s1 =	sshll.u32 s1, $0x11  }
0xbb: {  	s0 =	sor.u32 s1, s0  }
0xbc: {  	s0 =	sadd.s32 $0x8F2B, s0  }
0xbd: {  	[sflag:s0] =	ssyncadd.remote.s32 $0x1  }
0xbe: {  	_ =	sfence.sel $0xFFFF  }
0xbf: {  	[dreg:$0x0] =	wrdreg $0xFFFFFFFF;
	(pc) =	sbr.abs _section_cstart, $3  }
0xc0: {  	[dreg:$0x1] =	wrdreg $0xFFFFFFFF  }
0xc1: {  	_ =	task.clear_ibuf [dreg:s6], $0x2FFFF;
	_ =	strace $0x9FFFFFFF  }
0xc2: {  	(tm) =	ssettm $0x7FFFFFFF  }
0xc3: {  	_ =	shalt  }
tec
execute0_lowered:
.L_overlay_start_1:
0x0: {  	(tag) =	ssettag $0x1  }
0x1: {  	s0 =	srdreg.scid;
	s1 =	rddreg [dreg:$0x0]  }
0x2: {  	s2 =	rddreg [dreg:$0x1];
	s3 =	stileid.u32;
	s5 =	simm.s32 $0x0  }
0x3: {  	s12 =	simm.s32 $0x4E90;
	s14 =	simm.s32 $0x2;
	s15 =	simm.s32 $0x3  }
0x4: {  	s16 =	simm.s32 $0x50;
	s17 =	simm.s32 $0x9CB0;
	s19 =	simm.s32 $0xA1B0  }
0x5: {  	s21 =	simm.s32 $0xA6B0;
	s23 =	simm.s32 $0xABB0;
	s28 =	simm.s32 $0x4  }
0x6: {  	s29 =	simm.s32 $0x5;
	s30 =	simm.s32 $0x6;
	s31 =	simm.s32 $0x7  }
0x7: {  	s13 =	simm.s32 $0x9;
	s18 =	simm.s32 $0xA;
	s20 =	simm.s32 $0xB  }
0x8: {  	s24 =	simm.s32 $0x0;
	s0 =	sand.u32 $0x1, s0;
	s7 =	smul.u32 $0x9E00, s3  }
0x9: {  	[smem:$0x7FF] =	sst s5;
	s10 =	smul.u32 $0x2780, s3;
	p0 =	seq.s32 s3, $0xF  }
0xa: {  	s4 =	sshll.u32 s0, $0x4;
	_ =	strace $0x8000004D;
	s25 =	ssub.s32 $0x2, s0  }
0xb: {  	s0 =	smul.u32 $0x27100, s0;
	s4 =	sor.u32 s3, s4;
	s8 =	sshrl.u32 s25, $0x1  }
0xc: {  	s7 =	sshrl.u32 s7, $0x2;
	s4 =	smul.u32 $0x4E2, s4;
	s11 =	ssub.s32 s25, s8  }
0xd: {  	s26 =	sadd.s32 s10, s0;
	s7 =	sadd.s32 s7, s2;
	s0 =	sshrl.u32 s0, $0x3  }
0xe: {  	s8 =	sadd.s32 $0x25080, s2;
	s9 =	sshrl.u32 s26, $0x3;
	s11 =	smax.u32 s11, $0x1  }
0xf: {  	s26 =	simm.s32 $0xB0B0;
	s6 =	sadd.s32 s4, s1;
	s4 =	sadd.s32 $0x14A00, s1  }
0x10: {  	s1 =	sadd.s32 $0x19A00, s1;
	s5 =	sadd.s32 $0xAC00, s6;
	s6 =	sadd.s32 $0xE00, s6  }
0x11: {  	s9 =	sadd.s32 s1, s9;
	s0 =	sadd.s32 s1, s0;
	s1 =	sadd.s32 s10, s2  }
0x12: {  	v0 =	vimm.f32 $0.0e+00;
	s10 =	sadd.s32 $0x4A10, s0;
	s25 =	sshrl.u32 @!p0 s1, $0x3;
	s0 =	simm.s32 $0x8  }
.LBB2_1:
0x13: {  	s1 =	simm.s32 $0x0  }
0x14: {  	[tilespmem:s12], [sflag:$0x2] =	stream.linear.gather [hbm4b:s5+s1], $0x2710, $0x38;
	[tilespmem:$0xB5B0] =	vst v63  }
0x15: {  	s3 =	simm.s32 $0x75A0  }
0x16: {  	[tilespmem:s3], [sflag:$0x3] =	stream.linear.gather [hbm4b:s6+s1], $0x2710, $0x38;
	[tilespmem:$0xB5B0] =	vst v63  }
0x17: {  	s22 =	simm.s32 $0x0;
	s1 =	simm.s32 $0x40  }
.LBB2_2:
0x18: {  	p1 =	sne.s32 s1, $0x9DC0;
	[tilespmem:s22+$0x2710] =	vst v0;
	s22 =	smov.u32 s1;
	s1 =	sadd.s32 $0x40, s1  }
.Ltmp0:
0x19: {  	(pc) =	sbr.rel @p1 .LBB2_2-.Ltmp0, $2  }
0x1a: {  	_ =	sdelay $0x2  }
0x1b: {  	s22 =	sshra.s32 s22, $0x2  }
0x1c: {  	[tilespmem:s22+$0x2710] =	vst v0;
	s1 =	simm.s32 @p0 $0x2710  }
0x1d: {  	[spmem:s8] =	stream.linear.scatter @p0 [tilespmem:s1], [sflag:$0x1], $0x2080, $0x38;
	[tilespmem:$0xB5B0] =	vst v63  }
0x1e: {  	s1 =	simm.s32 @!p0 $0x2710  }
0x1f: {  	[spmem:s7] =	stream.linear.scatter @!p0 [tilespmem:s1], [sflag:$0x1], $0x2780, $0x38;
	[tilespmem:$0xB5B0] =	vst v63  }
0x20: {  	_ =	swait.ge [sflag:s14], $0x2710  }
0x21: {  	[sflag:s14] =	ssyncset.done $0x0  }
0x22: {  	[sflag:s14] =	ssyncadd.s32 $0xFFFFD8F0  }
0x23: {  	_ =	swait.ge [sflag:s15], $0x2710  }
0x24: {  	[sflag:s15] =	ssyncset.done $0x0  }
0x25: {  	s1 =	simm.s32 @p0 $0x1;
	[sflag:s15] =	ssyncadd.s32 $0xFFFFD8F0  }
0x26: {  	_ =	swait.ge @p0 [sflag:s1], $0x2080  }
0x27: {  	[sflag:s1] =	ssyncset.done @p0 $0x0  }
0x28: {  	[sflag:s1] =	ssyncadd.s32 @p0 $0xFFFFDF80;
	s1 =	simm.s32 @!p0 $0x1  }
0x29: {  	_ =	swait.ge @!p0 [sflag:s1], $0x2780  }
0x2a: {  	[sflag:s1] =	ssyncset.done @!p0 $0x0  }
0x2b: {  	[sflag:s1] =	ssyncadd.s32 @!p0 $0xFFFFD880  }
0x2c: {  	[bflag:$0x0] =	sbarrier.arrive $0xFFFF  }
0x2d: {  	[tilespmem:s17], [sflag:$0x2] =	stream.indirect.gather [hbm4b:s4+s16], $0x10, s12, s16, $0xb8;
	[tilespmem:$0xB5B0] =	vst v63  }
0x2e: {  	s22 =	simm.s32 $0x4EE0  }
0x2f: {  	[tilespmem:s19], [sflag:$0x3] =	stream.indirect.gather [hbm4b:s4+s16], $0x10, s22, s16, $0xb8;
	[tilespmem:$0xB5B0] =	vst v63  }
0x30: {  	s3 =	simm.s32 $0x4F30  }
0x31: {  	[tilespmem:s21], [sflag:$0x4] =	stream.indirect.gather [hbm4b:s4+s16], $0x10, s3, s16, $0xb8;
	[tilespmem:$0xB5B0] =	vst v63  }
0x32: {  	s22 =	simm.s32 $0x4F80  }
0x33: {  	[tilespmem:s23], [sflag:$0x5] =	stream.indirect.gather [hbm4b:s4+s16], $0x10, s22, s16, $0xb8;
	[tilespmem:$0xB5B0] =	vst v63  }
0x34: {  	s3 =	simm.s32 $0x4FD0  }
0x35: {  	[tilespmem:s26], [sflag:$0x6] =	stream.indirect.gather [hbm4b:s4+s16], $0x10, s3, s16, $0xb8;
	[tilespmem:$0xB5B0] =	vst v63  }
0x36: {  	_ =	swait.ge [sflag:s14], $0x500  }
0x37: {  	[sflag:s14] =	ssyncset.done $0x0  }
0x38: {  	s22 =	simm.s32 $0x75A0;
	[sflag:s14] =	ssyncadd.s32 $0xFFFFFB00  }
0x39: {  	[spmem:s2] =	stream.indirect.scatter.add.f32 [tilespmem:s17], [sflag:$0x7], $0x10, s22, s16, $0xb8;
	[tilespmem:$0xB5B0] =	vst v63  }
0x3a: {  	_ =	swait.ge [sflag:s15], $0x500  }
0x3b: {  	[sflag:s15] =	ssyncset.done $0x0  }
0x3c: {  	s3 =	simm.s32 $0x75F0;
	[sflag:s15] =	ssyncadd.s32 $0xFFFFFB00  }
0x3d: {  	[spmem:s2] =	stream.indirect.scatter.add.f32 [tilespmem:s19], [sflag:$0x8], $0x10, s3, s16, $0xb8;
	[tilespmem:$0xB5B0] =	vst v63  }
0x3e: {  	_ =	swait.ge [sflag:s28], $0x500  }
0x3f: {  	[sflag:s28] =	ssyncset.done $0x0  }
0x40: {  	s22 =	simm.s32 $0x7640;
	[sflag:s28] =	ssyncadd.s32 $0xFFFFFB00  }
0x41: {  	[spmem:s2] =	stream.indirect.scatter.add.f32 [tilespmem:s21], [sflag:$0x9], $0x10, s22, s16, $0xb8;
	[tilespmem:$0xB5B0] =	vst v63  }
0x42: {  	_ =	swait.ge [sflag:s29], $0x500  }
0x43: {  	[sflag:s29] =	ssyncset.done $0x0  }
0x44: {  	s3 =	simm.s32 $0x7690;
	[sflag:s29] =	ssyncadd.s32 $0xFFFFFB00  }
0x45: {  	[spmem:s2] =	stream.indirect.scatter.add.f32 [tilespmem:s23], [sflag:$0xA], $0x10, s3, s16, $0xb8;
	[tilespmem:$0xB5B0] =	vst v63  }
0x46: {  	_ =	swait.ge [sflag:s30], $0x500  }
0x47: {  	[sflag:s30] =	ssyncset.done $0x0  }
0x48: {  	s22 =	simm.s32 $0x76E0;
	[sflag:s30] =	ssyncadd.s32 $0xFFFFFB00  }
0x49: {  	[spmem:s2] =	stream.indirect.scatter.add.f32 [tilespmem:s26], [sflag:$0xB], $0x10, s22, s16, $0xb8;
	[tilespmem:$0xB5B0] =	vst v63  }
0x4a: {  	_ =	swait.ge [sflag:s31], $0x500  }
0x4b: {  	[sflag:s31] =	ssyncset.done $0x0  }
0x4c: {  	s3 =	simm.s32 $0x5020;
	[sflag:s31] =	ssyncadd.s32 $0xFFFFFB00  }
0x4d: {  	[tilespmem:s17], [sflag:$0x2] =	stream.indirect.gather [hbm4b:s4+s16], $0x10, s3, s16, $0xb8;
	[tilespmem:$0xB5B0] =	vst v63  }
0x4e: {  	_ =	swait.ge [sflag:s0], $0x500  }
0x4f: {  	[sflag:s0] =	ssyncset.done $0x0  }
0x50: {  	s22 =	simm.s32 $0x5070;
	[sflag:s0] =	ssyncadd.s32 $0xFFFFFB00  }
0x51: {  	[tilespmem:s19], [sflag:$0x3] =	stream.indirect.gather [hbm4b:s4+s16], $0x10, s22, s16, $0xb8;
	[tilespmem:$0xB5B0] =	vst v63  }
0x52: {  	_ =	swait.ge [sflag:s13], $0x500  }
0x53: {  	[sflag:s13] =	ssyncset.done $0x0  }
0x54: {  	s3 =	simm.s32 $0x50C0;
	[sflag:s13] =	ssyncadd.s32 $0xFFFFFB00  }
0x55: {  	[tilespmem:s21], [sflag:$0x4] =	stream.indirect.gather [hbm4b:s4+s16], $0x10, s3, s16, $0xb8;
	[tilespmem:$0xB5B0] =	vst v63  }
0x56: {  	_ =	swait.ge [sflag:s18], $0x500  }
0x57: {  	[sflag:s18] =	ssyncset.done $0x0  }
0x58: {  	s22 =	simm.s32 $0x5110;
	[sflag:s18] =	ssyncadd.s32 $0xFFFFFB00  }
0x59: {  	[tilespmem:s23], [sflag:$0x5] =	stream.indirect.gather [hbm4b:s4+s16], $0x10, s22, s16, $0xb8;
	[tilespmem:$0xB5B0] =	vst v63  }
0x5a: {  	_ =	swait.ge [sflag:s20], $0x500  }
0x5b: {  	[sflag:s20] =	ssyncset.done $0x0  }
0x5c: {  	s1 =	simm.s32 $0x640;
	s22 =	simm.s32 $0x5160;
	[sflag:s20] =	ssyncadd.s32 $0xFFFFFB00  }
.LBB2_4:
0x5d: {  	[tilespmem:s26], [sflag:$0x6] =	stream.indirect.gather [hbm4b:s4+s16], $0x10, s22, s16, $0xb8;
	[tilespmem:$0xB5B0] =	vst v63  }
0x5e: {  	s22 =	smov.u32 s1  }
0x5f: {  	p1 =	sne.s32 s1, $0x8FC0;
	s1 =	sadd.s32 $0x640, s1;
	_ =	swait.ge [sflag:s14], $0x500  }
0x60: {  	s22 =	sshra.s32 s22, $0x2;
	[sflag:s14] =	ssyncset.done $0x0  }
0x61: {  	s3 =	sadd.s32 $0x75A0, s22;
	[sflag:s14] =	ssyncadd.s32 $0xFFFFFB00  }
0x62: {  	[spmem:s2] =	stream.indirect.scatter.add.f32 [tilespmem:s17], [sflag:$0x7], $0x10, s3, s16, $0xb8;
	[tilespmem:$0xB5B0] =	vst v63  }
0x63: {  	_ =	swait.ge [sflag:s15], $0x500  }
0x64: {  	[sflag:s15] =	ssyncset.done $0x0  }
0x65: {  	s3 =	sadd.s32 $0x75F0, s22;
	[sflag:s15] =	ssyncadd.s32 $0xFFFFFB00  }
0x66: {  	[spmem:s2] =	stream.indirect.scatter.add.f32 [tilespmem:s19], [sflag:$0x8], $0x10, s3, s16, $0xb8;
	[tilespmem:$0xB5B0] =	vst v63  }
0x67: {  	_ =	swait.ge [sflag:s28], $0x500  }
0x68: {  	[sflag:s28] =	ssyncset.done $0x0  }
0x69: {  	s3 =	sadd.s32 $0x7640, s22;
	[sflag:s28] =	ssyncadd.s32 $0xFFFFFB00  }
0x6a: {  	[spmem:s2] =	stream.indirect.scatter.add.f32 [tilespmem:s21], [sflag:$0x9], $0x10, s3, s16, $0xb8;
	[tilespmem:$0xB5B0] =	vst v63  }
0x6b: {  	_ =	swait.ge [sflag:s29], $0x500  }
0x6c: {  	[sflag:s29] =	ssyncset.done $0x0  }
0x6d: {  	s3 =	sadd.s32 $0x7690, s22;
	[sflag:s29] =	ssyncadd.s32 $0xFFFFFB00  }
0x6e: {  	[spmem:s2] =	stream.indirect.scatter.add.f32 [tilespmem:s23], [sflag:$0xA], $0x10, s3, s16, $0xb8;
	[tilespmem:$0xB5B0] =	vst v63  }
0x6f: {  	_ =	swait.ge [sflag:s30], $0x500  }
0x70: {  	[sflag:s30] =	ssyncset.done $0x0  }
0x71: {  	s3 =	sadd.s32 $0x76E0, s22;
	[sflag:s30] =	ssyncadd.s32 $0xFFFFFB00  }
0x72: {  	[spmem:s2] =	stream.indirect.scatter.add.f32 [tilespmem:s26], [sflag:$0xB], $0x10, s3, s16, $0xb8;
	[tilespmem:$0xB5B0] =	vst v63  }
0x73: {  	_ =	swait.ge [sflag:s31], $0x500  }
0x74: {  	[sflag:s31] =	ssyncset.done $0x0  }
0x75: {  	s3 =	sadd.s32 $0x5020, s22;
	[sflag:s31] =	ssyncadd.s32 $0xFFFFFB00  }
0x76: {  	[tilespmem:s17], [sflag:$0x2] =	stream.indirect.gather [hbm4b:s4+s16], $0x10, s3, s16, $0xb8;
	[tilespmem:$0xB5B0] =	vst v63  }
0x77: {  	_ =	swait.ge [sflag:s0], $0x500  }
0x78: {  	[sflag:s0] =	ssyncset.done $0x0  }
0x79: {  	s3 =	sadd.s32 $0x5070, s22;
	[sflag:s0] =	ssyncadd.s32 $0xFFFFFB00  }
0x7a: {  	[tilespmem:s19], [sflag:$0x3] =	stream.indirect.gather [hbm4b:s4+s16], $0x10, s3, s16, $0xb8;
	[tilespmem:$0xB5B0] =	vst v63  }
0x7b: {  	_ =	swait.ge [sflag:s13], $0x500  }
0x7c: {  	[sflag:s13] =	ssyncset.done $0x0  }
0x7d: {  	s3 =	sadd.s32 $0x50C0, s22;
	[sflag:s13] =	ssyncadd.s32 $0xFFFFFB00  }
0x7e: {  	[tilespmem:s21], [sflag:$0x4] =	stream.indirect.gather [hbm4b:s4+s16], $0x10, s3, s16, $0xb8;
	[tilespmem:$0xB5B0] =	vst v63  }
0x7f: {  	_ =	swait.ge [sflag:s18], $0x500  }
0x80: {  	[sflag:s18] =	ssyncset.done $0x0  }
.Ltmp1:
0x81: {  	s3 =	sadd.s32 $0x5110, s22;
	[sflag:s18] =	ssyncadd.s32 $0xFFFFFB00;
	(pc) =	sbr.rel @p1 .LBB2_4-.Ltmp1, $4  }
0x82: {  	[tilespmem:s23], [sflag:$0x5] =	stream.indirect.gather [hbm4b:s4+s16], $0x10, s3, s16, $0xb8;
	[tilespmem:$0xB5B0] =	vst v63  }
0x83: {  	_ =	swait.ge [sflag:s20], $0x500  }
0x84: {  	[sflag:s20] =	ssyncset.done $0x0  }
0x85: {  	s22 =	sadd.s32 $0x5160, s22;
	[sflag:s20] =	ssyncadd.s32 $0xFFFFFB00  }
0x86: {  	[tilespmem:s26], [sflag:$0x6] =	stream.indirect.gather [hbm4b:s4+s16], $0x10, s22, s16, $0xb8;
	[tilespmem:$0xB5B0] =	vst v63  }
0x87: {  	_ =	swait.ge [sflag:s14], $0x500  }
0x88: {  	[sflag:s14] =	ssyncset.done $0x0  }
0x89: {  	s1 =	simm.s32 $0x9B20;
	[sflag:s14] =	ssyncadd.s32 $0xFFFFFB00  }
0x8a: {  	[spmem:s2] =	stream.indirect.scatter.add.f32 [tilespmem:s17], [sflag:$0x7], $0x10, s1, s16, $0xb8;
	[tilespmem:$0xB5B0] =	vst v63  }
0x8b: {  	_ =	swait.ge [sflag:s15], $0x500  }
0x8c: {  	[sflag:s15] =	ssyncset.done $0x0  }
0x8d: {  	s3 =	simm.s32 $0x9B70;
	[sflag:s15] =	ssyncadd.s32 $0xFFFFFB00  }
0x8e: {  	[spmem:s2] =	stream.indirect.scatter.add.f32 [tilespmem:s19], [sflag:$0x8], $0x10, s3, s16, $0xb8;
	[tilespmem:$0xB5B0] =	vst v63  }
0x8f: {  	_ =	swait.ge [sflag:s28], $0x500  }
0x90: {  	[sflag:s28] =	ssyncset.done $0x0  }
0x91: {  	s22 =	simm.s32 $0x9BC0;
	[sflag:s28] =	ssyncadd.s32 $0xFFFFFB00  }
0x92: {  	[spmem:s2] =	stream.indirect.scatter.add.f32 [tilespmem:s21], [sflag:$0x9], $0x10, s22, s16, $0xb8;
	[tilespmem:$0xB5B0] =	vst v63  }
0x93: {  	_ =	swait.ge [sflag:s29], $0x500  }
0x94: {  	[sflag:s29] =	ssyncset.done $0x0  }
0x95: {  	s3 =	simm.s32 $0x9C10;
	[sflag:s29] =	ssyncadd.s32 $0xFFFFFB00  }
0x96: {  	[spmem:s2] =	stream.indirect.scatter.add.f32 [tilespmem:s23], [sflag:$0xA], $0x10, s3, s16, $0xb8;
	[tilespmem:$0xB5B0] =	vst v63  }
0x97: {  	_ =	swait.ge [sflag:s30], $0x500  }
0x98: {  	[sflag:s30] =	ssyncset.done $0x0  }
0x99: {  	s22 =	simm.s32 $0x9C60;
	[sflag:s30] =	ssyncadd.s32 $0xFFFFFB00  }
0x9a: {  	[spmem:s2] =	stream.indirect.scatter.add.f32 [tilespmem:s26], [sflag:$0xB], $0x10, s22, s16, $0xb8;
	[tilespmem:$0xB5B0] =	vst v63  }
0x9b: {  	_ =	swait.ge [sflag:s31], $0x500  }
0x9c: {  	[sflag:s31] =	ssyncset.done $0x0  }
0x9d: {  	[sflag:s31] =	ssyncadd.s32 $0xFFFFFB00  }
0x9e: {  	_ =	swait.ge [sflag:s0], $0x500  }
0x9f: {  	[sflag:s0] =	ssyncset.done $0x0  }
0xa0: {  	[sflag:s0] =	ssyncadd.s32 $0xFFFFFB00  }
0xa1: {  	_ =	swait.ge [sflag:s13], $0x500  }
0xa2: {  	[sflag:s13] =	ssyncset.done $0x0  }
0xa3: {  	[sflag:s13] =	ssyncadd.s32 $0xFFFFFB00  }
0xa4: {  	_ =	swait.ge [sflag:s18], $0x500  }
0xa5: {  	[sflag:s18] =	ssyncset.done $0x0  }
0xa6: {  	[sflag:s18] =	ssyncadd.s32 $0xFFFFFB00  }
0xa7: {  	_ =	swait.ge [sflag:s20], $0x500  }
0xa8: {  	[sflag:s20] =	ssyncset.done $0x0  }
0xa9: {  	[sflag:s20] =	ssyncadd.s32 $0xFFFFFB00  }
0xaa: {  	s1 =	sshrl.u32 @p0 s8, $0x3;
	s3 =	simm.s32 @p0 $0x1FCC;
	[bflag:$0x0] =	sbarrier.arrive $0xFFFF  }
0xab: {  	[hbm:s10], [sflag:s3] =	dma.local @p0 [spmem:s1], $0x410  }
0xac: {  	s1 =	simm.s32 @p0 $0xC  }
0xad: {  	s3 =	stileid.u32;
	_ =	swait.ge @p0 [sflag:s1], $0x410  }
0xae: {  	s24 =	sadd.s32 $0x1, s24;
	s3 =	sshll.u32 @!p0 s3, $0x6;
	[sflag:s1] =	ssyncset.done @p0 $0x0  }
0xaf: {  	p1 =	sne.s32 s24, s11;
	[sflag:s1] =	ssyncadd.s32 @p0 $0xFFFFFBF0;
	s1 =	sor.u32 @!p0 $0x1C0C, s3  }
0xb0: {  	[hbm:s9], [sflag:s1] =	dma.local @!p0 [spmem:s25], $0x4F0  }
.Ltmp2:
0xb1: {  	_ = 	snop;
	(pc) =	sbr.rel @p1 .LBB2_1-.Ltmp2, $4  }
0xb2: {  	s1 =	simm.s32 @!p0 $0xC  }
0xb3: {  	_ =	swait.ge @!p0 [sflag:s1], $0x4F0  }
0xb4: {  	[sflag:s1] =	ssyncset.done @!p0 $0x0  }
0xb5: {  	[sflag:s1] =	ssyncadd.s32 @!p0 $0xFFFFFB10  }
0xb6: {  	_ =	sfence.sel $0x180000  }
0xb7: {  	[bflag:$0x0] =	sbarrier.arrive $0xFFFF  }
0xb8: {  	_ =	strace $0x9000004D  }
0xb9: {  	s0 =	stileid.u32;
	[bflag:$0x2] =	sbarrier.arrive $0xFFFF  }
0xba: {  	p0 =	sne.s32 s0, $0x0;
	s0 =	rddreg [dreg:$0x2]  }
0xbb: {  	s0 =	sadd.s32 @!p0 $0x100000, s0  }
0xbc: {  	[sflag:s0] =	ssyncadd.tile.s32 @!p0 $0x1;
	_ =	shalt  }
.Lfunc_end2:
_tile_overlayer_lowered:
.L_overlay_start_2:
0xbd: {  	(tag) =	ssettag $0x2  }
0xbe: {  	s0 =	rddreg [dreg:$0x0];
	s2 =	stileid.u32  }
0xbf: {  	s1 =	rddreg [dreg:$0x1];
	p0 =	sne.s32 s2, $0x0  }
0xc0: {  	s3 =	rddreg [dreg:$0x2];
	[bflag:$0x3] =	sbarrier.arrive $0xFFFF;
	s2 =	simm.s32 @!p0 $0x1C0C  }
0xc1: {  	[timem:s3], [sflag:s2] =	dma.local @!p0 [hbm:s0], s1  }
0xc2: {  	s0 =	simm.s32 @!p0 $0xC  }
0xc3: {  	_ =	swait.ge @!p0 [sflag:s0], s1  }
0xc4: {  	s1 =	ssub.s32 @!p0 $0x0, s1;
	[sflag:s0] =	ssyncset.done @!p0 $0x0  }
0xc5: {  	[sflag:s0] =	ssyncadd.s32 @!p0 s1  }
0xc6: {  	[bflag:$0x3] =	sbarrier.arrive $0xFFFF  }
0xc7: {  	_ =	shalt  }

// kernel: kernel.19.cloned.1.call-start
scs
__scs_entry_jumppad:
0x0: {  	(pc) =	sbr.rel $0x88, $3  }
0x1: {  	(tag) =	ssettag $0x0;
	lr =	simm.s32 $0x1  }
0x2: {  	[smem:$0x3F98] =	sst lr;
	_ =	strace $0xD0000000  }
0x3: {  	_ = 	snop  }
0x4: {  	_ = 	snop  }
0x5: {  	_ = 	snop  }
0x6: {  	_ = 	snop  }
0x7: {  	_ = 	snop  }
__scs_overlays_trampoline_lowered:
0x8: {  	[smem:$0x3FA7] =	sst s0  }
0x9: {  	[smem:$0x3FA8] =	sst s1  }
0xa: {  	[smem:$0x3FA9] =	sst s2  }
0xb: {  	[smem:$0x3FAA] =	sst s3  }
0xc: {  	[smem:$0x3FAB] =	sst s4  }
0xd: {  	[smem:$0x3FAC] =	sst s5  }
0xe: {  	[smem:$0x3FAD] =	sst s6  }
0xf: {  	[smem:$0x3FAE] =	sst s7  }
0x10: {  	[smem:$0x3FAF] =	sst s8  }
0x11: {  	[smem:$0x3FB0] =	sst s9;
	s0 =	simm.s32 @!p0 $0x0  }
0x12: {  	s1 =	sld [smem:$0x3F96];
	s0 =	simm.s32 @p0 $0x1  }
0x13: {  	[smem:$0x3FB1] =	sst s0;
	s0 =	simm.s32 @!p1 $0x0  }
0x14: {  	s2 =	sld [smem:$0x3F95];
	s0 =	simm.s32 @p1 $0x1  }
0x15: {  	[smem:$0x3FB2] =	sst s0;
	s0 =	simm.s32 @!p2 $0x0  }
0x16: {  	s3 =	sld [smem:$0x3FDB];
	s0 =	simm.s32 @p2 $0x1  }
0x17: {  	s4 =	simm.s32 $0x1BF5;
	[smem:$0x3FB4] =	sst s0  }
0x18: {  	s0 =	sld [smem:$0x3F97];
	_ =	swait.ge [sflag:s4], $0x0  }
0x19: {  	s7 =	sld [smem:$0x3F98]  }
0x1a: {  	s8 =	sadd.s32 $0xFFFFE003, lr  }
0x1b: {  	s9 =	sadd.s32 $0xFFFFFEF7, lr;
	s5 =	simm.s32 $0xFFFFFFFF;
	p2 =	slt.u32 s8, $0xFFFFF086  }
0x1c: {  	p1 =	slt.u32 s9, $0xF7A;
	s5 =	simm.s32 @!p2 $0x0  }
0x1d: {  	s5 =	simm.s32 @p1 $0x1;
	p0 =	seq.s32 s7, s2  }
0x1e: {  	s7 =	smul.u32 @!p0 $0xF7A, s2;
	p2 =	seq.s32 @!p0 s5, $0x0  }
0x1f: {  	s9 =	smul.u32 $0xF7A, s1;
	s8 =	simm.s32 @!p0 $0x1BF5;
	p2 =	por !p2, p0  }
0x20: {  	[sflag:s8] =	ssyncset.s32 @!p0 $0xFFFFF086;
	s6 =	sadd.s32 @!p0 s3, s7;
	s7 =	simm.s32 @!p0 $0x108  }
0x21: {  	s3 =	sadd.s32 s3, s9;
	s6 =	sadd.s32 @!p0 $0x88, s6;
	s7 =	simm.s32 @p2 $0x1082  }
0x22: {  	[simem:s7], [sflag:s8] =	dma.local @!p0 [hbm:s6], $0xF7A  }
0x23: {  	s9 =	sor.u32 $0xD0000000, s2;
	s6 =	simm.s32 $0x108;
	_ =	swait.ge @!p0 [sflag:s8], $0x0  }
0x24: {  	s3 =	sadd.s32 $0x88, s3;
	s6 =	simm.s32 @!p1 $0x1082;
	[sflag:s4] =	ssyncset.s32 $0xFFFFF086  }
0x25: {  	[simem:s6], [sflag:s4] =	dma.local [hbm:s3], $0xF7A  }
0x26: {  	[smem:$0x3F98] =	sst s1;
	(tag) =	ssettag s2;
	_ =	strace s9  }
0x27: {  	s1 =	sld [smem:$0x3FA8]  }
0x28: {  	s2 =	sld [smem:$0x3FA9]  }
0x29: {  	s4 =	sld [smem:$0x3FAB]  }
0x2a: {  	p0 =	seq.s32 s5, $0x0;
	s5 =	sld [smem:$0x3FAC]  }
0x2b: {  	s6 =	sld [smem:$0x3FAD]  }
0x2c: {  	s7 =	sld [smem:$0x3FAE]  }
0x2d: {  	s3 =	simm.s32 $0x108;
	s8 =	sld [smem:$0x3FAF]  }
0x2e: {  	s3 =	simm.s32 @!p0 $0x1082;
	s9 =	sld [smem:$0x3FB0]  }
0x2f: {  	lr =	sadd.s32 s0, s3;
	s0 =	sld [smem:$0x3FA7]  }
0x30: {  	s3 =	sld [smem:$0x3FAA]  }
0x31: {  	[smem:$0x3FB3] =	sst s10  }
0x32: {  	s10 =	sld [smem:$0x3FB1];
	_ =	sdelay $0x3  }
0x33: {  	p0 =	seq.s32 s10, $0x1;
	s10 =	sld [smem:$0x3FB3];
	_ =	sdelay $0x3  }
0x34: {  	[smem:$0x3FB3] =	sst s10  }
0x35: {  	s10 =	sld [smem:$0x3FB2];
	_ =	sdelay $0x3  }
0x36: {  	p1 =	seq.s32 s10, $0x1;
	s10 =	sld [smem:$0x3FB3];
	_ =	sdelay $0x3  }
0x37: {  	[smem:$0x3FB3] =	sst s10  }
0x38: {  	s10 =	sld [smem:$0x3FB4]  }
0x39: {  	_ = 	snop;
	(pc) =	sbr.ind lr, $3  }
0x3a: {  	_ = 	snop  }
0x3b: {  	_ = 	snop  }
0x3c: {  	p2 =	seq.s32 s10, $0x1;
	s10 =	sld [smem:$0x3FB3]  }
0x3d: {  	_ =	shalt  }
0x3e: {  	_ =	shalt  }
0x3f: {  	_ =	shalt  }
0x40: {  	_ =	shalt  }
0x41: {  	_ =	shalt  }
0x42: {  	_ =	shalt  }
0x43: {  	_ =	shalt  }
0x44: {  	_ =	shalt  }
0x45: {  	_ =	shalt  }
0x46: {  	_ =	shalt  }
0x47: {  	_ =	shalt  }
0x48: {  	_ =	shalt  }
0x49: {  	_ =	shalt  }
0x4a: {  	_ =	shalt  }
0x4b: {  	_ =	shalt  }
0x4c: {  	_ =	shalt  }
0x4d: {  	_ =	shalt  }
0x4e: {  	_ =	shalt  }
0x4f: {  	_ =	shalt  }
0x50: {  	_ =	shalt  }
0x51: {  	_ =	shalt  }
0x52: {  	_ =	shalt  }
0x53: {  	_ =	shalt  }
0x54: {  	_ =	shalt  }
0x55: {  	_ =	shalt  }
0x56: {  	_ =	shalt  }
0x57: {  	_ =	shalt  }
0x58: {  	_ =	shalt  }
0x59: {  	_ =	shalt  }
0x5a: {  	_ =	shalt  }
0x5b: {  	_ =	shalt  }
0x5c: {  	_ =	shalt  }
0x5d: {  	_ =	shalt  }
0x5e: {  	_ =	shalt  }
0x5f: {  	_ =	shalt  }
0x60: {  	_ =	shalt  }
0x61: {  	_ =	shalt  }
0x62: {  	_ =	shalt  }
0x63: {  	_ =	shalt  }
0x64: {  	_ =	shalt  }
0x65: {  	_ =	shalt  }
0x66: {  	_ =	shalt  }
0x67: {  	_ =	shalt  }
0x68: {  	_ =	shalt  }
0x69: {  	_ =	shalt  }
0x6a: {  	_ =	shalt  }
0x6b: {  	_ =	shalt  }
0x6c: {  	_ =	shalt  }
0x6d: {  	_ =	shalt  }
0x6e: {  	_ =	shalt  }
0x6f: {  	_ =	shalt  }
0x70: {  	_ =	shalt  }
0x71: {  	_ =	shalt  }
0x72: {  	_ =	shalt  }
0x73: {  	_ =	shalt  }
0x74: {  	_ =	shalt  }
0x75: {  	_ =	shalt  }
0x76: {  	_ =	shalt  }
0x77: {  	_ =	shalt  }
0x78: {  	_ =	shalt  }
0x79: {  	_ =	shalt  }
0x7a: {  	_ =	shalt  }
0x7b: {  	_ =	shalt  }
0x7c: {  	_ =	shalt  }
0x7d: {  	_ =	shalt  }
0x7e: {  	_ =	shalt  }
0x7f: {  	_ =	shalt  }
0x80: {  	_ =	shalt  }
0x81: {  	_ =	shalt  }
0x82: {  	_ =	shalt  }
0x83: {  	_ =	shalt  }
0x84: {  	_ =	shalt  }
0x85: {  	_ =	shalt  }
0x86: {  	_ =	shalt  }
0x87: {  	_ =	shalt  }
.Lfunc_end0:
.L_simem_size_0:
called_computation.3_lowered:
.L_overlay_start_0:
0x88: {  	s2 =	sld [smem:$0x3FD9]  }
0x89: {  	s3 =	sld [smem:$0x3FFE];
	_ =	sdelay $0x1  }
0x8a: {  	s1 =	srdreg.scid  }
0x8b: {  	s0 =	sand.u32 $0x1, s1  }
0x8c: {  	s17 =	sshll.u32 s0, $0xA;
	s2 =	sadd.s32 s3, s2  }
0x8d: {  	s2 =	sadd.s32 s2, s17  }
0x8e: {  	[smem:$0x3FBF] =	sst s2  }
0x8f: {  	_ = 	snop  }
0x90: {  	s2 =	sld [smem:$0x3FD0];
	(tm) =	ssettm $0x1  }
0x91: {  	s18 =	sld [smem:$0x3FFB];
	_ =	sdelay $0x3  }
0x92: {  	_ =	strace s18  }
0x93: {  	s3 =	sld [smem:$0x3FFC];
	_ =	sdelay $0x3  }
0x94: {  	_ =	strace s3  }
0x95: {  	s3 =	sld [smem:$0x3FFD];
	_ =	sdelay $0x3  }
0x96: {  	_ =	strace s3  }
0x97: {  	_ =	strace $0x8FFFFFFF  }
0x98: {  	s19 =	sld [smem:$0x3FDB];
	_ =	sdelay $0x1  }
0x99: {  	s4 =	simm.s32 $_scs_section_size  }
0x9a: {  	s5 =	simm.s32 $_size__tile_overlayer_lowered;
	s6 =	simm.s32 $_tile_overlayer_lowered  }
0x9b: {  	s22 =	simm.s32 $0x1BFF;
	s21 =	sshll.u32 s6, $0x1;
	s3 =	sadd.s32 s4, s19  }
0x9c: {  	s7 =	simm.s32 $0x0;
	s20 =	sshll.u32 s5, $0x1;
	s5 =	sadd.s32 s21, s3  }
0x9d: {  	[timem:s7], [sflag:s22] =	dma.local [hbm:s5], s20  }
0x9e: {  	_ =	swait.ge [sflag:s22], s20  }
0x9f: {  	s4 =	ssub.s32 $0x0, s20;
	[sflag:s22] =	ssyncset.done $0x0  }
0xa0: {  	[sflag:s22] =	ssyncadd.s32 s4;
	_ =	sdelay $0x1  }
0xa1: {  	s23 =	simm.s32 $0x1B8B  }
0xa2: {  	_ =	swait.ge [sflag:s23], $0x1  }
0xa3: {  	[sflag:s23] =	ssyncset.done $0x0  }
0xa4: {  	s25 =	simm.s32 $0x1B8E;
	s24 =	sld [smem:$0x3FFE];
	[sflag:s23] =	ssyncadd.s32 $0xFFFFFFFF  }
0xa5: {  	s26 =	simm.s32 $execute0_lowered;
	[smem:$0x3FD2] =	sst s25  }
0xa6: {  	s5 =	sshll.u32 s26, $0x1;
	_ =	strace $0x8000004F;
	[dreg:$0x1] =	wrdreg $0xFFFFFFFF  }
0xa7: {  	s28 =	simm.s32 $_size_execute0_lowered;
	s3 =	sadd.s32 s3, s5;
	[dreg:$0x0] =	wrdreg $0x0  }
0xa8: {  	s5 =	sshll.u32 s28, $0x1;
	[dreg:$0x2] =	wrdreg s3  }
0xa9: {  	[dreg:$0x3] =	wrdreg s5  }
0xaa: {  	[dreg:$0x4] =	wrdreg $0xC0  }
0xab: {  	_ =	task [dreg:s7], $0x5FFFF  }
0xac: {  	[dreg:$0x1] =	wrdreg $0xFFFFFFFF  }
0xad: {  	[dreg:$0x0] =	wrdreg $0x60  }
0xae: {  	[dreg:$0x2] =	wrdreg s2  }
0xaf: {  	[dreg:$0x3] =	wrdreg s24  }
0xb0: {  	[dreg:$0x4] =	wrdreg $0x9  }
0xb1: {  	_ =	task.clear_ibuf [dreg:s7], $0x5FFFF;
	_ =	strace $0x9000004F  }
0xb2: {  	s29 =	simm.s32 $0x9;
	_ =	strace $0x80000051  }
0xb3: {  	_ =	swait.ge [sflag:s29], $0x1  }
0xb4: {  	[sflag:s29] =	ssyncadd.s32 $0xFFFFFFFF  }
0xb5: {  	_ =	strace $0x90000051  }
0xb6: {  	_ =	sfence  }
0xb7: {  	s30 =	sld [smem:$0x0];
	_ =	sdelay $0x2  }
0xb8: {  	s31 =	sshll.u32 s1, $0xD;
	s1 =	sshrl.u32 s1, $0x2  }
0xb9: {  	s3 =	sand.u32 $0x4000, s31;
	s1 =	sadd.s32 s1, s30  }
0xba: {  	s0 =	sor.u32 s3, s0;
	s1 =	sshll.u32 s1, $0x11  }
0xbb: {  	s0 =	sor.u32 s1, s0  }
0xbc: {  	s0 =	sadd.s32 $0x8F2B, s0  }
0xbd: {  	[sflag:s0] =	ssyncadd.remote.s32 $0x1  }
0xbe: {  	_ =	sfence.sel $0xFFFF  }
0xbf: {  	[dreg:$0x0] =	wrdreg $0xFFFFFFFF;
	(pc) =	sbr.abs _section_cstart, $3  }
0xc0: {  	[dreg:$0x1] =	wrdreg $0xFFFFFFFF  }
0xc1: {  	_ =	task.clear_ibuf [dreg:s7], $0x2FFFF;
	_ =	strace $0x9FFFFFFF  }
0xc2: {  	(tm) =	ssettm $0x7FFFFFFF  }
0xc3: {  	_ =	shalt  }
tec
execute0_lowered:
.L_overlay_start_1:
0x0: {  	(tag) =	ssettag $0x1  }
0x1: {  	s0 =	srdreg.scid;
	s2 =	rddreg [dreg:$0x0]  }
0x2: {  	s5 =	rddreg [dreg:$0x1];
	s1 =	stileid.u32  }
0x3: {  	s8 =	simm.s32 $0x1;
	s9 =	simm.s32 $0x13880;
	s4 =	sand.u32 $0x1, s0  }
0x4: {  	s10 =	simm.s32 $0x14500;
	s11 =	simm.s32 $0x15180;
	s3 =	sshll.u32 s4, $0x4  }
0x5: {  	s0 =	rddreg [dreg:$0x2];
	s4 =	ssub.s32 $0x2, s4;
	s6 =	sor.u32 s1, s3  }
0x6: {  	s3 =	simm.s32 $0x0;
	s7 =	sshrl.u32 s4, $0x1;
	s6 =	smul.u32 $0x190, s6  }
0x7: {  	s12 =	simm.s32 $0x0;
	[smem:$0x7FF] =	sst s3;
	s7 =	ssub.s32 s4, s7  }
0x8: {  	_ =	strace $0x80000050;
	s7 =	smax.u32 s7, $0x1;
	s6 =	sadd.s32 s6, s5  }
0x9: {  	s4 =	sadd.s32 $0x26A00, s6;
	s5 =	sadd.s32 $0x23800, s6;
	s6 =	sadd.s32 $0xE00, s6  }
.LBB2_1:
0xa: {  	[tilespmem:s3], [sflag:$0x1] =	stream.linear.gather [hbm4b:s2+s3], $0x13880, $0x38;
	[tilespmem:$0x15E00] =	vst v63  }
0xb: {  	_ =	swait.ge [sflag:s8], $0x13880  }
0xc: {  	[sflag:s8] =	ssyncset.done $0x0  }
0xd: {  	[sflag:s8] =	ssyncadd.s32 $0xFFFEC780  }
0xe: {  	[tilespmem:s9], [sflag:$0x1] =	stream.linear.gather [hbm4b:s4+s3], $0xC80, $0x38;
	[tilespmem:$0x15E00] =	vst v63  }
0xf: {  	_ =	swait.ge [sflag:s8], $0xC80  }
0x10: {  	[sflag:s8] =	ssyncset.done $0x0  }
0x11: {  	[sflag:s8] =	ssyncadd.s32 $0xFFFFF380  }
0x12: {  	[tilespmem:s10], [sflag:$0x1] =	stream.linear.gather [hbm4b:s5+s3], $0xC80, $0x38;
	[tilespmem:$0x15E00] =	vst v63  }
0x13: {  	_ =	swait.ge [sflag:s8], $0xC80  }
0x14: {  	[sflag:s8] =	ssyncset.done $0x0  }
0x15: {  	s13 =	simm.s32 $0x0;
	[sflag:s8] =	ssyncadd.s32 $0xFFFFF380  }
.LBB2_2:
0x16: {  	s14 =	sshra.s32 s13, $0x2  }
0x17: {  	v0 =	vld [tilespmem:s14+$0x13880]  }
0x18: {  	v1 =	vld [tilespmem:s14+$0x14500];
	_ =	sdelay $0x4  }
0x19: {  	v0 =	vshll.u32 v0, $0x3;
	v1 =	vshll.u32 v1, $0x3  }
0x1a: {  	v1 =	vor.u32 $0x1, v1;
	_ =	sdelay $0x3  }
0x1b: {  	v0 =	vld.idx.msk [tilespmem:v0+s3+$0x0], $0xffff  }
0x1c: {  	v1 =	vld.idx.msk [tilespmem:v1+s3+$0x0], $0xffff;
	_ =	sdelay $0x4  }
0x1d: {  	v0 =	vadd.f32 v1, v0;
	_ =	sdelay $0x1  }
0x1e: {  	v0 =	vsub.f32 $0.0e+00, v0;
	_ =	sdelay $0x1  }
0x1f: {  	v0 =	vmul.f32 $1.442695020e+00, v0;
	_ =	sdelay $0x1  }
0x20: {  	(erf) = vpow2.f32 v0;
	_ =	sdelay $0x8  }
0x21: {  	v0 =	vpop (erf)  }
0x22: {  	v0 =	vadd.f32 $1.000000000e+00, v0;
	_ =	sdelay $0x1  }
0x23: {  	v44 =	vld [tilespmem:s14+$0x13890];
	(erf) = vrcp.f32 v0  }
0x24: {  	v45 =	vld [tilespmem:s14+$0x14510];
	_ =	sdelay $0x4  }
0x25: {  	v1 =	vshll.u32 v45, $0x3;
	v0 =	vshll.u32 v44, $0x3  }
0x26: {  	v1 =	vor.u32 $0x1, v1;
	_ =	sdelay $0x1  }
0x27: {  	v2 =	vpop (erf)  }
0x28: {  	[tilespmem:s14+$0x15180] =	vst v2  }
0x29: {  	v0 =	vld.idx.msk [tilespmem:v0+s3+$0x0], $0xffff  }
0x2a: {  	v1 =	vld.idx.msk [tilespmem:v1+s3+$0x0], $0xffff;
	_ =	sdelay $0x4  }
0x2b: {  	v0 =	vadd.f32 v1, v0;
	_ =	sdelay $0x1  }
0x2c: {  	v0 =	vsub.f32 $0.0e+00, v0;
	_ =	sdelay $0x1  }
0x2d: {  	v0 =	vmul.f32 $1.442695020e+00, v0;
	_ =	sdelay $0x1  }
0x2e: {  	(erf) = vpow2.f32 v0;
	_ =	sdelay $0x8  }
0x2f: {  	v0 =	vpop (erf)  }
0x30: {  	v0 =	vadd.f32 $1.000000000e+00, v0;
	_ =	sdelay $0x1  }
0x31: {  	v46 =	vld [tilespmem:s14+$0x138A0];
	(erf) = vrcp.f32 v0  }
0x32: {  	v47 =	vld [tilespmem:s14+$0x14520];
	_ =	sdelay $0x4  }
0x33: {  	v1 =	vshll.u32 v47, $0x3;
	v0 =	vshll.u32 v46, $0x3  }
0x34: {  	v1 =	vor.u32 $0x1, v1;
	_ =	sdelay $0x1  }
0x35: {  	v48 =	vpop (erf)  }
0x36: {  	[tilespmem:s14+$0x15190] =	vst v48  }
0x37: {  	v0 =	vld.idx.msk [tilespmem:v0+s3+$0x0], $0xffff  }
0x38: {  	v1 =	vld.idx.msk [tilespmem:v1+s3+$0x0], $0xffff;
	_ =	sdelay $0x4  }
0x39: {  	v0 =	vadd.f32 v1, v0;
	_ =	sdelay $0x1  }
0x3a: {  	v0 =	vsub.f32 $0.0e+00, v0;
	_ =	sdelay $0x1  }
0x3b: {  	v0 =	vmul.f32 $1.442695020e+00, v0;
	_ =	sdelay $0x1  }
0x3c: {  	(erf) = vpow2.f32 v0;
	_ =	sdelay $0x8  }
0x3d: {  	v0 =	vpop (erf)  }
0x3e: {  	v0 =	vadd.f32 $1.000000000e+00, v0;
	_ =	sdelay $0x1  }
0x3f: {  	v49 =	vld [tilespmem:s14+$0x138B0];
	(erf) = vrcp.f32 v0  }
0x40: {  	v50 =	vld [tilespmem:s14+$0x14530];
	_ =	sdelay $0x4  }
0x41: {  	v1 =	vshll.u32 v50, $0x3;
	v0 =	vshll.u32 v49, $0x3  }
0x42: {  	v1 =	vor.u32 $0x1, v1;
	_ =	sdelay $0x1  }
0x43: {  	v51 =	vpop (erf)  }
0x44: {  	[tilespmem:s14+$0x151A0] =	vst v51  }
0x45: {  	v0 =	vld.idx.msk [tilespmem:v0+s3+$0x0], $0xffff  }
0x46: {  	v1 =	vld.idx.msk [tilespmem:v1+s3+$0x0], $0xffff;
	_ =	sdelay $0x4  }
0x47: {  	v0 =	vadd.f32 v1, v0;
	_ =	sdelay $0x1  }
0x48: {  	v0 =	vsub.f32 $0.0e+00, v0;
	_ =	sdelay $0x1  }
0x49: {  	v0 =	vmul.f32 $1.442695020e+00, v0;
	_ =	sdelay $0x1  }
0x4a: {  	(erf) = vpow2.f32 v0;
	_ =	sdelay $0x8  }
0x4b: {  	v0 =	vpop (erf)  }
0x4c: {  	v0 =	vadd.f32 $1.000000000e+00, v0;
	_ =	sdelay $0x1  }
0x4d: {  	v52 =	vld [tilespmem:s14+$0x138C0];
	(erf) = vrcp.f32 v0  }
0x4e: {  	v53 =	vld [tilespmem:s14+$0x14540];
	_ =	sdelay $0x4  }
0x4f: {  	v1 =	vshll.u32 v53, $0x3;
	v0 =	vshll.u32 v52, $0x3  }
0x50: {  	v1 =	vor.u32 $0x1, v1;
	_ =	sdelay $0x1  }
0x51: {  	v54 =	vpop (erf)  }
0x52: {  	[tilespmem:s14+$0x151B0] =	vst v54  }
0x53: {  	v0 =	vld.idx.msk [tilespmem:v0+s3+$0x0], $0xffff  }
0x54: {  	v1 =	vld.idx.msk [tilespmem:v1+s3+$0x0], $0xffff;
	_ =	sdelay $0x4  }
0x55: {  	v0 =	vadd.f32 v1, v0;
	_ =	sdelay $0x1  }
0x56: {  	v0 =	vsub.f32 $0.0e+00, v0;
	_ =	sdelay $0x1  }
0x57: {  	v0 =	vmul.f32 $1.442695020e+00, v0;
	_ =	sdelay $0x1  }
0x58: {  	(erf) = vpow2.f32 v0;
	_ =	sdelay $0x8  }
0x59: {  	v0 =	vpop (erf)  }
0x5a: {  	v0 =	vadd.f32 $1.000000000e+00, v0;
	_ =	sdelay $0x1  }
0x5b: {  	v55 =	vld [tilespmem:s14+$0x138D0];
	(erf) = vrcp.f32 v0  }
0x5c: {  	v56 =	vld [tilespmem:s14+$0x14550];
	_ =	sdelay $0x4  }
0x5d: {  	v1 =	vshll.u32 v56, $0x3;
	v0 =	vshll.u32 v55, $0x3  }
0x5e: {  	v1 =	vor.u32 $0x1, v1;
	_ =	sdelay $0x1  }
0x5f: {  	v57 =	vpop (erf)  }
0x60: {  	[tilespmem:s14+$0x151C0] =	vst v57  }
0x61: {  	v0 =	vld.idx.msk [tilespmem:v0+s3+$0x0], $0xffff  }
0x62: {  	v1 =	vld.idx.msk [tilespmem:v1+s3+$0x0], $0xffff;
	_ =	sdelay $0x4  }
0x63: {  	v0 =	vadd.f32 v1, v0;
	_ =	sdelay $0x1  }
0x64: {  	v0 =	vsub.f32 $0.0e+00, v0;
	_ =	sdelay $0x1  }
0x65: {  	v0 =	vmul.f32 $1.442695020e+00, v0;
	_ =	sdelay $0x1  }
0x66: {  	(erf) = vpow2.f32 v0;
	_ =	sdelay $0x8  }
0x67: {  	v0 =	vpop (erf)  }
0x68: {  	v0 =	vadd.f32 $1.000000000e+00, v0;
	_ =	sdelay $0x1  }
0x69: {  	v58 =	vld [tilespmem:s14+$0x138E0];
	(erf) = vrcp.f32 v0  }
0x6a: {  	v59 =	vld [tilespmem:s14+$0x14560];
	_ =	sdelay $0x4  }
0x6b: {  	v1 =	vshll.u32 v59, $0x3;
	v0 =	vshll.u32 v58, $0x3  }
0x6c: {  	v1 =	vor.u32 $0x1, v1;
	_ =	sdelay $0x1  }
0x6d: {  	v60 =	vpop (erf)  }
0x6e: {  	[tilespmem:s14+$0x151D0] =	vst v60  }
0x6f: {  	v0 =	vld.idx.msk [tilespmem:v0+s3+$0x0], $0xffff  }
0x70: {  	v1 =	vld.idx.msk [tilespmem:v1+s3+$0x0], $0xffff;
	_ =	sdelay $0x4  }
0x71: {  	v0 =	vadd.f32 v1, v0;
	_ =	sdelay $0x1  }
0x72: {  	v0 =	vsub.f32 $0.0e+00, v0;
	_ =	sdelay $0x1  }
0x73: {  	v0 =	vmul.f32 $1.442695020e+00, v0;
	_ =	sdelay $0x1  }
0x74: {  	(erf) = vpow2.f32 v0;
	_ =	sdelay $0x8  }
0x75: {  	v0 =	vpop (erf)  }
0x76: {  	v0 =	vadd.f32 $1.000000000e+00, v0;
	_ =	sdelay $0x1  }
0x77: {  	v61 =	vld [tilespmem:s14+$0x138F0];
	(erf) = vrcp.f32 v0  }
0x78: {  	v62 =	vld [tilespmem:s14+$0x14570];
	_ =	sdelay $0x4  }
0x79: {  	v1 =	vshll.u32 v62, $0x3;
	v0 =	vshll.u32 v61, $0x3  }
0x7a: {  	v1 =	vor.u32 $0x1, v1;
	_ =	sdelay $0x1  }
0x7b: {  	v63 =	vpop (erf)  }
0x7c: {  	[tilespmem:s14+$0x151E0] =	vst v63  }
0x7d: {  	v0 =	vld.idx.msk [tilespmem:v0+s3+$0x0], $0xffff  }
0x7e: {  	v1 =	vld.idx.msk [tilespmem:v1+s3+$0x0], $0xffff;
	_ =	sdelay $0x4  }
0x7f: {  	v0 =	vadd.f32 v1, v0;
	_ =	sdelay $0x1  }
0x80: {  	v0 =	vsub.f32 $0.0e+00, v0;
	_ =	sdelay $0x1  }
0x81: {  	v0 =	vmul.f32 $1.442695020e+00, v0;
	_ =	sdelay $0x1  }
0x82: {  	(erf) = vpow2.f32 v0;
	_ =	sdelay $0x8  }
0x83: {  	v0 =	vpop (erf)  }
0x84: {  	v0 =	vadd.f32 $1.000000000e+00, v0;
	_ =	sdelay $0x1  }
0x85: {  	(erf) = vrcp.f32 v0;
	_ =	sdelay $0x4  }
0x86: {  	p0 =	sne.s32 s13, $0x3000  }
.Ltmp0:
0x87: {  	_ = 	snop;
	(pc) =	sbr.rel @p0 .LBB2_2-.Ltmp0, $3  }
0x88: {  	_ =	sdelay $0x1  }
0x89: {  	v0 =	vpop (erf)  }
0x8a: {  	s13 =	sadd.s32 $0x200, s13;
	[tilespmem:s14+$0x151F0] =	vst v0  }
0x8b: {  	s12 =	sadd.s32 $0x1, s12  }
0x8c: {  	p0 =	sne.s32 s12, s7  }
.Ltmp1:
0x8d: {  	_ = 	snop;
	(pc) =	sbr.rel @p0 .LBB2_1-.Ltmp1, $4  }
0x8e: {  	[hbm4b:s6+s3] =	stream.linear.scatter [tilespmem:s11], [sflag:$0x1], $0xC80, $0x38;
	[tilespmem:$0x15E00] =	vst v63  }
0x8f: {  	_ =	swait.ge [sflag:s8], $0xC80  }
0x90: {  	[sflag:s8] =	ssyncset.done $0x0  }
0x91: {  	[sflag:s8] =	ssyncadd.s32 $0xFFFFF380  }
0x92: {  	_ =	sfence.sel $0x180000  }
0x93: {  	[bflag:$0x0] =	sbarrier.arrive $0xFFFF  }
0x94: {  	p0 =	sne.s32 s1, $0x0;
	_ =	strace $0x90000050  }
0x95: {  	s0 =	sadd.s32 @!p0 $0x100000, s0;
	[bflag:$0x2] =	sbarrier.arrive $0xFFFF  }
0x96: {  	[sflag:s0] =	ssyncadd.tile.s32 @!p0 $0x1;
	_ =	shalt  }
.Lfunc_end2:
_tile_overlayer_lowered:
.L_overlay_start_2:
0x97: {  	(tag) =	ssettag $0x2  }
0x98: {  	s0 =	rddreg [dreg:$0x0];
	s2 =	stileid.u32  }
0x99: {  	s1 =	rddreg [dreg:$0x1];
	p0 =	sne.s32 s2, $0x0  }
0x9a: {  	s3 =	rddreg [dreg:$0x2];
	[bflag:$0x3] =	sbarrier.arrive $0xFFFF;
	s2 =	simm.s32 @!p0 $0x1C01  }
0x9b: {  	[timem:s3], [sflag:s2] =	dma.local @!p0 [hbm:s0], s1  }
0x9c: {  	s0 =	simm.s32 @!p0 $0x1  }
0x9d: {  	_ =	swait.ge @!p0 [sflag:s0], s1  }
0x9e: {  	s1 =	ssub.s32 @!p0 $0x0, s1;
	[sflag:s0] =	ssyncset.done @!p0 $0x0  }
0x9f: {  	[sflag:s0] =	ssyncadd.s32 @!p0 s1  }
0xa0: {  	[bflag:$0x3] =	sbarrier.arrive $0xFFFF  }
0xa1: {  	_ =	shalt  }

</sc_bundles>
